<compile_context>
chip_gen: v7x
topology: tpu7x:2x2x1
jax: 0.10.2.dev20260603
libtpu: 0.0.44.dev20260713+nightly
codegen_flags: <defaults>
</compile_context>

<pallas_src>
import functools

import jax
import jax.numpy as jnp
from jax import lax
from jax.experimental import pallas as pl
from jax.experimental.pallas import tpu as pltpu
from jax.experimental.pallas import tpu_sc as plsc

_NC, _NS, _L = 2, 16, 16
_NW = _NC * _NS
_K = 32
_R2 = 0.04000000000000001
_TW = 128



def _fps_body(pos3_ref, out_ref, dist_ref):
    RB = dist_ref.shape[0]
    SB = out_ref.shape[0]
    posx = pos3_ref[0]
    posy = pos3_ref[1]
    posz = pos3_ref[2]
    lin = (lax.broadcasted_iota(jnp.int32, (RB, 128), 0) * 128
           + lax.broadcasted_iota(jnp.int32, (RB, 128), 1))
    lin_o = (lax.broadcasted_iota(jnp.int32, (SB, 128), 0) * 128
             + lax.broadcasted_iota(jnp.int32, (SB, 128), 1))
    dist_ref[...] = jnp.full((RB, 128), jnp.inf, jnp.float32)
    out_ref[...] = jnp.zeros((SB, 128), jnp.int32)

    lane = lax.broadcasted_iota(jnp.int32, (1, 128), 1)

    def body(i, last):
        r = lax.shift_right_logical(last, 7)
        c = last & 127
        lm = lane == c
        px = jnp.sum(jnp.where(lm, pos3_ref[0, pl.ds(r, 1), :], 0.0))
        py = jnp.sum(jnp.where(lm, pos3_ref[1, pl.ds(r, 1), :], 0.0))
        pz = jnp.sum(jnp.where(lm, pos3_ref[2, pl.ds(r, 1), :], 0.0))
        dx = posx - px
        dy = posy - py
        dz = posz - pz
        d = dx * dx + dy * dy + dz * dz
        dm = jnp.minimum(dist_ref[...], d)
        dist_ref[...] = dm
        m = jnp.max(dm)
        li = jnp.min(jnp.where(dm == m, lin, jnp.int32(2147483647)))
        out_ref[...] = jnp.where(lin_o == i, li, out_ref[...])
        return li

    lax.fori_loop(1, SB * 128, body, jnp.int32(0))


def _fps_pallas(pos, n_samples):
    N = pos.shape[0]
    RB = N // 128
    SB = n_samples // 128
    pos3 = pos.T.reshape(3, RB, 128)
    out = pl.pallas_call(
        _fps_body,
        out_shape=jax.ShapeDtypeStruct((SB, 128), jnp.int32),
        scratch_shapes=[pltpu.VMEM((RB, 128), jnp.float32)],
    )(pos3)
    return out.reshape(n_samples)



def _prep_body(x_ref, pn_ref, w_ref, t_ref):
    blk = x_ref.shape[0]
    xb = x_ref[...].astype(jnp.bfloat16)
    w = w_ref[...].astype(jnp.bfloat16)
    xe = lax.dot_general(xb, w, (((1,), (0,)), ((), ())),
                         preferred_element_type=jnp.float32)
    t_ref[...] = jnp.concatenate(
        [xe, pn_ref[...], jnp.zeros((blk, _TW - 72), jnp.float32)], axis=1)


def _prep_pallas(x, pn, w1a):
    N, DF = x.shape
    blk = 2048
    grid = N // blk
    return pl.pallas_call(
        _prep_body,
        grid=(grid,),
        in_specs=[
            pl.BlockSpec((blk, DF), lambda i: (i, 0)),
            pl.BlockSpec((blk, 8), lambda i: (i, 0)),
            pl.BlockSpec((DF, 64), lambda i: (0, 0)),
        ],
        out_specs=pl.BlockSpec((blk, _TW), lambda i: (i, 0)),
        out_shape=jax.ShapeDtypeStruct((N, _TW), jnp.float32),
    )(x, pn, w1a)



def _bf16r(v):
    u = lax.bitcast_convert_type(v, jnp.int32)
    lsb = lax.shift_right_logical(u, 16) & 1
    r = (u + 32767 + lsb) & jnp.int32(-65536)
    return lax.bitcast_convert_type(r, jnp.float32)


def _radius_sc(posx, posy, posz, idx):
    N = posx.shape[0]
    S = idx.shape[0]
    QW = S // _NW
    CH = N // _L
    mesh = plsc.VectorSubcoreMesh(core_axis_name="c", subcore_axis_name="s")

    @functools.partial(
        pl.kernel,
        out_type=(jax.ShapeDtypeStruct((_K, S), jnp.int32),
                  jax.ShapeDtypeStruct((S * _K,), jnp.int32)),
        mesh=mesh,
        compiler_params=pltpu.CompilerParams(needs_layout_passes=False),
        scratch_types=[
            pltpu.VMEM((N + _L,), jnp.float32),
            pltpu.VMEM((N + _L,), jnp.float32),
            pltpu.VMEM((N + _L,), jnp.float32),
            pltpu.VMEM((N + _L,), jnp.float32),
            pltpu.VMEM((QW + _L,), jnp.int32),
            pltpu.VMEM((QW * 64,), jnp.int32),
            pltpu.VMEM((QW * _K,), jnp.int32),
            pltpu.VMEM((_K, QW), jnp.int32),
        ],
    )
    def k(posx_h, posy_h, posz_h, idx_h, nbrt_h, valid_h,
          px_v, py_v, pz_v, sp_v, idx_v, nbr_v, val_v, nbrt_v):
        wid = lax.axis_index("s") * _NC + lax.axis_index("c")
        pltpu.sync_copy(posx_h, px_v.at[pl.ds(0, N)])
        pltpu.sync_copy(posy_h, py_v.at[pl.ds(0, N)])
        pltpu.sync_copy(posz_h, pz_v.at[pl.ds(0, N)])
        pltpu.sync_copy(idx_h.at[pl.ds(wid * QW, QW)],
                        idx_v.at[pl.ds(0, QW)])
        iota = lax.iota(jnp.int32, _L)

        def pre(c, _):
            s = pl.ds(c * _L, _L)
            px = px_v[s]
            py = py_v[s]
            pz = pz_v[s]
            sp_v[s] = (px * px + py * py) + pz * pz
            px_v[s] = _bf16r(px)
            py_v[s] = _bf16r(py)
            pz_v[s] = _bf16r(pz)
            return 0

        lax.fori_loop(0, CH, pre, 0)

        def per_query(q, _):
            qi = idx_v[pl.ds(q, _L)][0]
            qxb = jnp.full((_L,), px_v[pl.ds(qi, _L)][0])
            qyb = jnp.full((_L,), py_v[pl.ds(qi, _L)][0])
            qzb = jnp.full((_L,), pz_v[pl.ds(qi, _L)][0])
            sqb = jnp.full((_L,), sp_v[pl.ds(qi, _L)][0])

            def cond(st):
                c, cnt = st
                return jnp.logical_and(cnt < _K, c < CH)

            def body(st):
                c, cnt = st
                s = pl.ds(c * _L, _L)
                px = px_v[s]
                py = py_v[s]
                pz = pz_v[s]
                sp = sp_v[s]
                dot = (qxb * px + qyb * py) + qzb * pz
                d2 = (sqb + sp) - 2.0 * dot
                m = d2 <= _R2
                pid = c * _L + iota
                plsc.store_compressed(
                    nbr_v.at[pl.ds(q * 64 + cnt, _L)], pid, mask=m)
                pc = plsc.all_reduce_population_count(m)
                return c + 1, cnt + pc[0]

            _, cnt = lax.while_loop(cond, body,
                                    (jnp.int32(0), jnp.int32(0)))
            cntq = jnp.minimum(cnt, _K)
            n0 = jnp.where(iota < cntq, nbr_v[pl.ds(q * 64, _L)], 0)
            n1 = jnp.where(iota + _L < cntq,
                           nbr_v[pl.ds(q * 64 + _L, _L)], 0)
            val_v[pl.ds(q * _K, _L)] = (iota < cntq).astype(jnp.int32)
            val_v[pl.ds(q * _K + _L, _L)] = \
                (iota + _L < cntq).astype(jnp.int32)
            qf = jnp.full((_L,), q)
            plsc.store_scatter(nbrt_v, [iota, qf], n0)
            plsc.store_scatter(nbrt_v, [iota + _L, qf], n1)
            return 0

        lax.fori_loop(0, QW, per_query, 0)
        pltpu.sync_copy(val_v, valid_h.at[pl.ds(wid * QW * _K, QW * _K)])

        def wr(j, _):
            pltpu.sync_copy(nbrt_v.at[j], nbrt_h.at[j, pl.ds(wid * QW, QW)])
            return 0

        lax.fori_loop(0, _K, wr, 0)

    return k(posx, posy, posz, idx)



def _gather_sc(table, nbrt, idx):
    N = table.shape[0]
    S = idx.shape[0]
    QW = S // _NW
    mesh = plsc.VectorSubcoreMesh(core_axis_name="c", subcore_axis_name="s")

    @functools.partial(
        pl.kernel,
        out_type=(jax.ShapeDtypeStruct((S * _K, _TW), jnp.float32),
                  jax.ShapeDtypeStruct((S, _TW), jnp.float32),
                  jax.ShapeDtypeStruct((6, _K, S), jnp.float32),
                  jax.ShapeDtypeStruct((6, S), jnp.float32)),
        mesh=mesh,
        compiler_params=pltpu.CompilerParams(needs_layout_passes=False),
        scratch_types=[
            pltpu.VMEM((QW,), jnp.int32),
            pltpu.VMEM((QW, _TW), jnp.float32),
            pltpu.VMEM((6, _K, QW), jnp.float32),
            pltpu.VMEM((6, QW), jnp.float32),
            pltpu.SemaphoreType.DMA,
        ],
    )
    def k(t_h, nbrt_h, idx_h, e_h, qe_h, geo_h, qgeo_h,
          idx_v, rows_v, geo_v, qgeo_v, sem):
        wid = lax.axis_index("s") * _NC + lax.axis_index("c")
        iota = lax.iota(jnp.int32, _L)
        pltpu.sync_copy(idx_h.at[pl.ds(wid * QW, QW)], idx_v)
        pltpu.async_copy(t_h.at[idx_v], rows_v, sem).wait()
        pltpu.sync_copy(rows_v, qe_h.at[pl.ds(wid * QW, QW)])

        def per_tq(t, _):
            rows16 = iota + t * _L
            for c in range(6):
                g = plsc.load_gather(rows_v,
                                     [rows16, jnp.full((_L,), 64 + c)])
                qgeo_v[c, pl.ds(t * _L, _L)] = g
            return 0

        lax.fori_loop(0, QW // _L, per_tq, 0)
        pltpu.sync_copy(qgeo_v, qgeo_h.at[:, pl.ds(wid * QW, QW)])

        def per_j(j, _):
            pltpu.sync_copy(nbrt_h.at[j, pl.ds(wid * QW, QW)], idx_v)
            pltpu.async_copy(t_h.at[idx_v], rows_v, sem).wait()
            cp = pltpu.async_copy(
                rows_v, e_h.at[pl.ds(wid * _K * QW + j * QW, QW)], sem)

            def per_t(t, _):
                rows16 = iota + t * _L
                for c in range(6):
                    g = plsc.load_gather(rows_v,
                                         [rows16, jnp.full((_L,), 64 + c)])
                    geo_v[c, j, pl.ds(t * _L, _L)] = g
                return 0

            lax.fori_loop(0, QW // _L, per_t, 0)
            cp.wait()
            return 0

        lax.fori_loop(0, _K, per_j, 0)
        for c in range(6):
            pltpu.sync_copy(geo_v.at[c], geo_h.at[c, :, pl.ds(wid * QW, QW)])

    return k(table, nbrt, idx)



def _angle3(ax, ay, az, bx, by, bz):
    cx = ay * bz - az * by
    cy = az * bx - ax * bz
    cz = ax * by - ay * bx
    cn = jnp.sqrt((cx * cx + cy * cy) + cz * cz)
    d = (ax * bx + ay * by) + az * bz
    return jnp.arctan2(cn, d)


def _mlp_body(e_ref, geo_ref, qgeo_ref, val_ref, w1b_ref, b1_ref, w2_ref,
              b2_ref, w3_ref, b3_ref, out_ref):
    BQ = out_ref.shape[0]
    val = val_ref[...]
    w1b = w1b_ref[...].astype(jnp.bfloat16)
    w2 = w2_ref[...].astype(jnp.bfloat16)
    w3 = w3_ref[...].astype(jnp.bfloat16)
    b1 = b1_ref[...]
    b2 = b2_ref[...]
    b3 = b3_ref[...]
    qg = qgeo_ref[...]
    qpx = qg[0:1]
    qpy = qg[1:2]
    qpz = qg[2:3]
    qnx = qg[3:4]
    qny = qg[4:5]
    qnz = qg[5:6]
    gx = geo_ref[0]
    gy = geo_ref[1]
    gz = geo_ref[2]
    njx = geo_ref[3]
    njy = geo_ref[4]
    njz = geo_ref[5]
    dx = gx - qpx
    dy = gy - qpy
    dz = gz - qpz
    f1 = jnp.sqrt((dx * dx + dy * dy) + dz * dz)
    f2 = _angle3(qnx, qny, qnz, dx, dy, dz)
    f3 = _angle3(njx, njy, njz, dx, dy, dz)
    f4 = _angle3(qnx, qny, qnz, njx, njy, njz)
    pall = jnp.concatenate([f1, f2, f3, f4], axis=0)
    pt = jnp.transpose(pall)
    acc = jnp.full((BQ, 128), -jnp.inf, jnp.float32)
    dn = (((1,), (0,)), ((), ()))
    for j in range(_K):
        xe = e_ref[pl.ds(j * BQ, BQ), :][:, 0:64]
        ppf = jnp.concatenate(
            [pt[:, j:j + 1], pt[:, _K + j:_K + j + 1],
             pt[:, 2 * _K + j:2 * _K + j + 1],
             pt[:, 3 * _K + j:3 * _K + j + 1]],
            axis=1).astype(jnp.bfloat16)
        dot4 = lax.dot_general(ppf, w1b, dn,
                               preferred_element_type=jnp.float32)
        h1 = jax.nn.relu((xe + dot4) + b1)
        h2 = jax.nn.relu(
            lax.dot_general(h1.astype(jnp.bfloat16), w2, dn,
                            preferred_element_type=jnp.float32) + b2)
        h3 = lax.dot_general(h2.astype(jnp.bfloat16), w3, dn,
                             preferred_element_type=jnp.float32) + b3
        vj = val[:, j:j + 1] > 0
        acc = jnp.maximum(acc, jnp.where(vj, h3, -jnp.inf))
    out_ref[...] = acc


def _mlp_pallas(e, geo, qgeo, valid, w1b, b1, w2, b2, w3, b3):
    S = qgeo.shape[1]
    BQ = 128
    grid = S // BQ
    return pl.pallas_call(
        _mlp_body,
        grid=(grid,),
        in_specs=[
            pl.BlockSpec((_K * BQ, _TW), lambda i: (i, 0)),
            pl.BlockSpec((6, _K, BQ), lambda i: (0, 0, i)),
            pl.BlockSpec((6, BQ), lambda i: (0, i)),
            pl.BlockSpec((BQ, _K), lambda i: (i, 0)),
            pl.BlockSpec((4, 64), lambda i: (0, 0)),
            pl.BlockSpec((1, 64), lambda i: (0, 0)),
            pl.BlockSpec((64, 64), lambda i: (0, 0)),
            pl.BlockSpec((1, 64), lambda i: (0, 0)),
            pl.BlockSpec((64, 128), lambda i: (0, 0)),
            pl.BlockSpec((1, 128), lambda i: (0, 0)),
        ],
        out_specs=pl.BlockSpec((BQ, 128), lambda i: (i, 0)),
        out_shape=jax.ShapeDtypeStruct((S, 128), jnp.float32),
    )(e, geo, qgeo, valid, w1b, b1, w2, b2, w3, b3)



def kernel(x, pos, norm, batch, W1, b1, W2, b2, W3, b3):
    N = pos.shape[0]
    S = N // 4

    idx = _fps_pallas(pos, S)

    batchf = lax.bitcast_convert_type(batch, jnp.float32).reshape(N, 1)
    pn = jnp.concatenate(
        [pos, norm, batchf, jnp.zeros((N, 1), jnp.float32)], axis=1)
    table = _prep_pallas(x, pn, W1[:64])

    post = pos.T
    posx, posy, posz = post[0], post[1], post[2]
    nbrt, valid = _radius_sc(posx, posy, posz, idx)

    e, qe, geo, qgeo = _gather_sc(table, nbrt, idx)

    out = _mlp_pallas(e, geo, qgeo, valid.reshape(S, _K), W1[64:68],
                      b1.reshape(1, 64), W2, b2.reshape(1, 64),
                      W3, b3.reshape(1, 128))

    pos_q = qe[:, 64:67]
    norm_q = qe[:, 67:70]
    batch_q = lax.bitcast_convert_type(qe[:, 70], jnp.int32)
    return (out, pos_q, norm_q, batch_q)

# --- scband reference (transcript-rebuilt; emitter-appended) ---
"""Pipeline reference for scband-samodule-721554506012 (READ-ONLY COPY).

The authoritative reference and input builder live on the scoring server;
editing this copy changes nothing except your own understanding.
"""

import jax, jax.numpy as jnp
import numpy as np

RATIO = 0.25
R = 0.2
MAX_NEIGH = 32
N_POINTS = 16384
D_FEAT = 64


def setup_inputs(seed: int = 0):
    key = jax.random.key(seed)
    ks = jax.random.split(key, 6)
    x = jax.random.normal(ks[0], (N_POINTS, D_FEAT), dtype=jnp.float32)
    pos = jax.random.uniform(ks[1], (N_POINTS, 3), dtype=jnp.float32)
    norm = jax.random.normal(ks[2], (N_POINTS, 3), dtype=jnp.float32)
    norm = norm / (jnp.linalg.norm(norm, axis=-1, keepdims=True) + 1e-12)
    batch = jnp.zeros((N_POINTS,), dtype=jnp.int32)
    def lin(k, fi, fo):
        return jax.random.normal(k, (fi, fo), dtype=jnp.float32) / np.sqrt(fi)
    W1 = lin(ks[3], D_FEAT + 4, 64); b1 = jnp.zeros((64,), jnp.float32)
    W2 = lin(ks[4], 64, 64); b2 = jnp.zeros((64,), jnp.float32)
    W3 = lin(ks[5], 64, 128); b3 = jnp.zeros((128,), jnp.float32)
    return {"x": x, "pos": pos, "norm": norm, "batch": batch,
            "W1": W1, "b1": b1, "W2": W2, "b2": b2, "W3": W3, "b3": b3}


def _fps(pos, n_samples):
    N = pos.shape[0]
    idxs = jnp.zeros((n_samples,), dtype=jnp.int32)
    dists = jnp.full((N,), jnp.inf, dtype=jnp.float32)
    def body(i, state):
        d_, id_ = state
        last = id_[i - 1]
        d = jnp.sum((pos - pos[last]) ** 2, axis=-1)
        d_ = jnp.minimum(d_, d)
        id_ = id_.at[i].set(jnp.argmax(d_).astype(jnp.int32))
        return (d_, id_)
    _, idxs = jax.lax.fori_loop(1, n_samples, body, (dists, idxs))
    return idxs


def _radius(pos, pos_q, r, max_k):
    N = pos.shape[0]
    d2 = (jnp.sum(pos_q ** 2, -1)[:, None] + jnp.sum(pos ** 2, -1)[None, :]
          - 2.0 * pos_q @ pos.T)
    mask = d2 <= r * r
    cand = jnp.where(mask, jnp.arange(N, dtype=jnp.int32)[None, :], N)
    nbr = -jax.lax.top_k(-cand, max_k)[0]
    valid = nbr < N
    return jnp.where(valid, nbr, 0).astype(jnp.int32), valid


def _angle(v1, v2):
    cr = jnp.cross(v1, v2)
    return jnp.arctan2(jnp.linalg.norm(cr, axis=-1), jnp.sum(v1 * v2, axis=-1))


def _ppf(pos_i, pos_j, n_i, n_j):
    pseudo = pos_j - pos_i
    return jnp.stack([jnp.linalg.norm(pseudo, axis=-1),
                      _angle(jnp.broadcast_to(n_i, pseudo.shape), pseudo),
                      _angle(n_j, pseudo),
                      _angle(jnp.broadcast_to(n_i, n_j.shape), n_j)], axis=-1)


def reference(x, pos, norm, batch, W1, b1, W2, b2, W3, b3):
    n_samples = int(round(N_POINTS * RATIO))
    idx = _fps(pos, n_samples)
    pos_q, norm_q = pos[idx], norm[idx]
    nbr, valid = _radius(pos, pos_q, R, MAX_NEIGH)
    feats = _ppf(pos_q[:, None, :], pos[nbr], norm_q[:, None, :], norm[nbr])
    msg = jnp.concatenate([x[nbr], feats], axis=-1)
    h = jax.nn.relu(msg @ W1 + b1)
    h = jax.nn.relu(h @ W2 + b2)
    h = h @ W3 + b3
    h = jnp.where(valid[..., None], h, -jnp.inf)
    out = jnp.max(h, axis=1)
    return (out, pos_q, norm_q, batch[idx])

if __name__ == "__main__":
    import jax
    _d = setup_inputs()
    print(jax.jit(kernel)(*tuple(_d.values())))

</pallas_src>

<mosaic_0001>
#map = affine_map<(d0, d1) -> (0, 0)>
#map1 = affine_map<(d0, d1) -> (0)>
#map2 = affine_map<(d0, d1) -> (0, 0, 0)>
module attributes {stable_mosaic.version = 14 : i64} {
  func.func @k(%arg0: i32, %arg1: i32, %arg2: memref<16384x128xf32, #tpu.memory_space<hbm>>, %arg3: memref<32x4096xi32, #tpu.memory_space<hbm>>, %arg4: memref<4096xi32, #tpu.memory_space<hbm>>, %arg5: memref<131072x128xf32, #tpu.memory_space<hbm>>, %arg6: memref<4096x128xf32, #tpu.memory_space<hbm>>, %arg7: memref<6x32x4096xf32, #tpu.memory_space<hbm>>, %arg8: memref<6x4096xf32, #tpu.memory_space<hbm>>, %arg9: memref<128xi32, #tpu.memory_space<vmem>>, %arg10: memref<128x128xf32, #tpu.memory_space<vmem>>, %arg11: memref<6x32x128xf32, #tpu.memory_space<vmem>>, %arg12: memref<6x128xf32, #tpu.memory_space<vmem>>, %arg13: memref<!tpu.dma_semaphore, #tpu.memory_space<semaphore_mem>>) attributes {dimension_semantics = [#tpu.dimension_semantics<core_parallel>, #tpu.dimension_semantics<subcore_parallel>], iteration_bounds = array<i64: 2, 16>, scalar_prefetch = 0 : i64, scratch_operands = 5 : i64, tpu.core_type = #tpu.core_type<sc_vector_subcore>, window_params = [{transform_indices = #map}, {transform_indices = #map}, {transform_indices = #map1}, {transform_indices = #map}, {transform_indices = #map}, {transform_indices = #map2}, {transform_indices = #map}]} {
    %mul3A = arith.constant 2 : i32
    %mul3A_0 = arith.muli %arg1, %mul3A : i32
    %add3A = arith.addi %mul3A_0, %arg0 : i32
    %iota3A = tpu.iota {dimensions = array<i32: 0>} : vector<16xi32>
    %mul3A_1 = arith.constant 128 : i32
    %mul3A_2 = arith.muli %add3A, %mul3A_1 : i32
    "tpu.region"() ({
      %run_scoped3A_47 = tpu.sem_alloc : memref<!tpu.dma_semaphore, #tpu.memory_space<semaphore_mem>>
      %dma_start3A_48 = tpu.memref_slice %arg4[%mul3A_2] : memref<4096xi32, #tpu.memory_space<hbm>> -> memref<128xi32, #tpu.memory_space<hbm>>
      %dma_start3A_49 = tpu.memref_slice %arg4[%mul3A_2] : memref<4096xi32, #tpu.memory_space<hbm>> -> memref<128xi32, #tpu.memory_space<hbm>>
      tpu.enqueue_dma source(%dma_start3A_49 : memref<128xi32, #tpu.memory_space<hbm>>) target(%arg9 : memref<128xi32, #tpu.memory_space<vmem>>) target_semaphore(%run_scoped3A_47 : memref<!tpu.dma_semaphore, #tpu.memory_space<semaphore_mem>>)
      %dma_wait3A_50 = tpu.memref_slice %arg4[%mul3A_2] : memref<4096xi32, #tpu.memory_space<hbm>> -> memref<128xi32, #tpu.memory_space<hbm>>
      %dma_wait3A_51 = tpu.memref_slice %arg4[%mul3A_2] : memref<4096xi32, #tpu.memory_space<hbm>> -> memref<128xi32, #tpu.memory_space<hbm>>
      tpu.wait_dma2 semaphore(%run_scoped3A_47 : memref<!tpu.dma_semaphore, #tpu.memory_space<semaphore_mem>>) src(%dma_wait3A_51 : memref<128xi32, #tpu.memory_space<hbm>>) dst(%arg9 : memref<128xi32, #tpu.memory_space<vmem>>)
      tpu.yield
    }) : () -> ()
    %dma_start3A = arith.constant 0 : i32
    %dma_start3A_3 = arith.constant 0 : i32
    %dma_start3A_4 = tpu.memref_slice %arg2[%dma_start3A, %dma_start3A_3] : memref<16384x128xf32, #tpu.memory_space<hbm>> -> memref<16384x128xf32, #tpu.memory_space<hbm>>
    tpu.enqueue_indirect_dma source(%dma_start3A_4 : memref<16384x128xf32, #tpu.memory_space<hbm>>) target(%arg10 : memref<128x128xf32, #tpu.memory_space<vmem>>) offsets(%arg9 : memref<128xi32, #tpu.memory_space<vmem>>) semaphore(%arg13 : memref<!tpu.dma_semaphore, #tpu.memory_space<semaphore_mem>>)
    %dma_wait3A = arith.constant 0 : i32
    %dma_wait3A_5 = arith.constant 0 : i32
    %dma_wait3A_6 = tpu.memref_slice %arg2[%dma_wait3A, %dma_wait3A_5] : memref<16384x128xf32, #tpu.memory_space<hbm>> -> memref<16384x128xf32, #tpu.memory_space<hbm>>
    tpu.wait_indirect_dma semaphore(%arg13 : memref<!tpu.dma_semaphore, #tpu.memory_space<semaphore_mem>>) src(%dma_wait3A_6 : memref<16384x128xf32, #tpu.memory_space<hbm>>) dst(%arg10 : memref<128x128xf32, #tpu.memory_space<vmem>>)
    %mul3A_7 = arith.constant 128 : i32
    %mul3A_8 = arith.muli %add3A, %mul3A_7 : i32
    "tpu.region"() ({
      %run_scoped3A_47 = tpu.sem_alloc : memref<!tpu.dma_semaphore, #tpu.memory_space<semaphore_mem>>
      %dma_start3A_48 = arith.constant 0 : i32
      %dma_start3A_49 = tpu.memref_slice %arg6[%mul3A_8, %dma_start3A_48] : memref<4096x128xf32, #tpu.memory_space<hbm>> -> memref<128x128xf32, #tpu.memory_space<hbm>>
      %dma_start3A_50 = arith.constant 0 : i32
      %dma_start3A_51 = tpu.memref_slice %arg6[%mul3A_8, %dma_start3A_50] : memref<4096x128xf32, #tpu.memory_space<hbm>> -> memref<128x128xf32, #tpu.memory_space<hbm>>
      tpu.enqueue_dma source(%arg10 : memref<128x128xf32, #tpu.memory_space<vmem>>) target(%dma_start3A_51 : memref<128x128xf32, #tpu.memory_space<hbm>>) target_semaphore(%run_scoped3A_47 : memref<!tpu.dma_semaphore, #tpu.memory_space<semaphore_mem>>)
      %dma_wait3A_52 = arith.constant 0 : i32
      %dma_wait3A_53 = tpu.memref_slice %arg6[%mul3A_8, %dma_wait3A_52] : memref<4096x128xf32, #tpu.memory_space<hbm>> -> memref<128x128xf32, #tpu.memory_space<hbm>>
      %dma_wait3A_54 = arith.constant 0 : i32
      %dma_wait3A_55 = tpu.memref_slice %arg6[%mul3A_8, %dma_wait3A_54] : memref<4096x128xf32, #tpu.memory_space<hbm>> -> memref<128x128xf32, #tpu.memory_space<hbm>>
      tpu.wait_dma2 semaphore(%run_scoped3A_47 : memref<!tpu.dma_semaphore, #tpu.memory_space<semaphore_mem>>) src(%arg10 : memref<128x128xf32, #tpu.memory_space<vmem>>) dst(%dma_wait3A_55 : memref<128x128xf32, #tpu.memory_space<hbm>>)
      tpu.yield
    }) : () -> ()
    %scan3A = arith.constant 0 : i32
    %scan3A_9 = arith.constant 0 : i32
    %scan3A_10 = arith.constant 8 : i32
    %scan3A_11 = arith.addi %scan3A_9, %scan3A_10 : i32
    %scan3A_12 = arith.constant 1 : i32
    %scan3A_13 = scf.for %scan3A_47 = %scan3A_9 to %scan3A_11 step %scan3A_12 iter_args(%scan3A_48 = %scan3A) -> (i32)  : i32 {
      %mul3A_49 = arith.constant 16 : i32
      %mul3A_50 = arith.muli %scan3A_47, %mul3A_49 : i32
      %add3A_51 = vector.broadcast %mul3A_50 : i32 to vector<16xi32>
      %add3A_52 = arith.addi %iota3A, %add3A_51 : vector<16xi32>
      %broadcast_in_dim3A = arith.constant 64 : i32
      %broadcast_in_dim3A_53 = vector.broadcast %broadcast_in_dim3A : i32 to vector<16xi32>
      %gather3A = tpu.vector_load_idx %arg10[%add3A_52, %broadcast_in_dim3A_53] : memref<128x128xf32, #tpu.memory_space<vmem>>[vector<16xi32>, vector<16xi32>], vector<16xf32>,
      %mul3A_54 = arith.constant 16 : i32
      %mul3A_55 = arith.muli %scan3A_47, %mul3A_54 : i32
      %swap3A = arith.constant 0 : i32
      %swap3A_56 = arith.index_cast %swap3A : i32 to index
      %swap3A_57 = arith.index_cast %mul3A_55 : i32 to index
      %swap3A_58 = tpu.vector_load %arg12[%swap3A_56, %swap3A_57] {strides = array<i32>} : memref<6x128xf32, #tpu.memory_space<vmem>>, vector<16xf32>,
      tpu.vector_store %arg12[%swap3A_56, %swap3A_57], %gather3A {strides = array<i32>} : memref<6x128xf32, #tpu.memory_space<vmem>>, vector<16xf32>,
      %broadcast_in_dim3A_59 = arith.constant 65 : i32
      %broadcast_in_dim3A_60 = vector.broadcast %broadcast_in_dim3A_59 : i32 to vector<16xi32>
      %gather3A_61 = tpu.vector_load_idx %arg10[%add3A_52, %broadcast_in_dim3A_60] : memref<128x128xf32, #tpu.memory_space<vmem>>[vector<16xi32>, vector<16xi32>], vector<16xf32>,
      %mul3A_62 = arith.constant 16 : i32
      %mul3A_63 = arith.muli %scan3A_47, %mul3A_62 : i32
      %swap3A_64 = arith.constant 1 : i32
      %swap3A_65 = arith.index_cast %swap3A_64 : i32 to index
      %swap3A_66 = arith.index_cast %mul3A_63 : i32 to index
      %swap3A_67 = tpu.vector_load %arg12[%swap3A_65, %swap3A_66] {strides = array<i32>} : memref<6x128xf32, #tpu.memory_space<vmem>>, vector<16xf32>,
      tpu.vector_store %arg12[%swap3A_65, %swap3A_66], %gather3A_61 {strides = array<i32>} : memref<6x128xf32, #tpu.memory_space<vmem>>, vector<16xf32>,
      %broadcast_in_dim3A_68 = arith.constant 66 : i32
      %broadcast_in_dim3A_69 = vector.broadcast %broadcast_in_dim3A_68 : i32 to vector<16xi32>
      %gather3A_70 = tpu.vector_load_idx %arg10[%add3A_52, %broadcast_in_dim3A_69] : memref<128x128xf32, #tpu.memory_space<vmem>>[vector<16xi32>, vector<16xi32>], vector<16xf32>,
      %mul3A_71 = arith.constant 16 : i32
      %mul3A_72 = arith.muli %scan3A_47, %mul3A_71 : i32
      %swap3A_73 = arith.constant 2 : i32
      %swap3A_74 = arith.index_cast %swap3A_73 : i32 to index
      %swap3A_75 = arith.index_cast %mul3A_72 : i32 to index
      %swap3A_76 = tpu.vector_load %arg12[%swap3A_74, %swap3A_75] {strides = array<i32>} : memref<6x128xf32, #tpu.memory_space<vmem>>, vector<16xf32>,
      tpu.vector_store %arg12[%swap3A_74, %swap3A_75], %gather3A_70 {strides = array<i32>} : memref<6x128xf32, #tpu.memory_space<vmem>>, vector<16xf32>,
      %broadcast_in_dim3A_77 = arith.constant 67 : i32
      %broadcast_in_dim3A_78 = vector.broadcast %broadcast_in_dim3A_77 : i32 to vector<16xi32>
      %gather3A_79 = tpu.vector_load_idx %arg10[%add3A_52, %broadcast_in_dim3A_78] : memref<128x128xf32, #tpu.memory_space<vmem>>[vector<16xi32>, vector<16xi32>], vector<16xf32>,
      %mul3A_80 = arith.constant 16 : i32
      %mul3A_81 = arith.muli %scan3A_47, %mul3A_80 : i32
      %swap3A_82 = arith.constant 3 : i32
      %swap3A_83 = arith.index_cast %swap3A_82 : i32 to index
      %swap3A_84 = arith.index_cast %mul3A_81 : i32 to index
      %swap3A_85 = tpu.vector_load %arg12[%swap3A_83, %swap3A_84] {strides = array<i32>} : memref<6x128xf32, #tpu.memory_space<vmem>>, vector<16xf32>,
      tpu.vector_store %arg12[%swap3A_83, %swap3A_84], %gather3A_79 {strides = array<i32>} : memref<6x128xf32, #tpu.memory_space<vmem>>, vector<16xf32>,
      %broadcast_in_dim3A_86 = arith.constant 68 : i32
      %broadcast_in_dim3A_87 = vector.broadcast %broadcast_in_dim3A_86 : i32 to vector<16xi32>
      %gather3A_88 = tpu.vector_load_idx %arg10[%add3A_52, %broadcast_in_dim3A_87] : memref<128x128xf32, #tpu.memory_space<vmem>>[vector<16xi32>, vector<16xi32>], vector<16xf32>,
      %mul3A_89 = arith.constant 16 : i32
      %mul3A_90 = arith.muli %scan3A_47, %mul3A_89 : i32
      %swap3A_91 = arith.constant 4 : i32
      %swap3A_92 = arith.index_cast %swap3A_91 : i32 to index
      %swap3A_93 = arith.index_cast %mul3A_90 : i32 to index
      %swap3A_94 = tpu.vector_load %arg12[%swap3A_92, %swap3A_93] {strides = array<i32>} : memref<6x128xf32, #tpu.memory_space<vmem>>, vector<16xf32>,
      tpu.vector_store %arg12[%swap3A_92, %swap3A_93], %gather3A_88 {strides = array<i32>} : memref<6x128xf32, #tpu.memory_space<vmem>>, vector<16xf32>,
      %broadcast_in_dim3A_95 = arith.constant 69 : i32
      %broadcast_in_dim3A_96 = vector.broadcast %broadcast_in_dim3A_95 : i32 to vector<16xi32>
      %gather3A_97 = tpu.vector_load_idx %arg10[%add3A_52, %broadcast_in_dim3A_96] : memref<128x128xf32, #tpu.memory_space<vmem>>[vector<16xi32>, vector<16xi32>], vector<16xf32>,
      %mul3A_98 = arith.constant 16 : i32
      %mul3A_99 = arith.muli %scan3A_47, %mul3A_98 : i32
      %swap3A_100 = arith.constant 5 : i32
      %swap3A_101 = arith.index_cast %swap3A_100 : i32 to index
      %swap3A_102 = arith.index_cast %mul3A_99 : i32 to index
      %swap3A_103 = tpu.vector_load %arg12[%swap3A_101, %swap3A_102] {strides = array<i32>} : memref<6x128xf32, #tpu.memory_space<vmem>>, vector<16xf32>,
      tpu.vector_store %arg12[%swap3A_101, %swap3A_102], %gather3A_97 {strides = array<i32>} : memref<6x128xf32, #tpu.memory_space<vmem>>, vector<16xf32>,
      %scan3A_104 = arith.constant 0 : i32
      scf.yield %scan3A_104 : i32
    }
    %scan3A_14 = arith.constant 8 : i32
    %mul3A_15 = arith.constant 128 : i32
    %mul3A_16 = arith.muli %add3A, %mul3A_15 : i32
    "tpu.region"() ({
      %run_scoped3A_47 = tpu.sem_alloc : memref<!tpu.dma_semaphore, #tpu.memory_space<semaphore_mem>>
      %dma_start3A_48 = arith.constant 0 : i32
      %dma_start3A_49 = tpu.memref_slice %arg8[%dma_start3A_48, %mul3A_16] : memref<6x4096xf32, #tpu.memory_space<hbm>> -> memref<6x128xf32, #tpu.memory_space<hbm>>
      %dma_start3A_50 = arith.constant 0 : i32
      %dma_start3A_51 = tpu.memref_slice %arg8[%dma_start3A_50, %mul3A_16] : memref<6x4096xf32, #tpu.memory_space<hbm>> -> memref<6x128xf32, #tpu.memory_space<hbm>>
      tpu.enqueue_dma source(%arg12 : memref<6x128xf32, #tpu.memory_space<vmem>>) target(%dma_start3A_51 : memref<6x128xf32, #tpu.memory_space<hbm>>) target_semaphore(%run_scoped3A_47 : memref<!tpu.dma_semaphore, #tpu.memory_space<semaphore_mem>>)
      %dma_wait3A_52 = arith.constant 0 : i32
      %dma_wait3A_53 = tpu.memref_slice %arg8[%dma_wait3A_52, %mul3A_16] : memref<6x4096xf32, #tpu.memory_space<hbm>> -> memref<6x128xf32, #tpu.memory_space<hbm>>
      %dma_wait3A_54 = arith.constant 0 : i32
      %dma_wait3A_55 = tpu.memref_slice %arg8[%dma_wait3A_54, %mul3A_16] : memref<6x4096xf32, #tpu.memory_space<hbm>> -> memref<6x128xf32, #tpu.memory_space<hbm>>
      tpu.wait_dma2 semaphore(%run_scoped3A_47 : memref<!tpu.dma_semaphore, #tpu.memory_space<semaphore_mem>>) src(%arg12 : memref<6x128xf32, #tpu.memory_space<vmem>>) dst(%dma_wait3A_55 : memref<6x128xf32, #tpu.memory_space<hbm>>)
      tpu.yield
    }) : () -> ()
    %scan3A_17 = arith.constant 0 : i32
    %scan3A_18 = arith.constant 0 : i32
    %scan3A_19 = arith.constant 32 : i32
    %scan3A_20 = arith.addi %scan3A_18, %scan3A_19 : i32
    %scan3A_21 = arith.constant 1 : i32
    %scan3A_22 = scf.for %scan3A_47 = %scan3A_18 to %scan3A_20 step %scan3A_21 iter_args(%scan3A_48 = %scan3A_17) -> (i32)  : i32 {
      %mul3A_49 = arith.constant 128 : i32
      %mul3A_50 = arith.muli %add3A, %mul3A_49 : i32
      "tpu.region"() ({
        %run_scoped3A_80 = tpu.sem_alloc : memref<!tpu.dma_semaphore, #tpu.memory_space<semaphore_mem>>
        %dma_start3A_81 = tpu.memref_slice %arg3[%scan3A_47, %mul3A_50] : memref<32x4096xi32, #tpu.memory_space<hbm>> -> memref<1x128xi32, #tpu.memory_space<hbm>>
        %dma_start3A_82 = tpu.memref_squeeze %dma_start3A_81 : memref<1x128xi32, #tpu.memory_space<hbm>> -> memref<128xi32, #tpu.memory_space<hbm>>
        %dma_start3A_83 = tpu.memref_slice %arg3[%scan3A_47, %mul3A_50] : memref<32x4096xi32, #tpu.memory_space<hbm>> -> memref<1x128xi32, #tpu.memory_space<hbm>>
        %dma_start3A_84 = tpu.memref_squeeze %dma_start3A_83 : memref<1x128xi32, #tpu.memory_space<hbm>> -> memref<128xi32, #tpu.memory_space<hbm>>
        tpu.enqueue_dma source(%dma_start3A_84 : memref<128xi32, #tpu.memory_space<hbm>>) target(%arg9 : memref<128xi32, #tpu.memory_space<vmem>>) target_semaphore(%run_scoped3A_80 : memref<!tpu.dma_semaphore, #tpu.memory_space<semaphore_mem>>)
        %dma_wait3A_85 = tpu.memref_slice %arg3[%scan3A_47, %mul3A_50] : memref<32x4096xi32, #tpu.memory_space<hbm>> -> memref<1x128xi32, #tpu.memory_space<hbm>>
        %dma_wait3A_86 = tpu.memref_squeeze %dma_wait3A_85 : memref<1x128xi32, #tpu.memory_space<hbm>> -> memref<128xi32, #tpu.memory_space<hbm>>
        %dma_wait3A_87 = tpu.memref_slice %arg3[%scan3A_47, %mul3A_50] : memref<32x4096xi32, #tpu.memory_space<hbm>> -> memref<1x128xi32, #tpu.memory_space<hbm>>
        %dma_wait3A_88 = tpu.memref_squeeze %dma_wait3A_87 : memref<1x128xi32, #tpu.memory_space<hbm>> -> memref<128xi32, #tpu.memory_space<hbm>>
        tpu.wait_dma2 semaphore(%run_scoped3A_80 : memref<!tpu.dma_semaphore, #tpu.memory_space<semaphore_mem>>) src(%dma_wait3A_88 : memref<128xi32, #tpu.memory_space<hbm>>) dst(%arg9 : memref<128xi32, #tpu.memory_space<vmem>>)
        tpu.yield
      }) : () -> ()
      %dma_start3A_51 = arith.constant 0 : i32
      %dma_start3A_52 = arith.constant 0 : i32
      %dma_start3A_53 = tpu.memref_slice %arg2[%dma_start3A_51, %dma_start3A_52] : memref<16384x128xf32, #tpu.memory_space<hbm>> -> memref<16384x128xf32, #tpu.memory_space<hbm>>
      tpu.enqueue_indirect_dma source(%dma_start3A_53 : memref<16384x128xf32, #tpu.memory_space<hbm>>) target(%arg10 : memref<128x128xf32, #tpu.memory_space<vmem>>) offsets(%arg9 : memref<128xi32, #tpu.memory_space<vmem>>) semaphore(%arg13 : memref<!tpu.dma_semaphore, #tpu.memory_space<semaphore_mem>>)
      %dma_wait3A_54 = arith.constant 0 : i32
      %dma_wait3A_55 = arith.constant 0 : i32
      %dma_wait3A_56 = tpu.memref_slice %arg2[%dma_wait3A_54, %dma_wait3A_55] : memref<16384x128xf32, #tpu.memory_space<hbm>> -> memref<16384x128xf32, #tpu.memory_space<hbm>>
      tpu.wait_indirect_dma semaphore(%arg13 : memref<!tpu.dma_semaphore, #tpu.memory_space<semaphore_mem>>) src(%dma_wait3A_56 : memref<16384x128xf32, #tpu.memory_space<hbm>>) dst(%arg10 : memref<128x128xf32, #tpu.memory_space<vmem>>)
      %mul3A_57 = arith.constant 32 : i32
      %mul3A_58 = arith.muli %add3A, %mul3A_57 : i32
      %mul3A_59 = arith.constant 128 : i32
      %mul3A_60 = arith.muli %mul3A_58, %mul3A_59 : i32
      %mul3A_61 = arith.constant 128 : i32
      %mul3A_62 = arith.muli %scan3A_47, %mul3A_61 : i32
      %add3A_63 = arith.addi %mul3A_60, %mul3A_62 : i32
      %dma_start3A_64 = arith.constant 0 : i32
      %dma_start3A_65 = tpu.memref_slice %arg5[%add3A_63, %dma_start3A_64] : memref<131072x128xf32, #tpu.memory_space<hbm>> -> memref<128x128xf32, #tpu.memory_space<hbm>>
      %dma_start3A_66 = arith.constant 0 : i32
      %dma_start3A_67 = tpu.memref_slice %arg5[%add3A_63, %dma_start3A_66] : memref<131072x128xf32, #tpu.memory_space<hbm>> -> memref<128x128xf32, #tpu.memory_space<hbm>>
      tpu.enqueue_dma source(%arg10 : memref<128x128xf32, #tpu.memory_space<vmem>>) target(%dma_start3A_67 : memref<128x128xf32, #tpu.memory_space<hbm>>) target_semaphore(%arg13 : memref<!tpu.dma_semaphore, #tpu.memory_space<semaphore_mem>>)
      %scan3A_68 = arith.constant 0 : i32
      %scan3A_69 = arith.constant 0 : i32
      %scan3A_70 = arith.constant 8 : i32
      %scan3A_71 = arith.addi %scan3A_69, %scan3A_70 : i32
      %scan3A_72 = arith.constant 1 : i32
      %scan3A_73 = scf.for %scan3A_80 = %scan3A_69 to %scan3A_71 step %scan3A_72 iter_args(%scan3A_81 = %scan3A_68) -> (i32)  : i32 {
        %mul3A_82 = arith.constant 16 : i32
        %mul3A_83 = arith.muli %scan3A_80, %mul3A_82 : i32
        %add3A_84 = vector.broadcast %mul3A_83 : i32 to vector<16xi32>
        %add3A_85 = arith.addi %iota3A, %add3A_84 : vector<16xi32>
        %broadcast_in_dim3A = arith.constant 64 : i32
        %broadcast_in_dim3A_86 = vector.broadcast %broadcast_in_dim3A : i32 to vector<16xi32>
        %gather3A = tpu.vector_load_idx %arg10[%add3A_85, %broadcast_in_dim3A_86] : memref<128x128xf32, #tpu.memory_space<vmem>>[vector<16xi32>, vector<16xi32>], vector<16xf32>,
        %mul3A_87 = arith.constant 16 : i32
        %mul3A_88 = arith.muli %scan3A_80, %mul3A_87 : i32
        %swap3A = arith.constant 0 : i32
        %swap3A_89 = arith.index_cast %swap3A : i32 to index
        %swap3A_90 = arith.index_cast %scan3A_47 : i32 to index
        %swap3A_91 = arith.index_cast %mul3A_88 : i32 to index
        %swap3A_92 = tpu.vector_load %arg11[%swap3A_89, %swap3A_90, %swap3A_91] {strides = array<i32>} : memref<6x32x128xf32, #tpu.memory_space<vmem>>, vector<16xf32>,
        tpu.vector_store %arg11[%swap3A_89, %swap3A_90, %swap3A_91], %gather3A {strides = array<i32>} : memref<6x32x128xf32, #tpu.memory_space<vmem>>, vector<16xf32>,
        %broadcast_in_dim3A_93 = arith.constant 65 : i32
        %broadcast_in_dim3A_94 = vector.broadcast %broadcast_in_dim3A_93 : i32 to vector<16xi32>
        %gather3A_95 = tpu.vector_load_idx %arg10[%add3A_85, %broadcast_in_dim3A_94] : memref<128x128xf32, #tpu.memory_space<vmem>>[vector<16xi32>, vector<16xi32>], vector<16xf32>,
        %mul3A_96 = arith.constant 16 : i32
        %mul3A_97 = arith.muli %scan3A_80, %mul3A_96 : i32
        %swap3A_98 = arith.constant 1 : i32
        %swap3A_99 = arith.index_cast %swap3A_98 : i32 to index
        %swap3A_100 = arith.index_cast %scan3A_47 : i32 to index
        %swap3A_101 = arith.index_cast %mul3A_97 : i32 to index
        %swap3A_102 = tpu.vector_load %arg11[%swap3A_99, %swap3A_100, %swap3A_101] {strides = array<i32>} : memref<6x32x128xf32, #tpu.memory_space<vmem>>, vector<16xf32>,
        tpu.vector_store %arg11[%swap3A_99, %swap3A_100, %swap3A_101], %gather3A_95 {strides = array<i32>} : memref<6x32x128xf32, #tpu.memory_space<vmem>>, vector<16xf32>,
        %broadcast_in_dim3A_103 = arith.constant 66 : i32
        %broadcast_in_dim3A_104 = vector.broadcast %broadcast_in_dim3A_103 : i32 to vector<16xi32>
        %gather3A_105 = tpu.vector_load_idx %arg10[%add3A_85, %broadcast_in_dim3A_104] : memref<128x128xf32, #tpu.memory_space<vmem>>[vector<16xi32>, vector<16xi32>], vector<16xf32>,
        %mul3A_106 = arith.constant 16 : i32
        %mul3A_107 = arith.muli %scan3A_80, %mul3A_106 : i32
        %swap3A_108 = arith.constant 2 : i32
        %swap3A_109 = arith.index_cast %swap3A_108 : i32 to index
        %swap3A_110 = arith.index_cast %scan3A_47 : i32 to index
        %swap3A_111 = arith.index_cast %mul3A_107 : i32 to index
        %swap3A_112 = tpu.vector_load %arg11[%swap3A_109, %swap3A_110, %swap3A_111] {strides = array<i32>} : memref<6x32x128xf32, #tpu.memory_space<vmem>>, vector<16xf32>,
        tpu.vector_store %arg11[%swap3A_109, %swap3A_110, %swap3A_111], %gather3A_105 {strides = array<i32>} : memref<6x32x128xf32, #tpu.memory_space<vmem>>, vector<16xf32>,
        %broadcast_in_dim3A_113 = arith.constant 67 : i32
        %broadcast_in_dim3A_114 = vector.broadcast %broadcast_in_dim3A_113 : i32 to vector<16xi32>
        %gather3A_115 = tpu.vector_load_idx %arg10[%add3A_85, %broadcast_in_dim3A_114] : memref<128x128xf32, #tpu.memory_space<vmem>>[vector<16xi32>, vector<16xi32>], vector<16xf32>,
        %mul3A_116 = arith.constant 16 : i32
        %mul3A_117 = arith.muli %scan3A_80, %mul3A_116 : i32
        %swap3A_118 = arith.constant 3 : i32
        %swap3A_119 = arith.index_cast %swap3A_118 : i32 to index
        %swap3A_120 = arith.index_cast %scan3A_47 : i32 to index
        %swap3A_121 = arith.index_cast %mul3A_117 : i32 to index
        %swap3A_122 = tpu.vector_load %arg11[%swap3A_119, %swap3A_120, %swap3A_121] {strides = array<i32>} : memref<6x32x128xf32, #tpu.memory_space<vmem>>, vector<16xf32>,
        tpu.vector_store %arg11[%swap3A_119, %swap3A_120, %swap3A_121], %gather3A_115 {strides = array<i32>} : memref<6x32x128xf32, #tpu.memory_space<vmem>>, vector<16xf32>,
        %broadcast_in_dim3A_123 = arith.constant 68 : i32
        %broadcast_in_dim3A_124 = vector.broadcast %broadcast_in_dim3A_123 : i32 to vector<16xi32>
        %gather3A_125 = tpu.vector_load_idx %arg10[%add3A_85, %broadcast_in_dim3A_124] : memref<128x128xf32, #tpu.memory_space<vmem>>[vector<16xi32>, vector<16xi32>], vector<16xf32>,
        %mul3A_126 = arith.constant 16 : i32
        %mul3A_127 = arith.muli %scan3A_80, %mul3A_126 : i32
        %swap3A_128 = arith.constant 4 : i32
        %swap3A_129 = arith.index_cast %swap3A_128 : i32 to index
        %swap3A_130 = arith.index_cast %scan3A_47 : i32 to index
        %swap3A_131 = arith.index_cast %mul3A_127 : i32 to index
        %swap3A_132 = tpu.vector_load %arg11[%swap3A_129, %swap3A_130, %swap3A_131] {strides = array<i32>} : memref<6x32x128xf32, #tpu.memory_space<vmem>>, vector<16xf32>,
        tpu.vector_store %arg11[%swap3A_129, %swap3A_130, %swap3A_131], %gather3A_125 {strides = array<i32>} : memref<6x32x128xf32, #tpu.memory_space<vmem>>, vector<16xf32>,
        %broadcast_in_dim3A_133 = arith.constant 69 : i32
        %broadcast_in_dim3A_134 = vector.broadcast %broadcast_in_dim3A_133 : i32 to vector<16xi32>
        %gather3A_135 = tpu.vector_load_idx %arg10[%add3A_85, %broadcast_in_dim3A_134] : memref<128x128xf32, #tpu.memory_space<vmem>>[vector<16xi32>, vector<16xi32>], vector<16xf32>,
        %mul3A_136 = arith.constant 16 : i32
        %mul3A_137 = arith.muli %scan3A_80, %mul3A_136 : i32
        %swap3A_138 = arith.constant 5 : i32
        %swap3A_139 = arith.index_cast %swap3A_138 : i32 to index
        %swap3A_140 = arith.index_cast %scan3A_47 : i32 to index
        %swap3A_141 = arith.index_cast %mul3A_137 : i32 to index
        %swap3A_142 = tpu.vector_load %arg11[%swap3A_139, %swap3A_140, %swap3A_141] {strides = array<i32>} : memref<6x32x128xf32, #tpu.memory_space<vmem>>, vector<16xf32>,
        tpu.vector_store %arg11[%swap3A_139, %swap3A_140, %swap3A_141], %gather3A_135 {strides = array<i32>} : memref<6x32x128xf32, #tpu.memory_space<vmem>>, vector<16xf32>,
        %scan3A_143 = arith.constant 0 : i32
        scf.yield %scan3A_143 : i32
      }
      %scan3A_74 = arith.constant 8 : i32
      %dma_wait3A_75 = arith.constant 0 : i32
      %dma_wait3A_76 = tpu.memref_slice %arg5[%add3A_63, %dma_wait3A_75] : memref<131072x128xf32, #tpu.memory_space<hbm>> -> memref<128x128xf32, #tpu.memory_space<hbm>>
      %dma_wait3A_77 = arith.constant 0 : i32
      %dma_wait3A_78 = tpu.memref_slice %arg5[%add3A_63, %dma_wait3A_77] : memref<131072x128xf32, #tpu.memory_space<hbm>> -> memref<128x128xf32, #tpu.memory_space<hbm>>
      tpu.wait_dma2 semaphore(%arg13 : memref<!tpu.dma_semaphore, #tpu.memory_space<semaphore_mem>>) src(%arg10 : memref<128x128xf32, #tpu.memory_space<vmem>>) dst(%dma_wait3A_78 : memref<128x128xf32, #tpu.memory_space<hbm>>)
      %scan3A_79 = arith.constant 0 : i32
      scf.yield %scan3A_79 : i32
    }
    %scan3A_23 = arith.constant 32 : i32
    %mul3A_24 = arith.constant 128 : i32
    %mul3A_25 = arith.muli %add3A, %mul3A_24 : i32
    %run_scoped3A = arith.constant 0 : i32
    %run_scoped3A_26 = arith.constant 0 : i32
    "tpu.region"() ({
      %run_scoped3A_47 = tpu.sem_alloc : memref<!tpu.dma_semaphore, #tpu.memory_space<semaphore_mem>>
      %dma_start3A_48 = arith.constant 0 : i32
      %dma_start3A_49 = arith.constant 0 : i32
      %dma_start3A_50 = tpu.memref_slice %arg11[%run_scoped3A, %dma_start3A_48, %dma_start3A_49] : memref<6x32x128xf32, #tpu.memory_space<vmem>> -> memref<1x32x128xf32, #tpu.memory_space<vmem>>
      %dma_start3A_51 = tpu.memref_squeeze %dma_start3A_50 : memref<1x32x128xf32, #tpu.memory_space<vmem>> -> memref<32x128xf32, #tpu.memory_space<vmem>>
      %dma_start3A_52 = arith.constant 0 : i32
      %dma_start3A_53 = tpu.memref_slice %arg7[%run_scoped3A_26, %dma_start3A_52, %mul3A_25] : memref<6x32x4096xf32, #tpu.memory_space<hbm>> -> memref<1x32x128xf32, #tpu.memory_space<hbm>>
      %dma_start3A_54 = tpu.memref_squeeze %dma_start3A_53 : memref<1x32x128xf32, #tpu.memory_space<hbm>> -> memref<32x128xf32, #tpu.memory_space<hbm>>
      %dma_start3A_55 = arith.constant 0 : i32
      %dma_start3A_56 = tpu.memref_slice %arg7[%run_scoped3A_26, %dma_start3A_55, %mul3A_25] : memref<6x32x4096xf32, #tpu.memory_space<hbm>> -> memref<1x32x128xf32, #tpu.memory_space<hbm>>
      %dma_start3A_57 = tpu.memref_squeeze %dma_start3A_56 : memref<1x32x128xf32, #tpu.memory_space<hbm>> -> memref<32x128xf32, #tpu.memory_space<hbm>>
      %dma_start3A_58 = arith.constant 0 : i32
      %dma_start3A_59 = arith.constant 0 : i32
      %dma_start3A_60 = tpu.memref_slice %arg11[%run_scoped3A, %dma_start3A_58, %dma_start3A_59] : memref<6x32x128xf32, #tpu.memory_space<vmem>> -> memref<1x32x128xf32, #tpu.memory_space<vmem>>
      %dma_start3A_61 = tpu.memref_squeeze %dma_start3A_60 : memref<1x32x128xf32, #tpu.memory_space<vmem>> -> memref<32x128xf32, #tpu.memory_space<vmem>>
      tpu.enqueue_dma source(%dma_start3A_61 : memref<32x128xf32, #tpu.memory_space<vmem>>) target(%dma_start3A_57 : memref<32x128xf32, #tpu.memory_space<hbm>>) target_semaphore(%run_scoped3A_47 : memref<!tpu.dma_semaphore, #tpu.memory_space<semaphore_mem>>)
      %dma_wait3A_62 = arith.constant 0 : i32
      %dma_wait3A_63 = arith.constant 0 : i32
      %dma_wait3A_64 = tpu.memref_slice %arg11[%run_scoped3A, %dma_wait3A_62, %dma_wait3A_63] : memref<6x32x128xf32, #tpu.memory_space<vmem>> -> memref<1x32x128xf32, #tpu.memory_space<vmem>>
      %dma_wait3A_65 = tpu.memref_squeeze %dma_wait3A_64 : memref<1x32x128xf32, #tpu.memory_space<vmem>> -> memref<32x128xf32, #tpu.memory_space<vmem>>
      %dma_wait3A_66 = arith.constant 0 : i32
      %dma_wait3A_67 = tpu.memref_slice %arg7[%run_scoped3A_26, %dma_wait3A_66, %mul3A_25] : memref<6x32x4096xf32, #tpu.memory_space<hbm>> -> memref<1x32x128xf32, #tpu.memory_space<hbm>>
      %dma_wait3A_68 = tpu.memref_squeeze %dma_wait3A_67 : memref<1x32x128xf32, #tpu.memory_space<hbm>> -> memref<32x128xf32, #tpu.memory_space<hbm>>
      %dma_wait3A_69 = arith.constant 0 : i32
      %dma_wait3A_70 = tpu.memref_slice %arg7[%run_scoped3A_26, %dma_wait3A_69, %mul3A_25] : memref<6x32x4096xf32, #tpu.memory_space<hbm>> -> memref<1x32x128xf32, #tpu.memory_space<hbm>>
      %dma_wait3A_71 = tpu.memref_squeeze %dma_wait3A_70 : memref<1x32x128xf32, #tpu.memory_space<hbm>> -> memref<32x128xf32, #tpu.memory_space<hbm>>
      %dma_wait3A_72 = arith.constant 0 : i32
      %dma_wait3A_73 = arith.constant 0 : i32
      %dma_wait3A_74 = tpu.memref_slice %arg11[%run_scoped3A, %dma_wait3A_72, %dma_wait3A_73] : memref<6x32x128xf32, #tpu.memory_space<vmem>> -> memref<1x32x128xf32, #tpu.memory_space<vmem>>
      %dma_wait3A_75 = tpu.memref_squeeze %dma_wait3A_74 : memref<1x32x128xf32, #tpu.memory_space<vmem>> -> memref<32x128xf32, #tpu.memory_space<vmem>>
      tpu.wait_dma2 semaphore(%run_scoped3A_47 : memref<!tpu.dma_semaphore, #tpu.memory_space<semaphore_mem>>) src(%dma_wait3A_75 : memref<32x128xf32, #tpu.memory_space<vmem>>) dst(%dma_wait3A_71 : memref<32x128xf32, #tpu.memory_space<hbm>>)
      tpu.yield
    }) : () -> ()
    %mul3A_27 = arith.constant 128 : i32
    %mul3A_28 = arith.muli %add3A, %mul3A_27 : i32
    %run_scoped3A_29 = arith.constant 1 : i32
    %run_scoped3A_30 = arith.constant 1 : i32
    "tpu.region"() ({
      %run_scoped3A_47 = tpu.sem_alloc : memref<!tpu.dma_semaphore, #tpu.memory_space<semaphore_mem>>
      %dma_start3A_48 = arith.constant 0 : i32
      %dma_start3A_49 = arith.constant 0 : i32
      %dma_start3A_50 = tpu.memref_slice %arg11[%run_scoped3A_29, %dma_start3A_48, %dma_start3A_49] : memref<6x32x128xf32, #tpu.memory_space<vmem>> -> memref<1x32x128xf32, #tpu.memory_space<vmem>>
      %dma_start3A_51 = tpu.memref_squeeze %dma_start3A_50 : memref<1x32x128xf32, #tpu.memory_space<vmem>> -> memref<32x128xf32, #tpu.memory_space<vmem>>
      %dma_start3A_52 = arith.constant 0 : i32
      %dma_start3A_53 = tpu.memref_slice %arg7[%run_scoped3A_30, %dma_start3A_52, %mul3A_28] : memref<6x32x4096xf32, #tpu.memory_space<hbm>> -> memref<1x32x128xf32, #tpu.memory_space<hbm>>
      %dma_start3A_54 = tpu.memref_squeeze %dma_start3A_53 : memref<1x32x128xf32, #tpu.memory_space<hbm>> -> memref<32x128xf32, #tpu.memory_space<hbm>>
      %dma_start3A_55 = arith.constant 0 : i32
      %dma_start3A_56 = tpu.memref_slice %arg7[%run_scoped3A_30, %dma_start3A_55, %mul3A_28] : memref<6x32x4096xf32, #tpu.memory_space<hbm>> -> memref<1x32x128xf32, #tpu.memory_space<hbm>>
      %dma_start3A_57 = tpu.memref_squeeze %dma_start3A_56 : memref<1x32x128xf32, #tpu.memory_space<hbm>> -> memref<32x128xf32, #tpu.memory_space<hbm>>
      %dma_start3A_58 = arith.constant 0 : i32
      %dma_start3A_59 = arith.constant 0 : i32
      %dma_start3A_60 = tpu.memref_slice %arg11[%run_scoped3A_29, %dma_start3A_58, %dma_start3A_59] : memref<6x32x128xf32, #tpu.memory_space<vmem>> -> memref<1x32x128xf32, #tpu.memory_space<vmem>>
      %dma_start3A_61 = tpu.memref_squeeze %dma_start3A_60 : memref<1x32x128xf32, #tpu.memory_space<vmem>> -> memref<32x128xf32, #tpu.memory_space<vmem>>
      tpu.enqueue_dma source(%dma_start3A_61 : memref<32x128xf32, #tpu.memory_space<vmem>>) target(%dma_start3A_57 : memref<32x128xf32, #tpu.memory_space<hbm>>) target_semaphore(%run_scoped3A_47 : memref<!tpu.dma_semaphore, #tpu.memory_space<semaphore_mem>>)
      %dma_wait3A_62 = arith.constant 0 : i32
      %dma_wait3A_63 = arith.constant 0 : i32
      %dma_wait3A_64 = tpu.memref_slice %arg11[%run_scoped3A_29, %dma_wait3A_62, %dma_wait3A_63] : memref<6x32x128xf32, #tpu.memory_space<vmem>> -> memref<1x32x128xf32, #tpu.memory_space<vmem>>
      %dma_wait3A_65 = tpu.memref_squeeze %dma_wait3A_64 : memref<1x32x128xf32, #tpu.memory_space<vmem>> -> memref<32x128xf32, #tpu.memory_space<vmem>>
      %dma_wait3A_66 = arith.constant 0 : i32
      %dma_wait3A_67 = tpu.memref_slice %arg7[%run_scoped3A_30, %dma_wait3A_66, %mul3A_28] : memref<6x32x4096xf32, #tpu.memory_space<hbm>> -> memref<1x32x128xf32, #tpu.memory_space<hbm>>
      %dma_wait3A_68 = tpu.memref_squeeze %dma_wait3A_67 : memref<1x32x128xf32, #tpu.memory_space<hbm>> -> memref<32x128xf32, #tpu.memory_space<hbm>>
      %dma_wait3A_69 = arith.constant 0 : i32
      %dma_wait3A_70 = tpu.memref_slice %arg7[%run_scoped3A_30, %dma_wait3A_69, %mul3A_28] : memref<6x32x4096xf32, #tpu.memory_space<hbm>> -> memref<1x32x128xf32, #tpu.memory_space<hbm>>
      %dma_wait3A_71 = tpu.memref_squeeze %dma_wait3A_70 : memref<1x32x128xf32, #tpu.memory_space<hbm>> -> memref<32x128xf32, #tpu.memory_space<hbm>>
      %dma_wait3A_72 = arith.constant 0 : i32
      %dma_wait3A_73 = arith.constant 0 : i32
      %dma_wait3A_74 = tpu.memref_slice %arg11[%run_scoped3A_29, %dma_wait3A_72, %dma_wait3A_73] : memref<6x32x128xf32, #tpu.memory_space<vmem>> -> memref<1x32x128xf32, #tpu.memory_space<vmem>>
      %dma_wait3A_75 = tpu.memref_squeeze %dma_wait3A_74 : memref<1x32x128xf32, #tpu.memory_space<vmem>> -> memref<32x128xf32, #tpu.memory_space<vmem>>
      tpu.wait_dma2 semaphore(%run_scoped3A_47 : memref<!tpu.dma_semaphore, #tpu.memory_space<semaphore_mem>>) src(%dma_wait3A_75 : memref<32x128xf32, #tpu.memory_space<vmem>>) dst(%dma_wait3A_71 : memref<32x128xf32, #tpu.memory_space<hbm>>)
      tpu.yield
    }) : () -> ()
    %mul3A_31 = arith.constant 128 : i32
    %mul3A_32 = arith.muli %add3A, %mul3A_31 : i32
    %run_scoped3A_33 = arith.constant 2 : i32
    %run_scoped3A_34 = arith.constant 2 : i32
    "tpu.region"() ({
      %run_scoped3A_47 = tpu.sem_alloc : memref<!tpu.dma_semaphore, #tpu.memory_space<semaphore_mem>>
      %dma_start3A_48 = arith.constant 0 : i32
      %dma_start3A_49 = arith.constant 0 : i32
      %dma_start3A_50 = tpu.memref_slice %arg11[%run_scoped3A_33, %dma_start3A_48, %dma_start3A_49] : memref<6x32x128xf32, #tpu.memory_space<vmem>> -> memref<1x32x128xf32, #tpu.memory_space<vmem>>
      %dma_start3A_51 = tpu.memref_squeeze %dma_start3A_50 : memref<1x32x128xf32, #tpu.memory_space<vmem>> -> memref<32x128xf32, #tpu.memory_space<vmem>>
      %dma_start3A_52 = arith.constant 0 : i32
      %dma_start3A_53 = tpu.memref_slice %arg7[%run_scoped3A_34, %dma_start3A_52, %mul3A_32] : memref<6x32x4096xf32, #tpu.memory_space<hbm>> -> memref<1x32x128xf32, #tpu.memory_space<hbm>>
      %dma_start3A_54 = tpu.memref_squeeze %dma_start3A_53 : memref<1x32x128xf32, #tpu.memory_space<hbm>> -> memref<32x128xf32, #tpu.memory_space<hbm>>
      %dma_start3A_55 = arith.constant 0 : i32
      %dma_start3A_56 = tpu.memref_slice %arg7[%run_scoped3A_34, %dma_start3A_55, %mul3A_32] : memref<6x32x4096xf32, #tpu.memory_space<hbm>> -> memref<1x32x128xf32, #tpu.memory_space<hbm>>
      %dma_start3A_57 = tpu.memref_squeeze %dma_start3A_56 : memref<1x32x128xf32, #tpu.memory_space<hbm>> -> memref<32x128xf32, #tpu.memory_space<hbm>>
      %dma_start3A_58 = arith.constant 0 : i32
      %dma_start3A_59 = arith.constant 0 : i32
      %dma_start3A_60 = tpu.memref_slice %arg11[%run_scoped3A_33, %dma_start3A_58, %dma_start3A_59] : memref<6x32x128xf32, #tpu.memory_space<vmem>> -> memref<1x32x128xf32, #tpu.memory_space<vmem>>
      %dma_start3A_61 = tpu.memref_squeeze %dma_start3A_60 : memref<1x32x128xf32, #tpu.memory_space<vmem>> -> memref<32x128xf32, #tpu.memory_space<vmem>>
      tpu.enqueue_dma source(%dma_start3A_61 : memref<32x128xf32, #tpu.memory_space<vmem>>) target(%dma_start3A_57 : memref<32x128xf32, #tpu.memory_space<hbm>>) target_semaphore(%run_scoped3A_47 : memref<!tpu.dma_semaphore, #tpu.memory_space<semaphore_mem>>)
      %dma_wait3A_62 = arith.constant 0 : i32
      %dma_wait3A_63 = arith.constant 0 : i32
      %dma_wait3A_64 = tpu.memref_slice %arg11[%run_scoped3A_33, %dma_wait3A_62, %dma_wait3A_63] : memref<6x32x128xf32, #tpu.memory_space<vmem>> -> memref<1x32x128xf32, #tpu.memory_space<vmem>>
      %dma_wait3A_65 = tpu.memref_squeeze %dma_wait3A_64 : memref<1x32x128xf32, #tpu.memory_space<vmem>> -> memref<32x128xf32, #tpu.memory_space<vmem>>
      %dma_wait3A_66 = arith.constant 0 : i32
      %dma_wait3A_67 = tpu.memref_slice %arg7[%run_scoped3A_34, %dma_wait3A_66, %mul3A_32] : memref<6x32x4096xf32, #tpu.memory_space<hbm>> -> memref<1x32x128xf32, #tpu.memory_space<hbm>>
      %dma_wait3A_68 = tpu.memref_squeeze %dma_wait3A_67 : memref<1x32x128xf32, #tpu.memory_space<hbm>> -> memref<32x128xf32, #tpu.memory_space<hbm>>
      %dma_wait3A_69 = arith.constant 0 : i32
      %dma_wait3A_70 = tpu.memref_slice %arg7[%run_scoped3A_34, %dma_wait3A_69, %mul3A_32] : memref<6x32x4096xf32, #tpu.memory_space<hbm>> -> memref<1x32x128xf32, #tpu.memory_space<hbm>>
      %dma_wait3A_71 = tpu.memref_squeeze %dma_wait3A_70 : memref<1x32x128xf32, #tpu.memory_space<hbm>> -> memref<32x128xf32, #tpu.memory_space<hbm>>
      %dma_wait3A_72 = arith.constant 0 : i32
      %dma_wait3A_73 = arith.constant 0 : i32
      %dma_wait3A_74 = tpu.memref_slice %arg11[%run_scoped3A_33, %dma_wait3A_72, %dma_wait3A_73] : memref<6x32x128xf32, #tpu.memory_space<vmem>> -> memref<1x32x128xf32, #tpu.memory_space<vmem>>
      %dma_wait3A_75 = tpu.memref_squeeze %dma_wait3A_74 : memref<1x32x128xf32, #tpu.memory_space<vmem>> -> memref<32x128xf32, #tpu.memory_space<vmem>>
      tpu.wait_dma2 semaphore(%run_scoped3A_47 : memref<!tpu.dma_semaphore, #tpu.memory_space<semaphore_mem>>) src(%dma_wait3A_75 : memref<32x128xf32, #tpu.memory_space<vmem>>) dst(%dma_wait3A_71 : memref<32x128xf32, #tpu.memory_space<hbm>>)
      tpu.yield
    }) : () -> ()
    %mul3A_35 = arith.constant 128 : i32
    %mul3A_36 = arith.muli %add3A, %mul3A_35 : i32
    %run_scoped3A_37 = arith.constant 3 : i32
    %run_scoped3A_38 = arith.constant 3 : i32
    "tpu.region"() ({
      %run_scoped3A_47 = tpu.sem_alloc : memref<!tpu.dma_semaphore, #tpu.memory_space<semaphore_mem>>
      %dma_start3A_48 = arith.constant 0 : i32
      %dma_start3A_49 = arith.constant 0 : i32
      %dma_start3A_50 = tpu.memref_slice %arg11[%run_scoped3A_37, %dma_start3A_48, %dma_start3A_49] : memref<6x32x128xf32, #tpu.memory_space<vmem>> -> memref<1x32x128xf32, #tpu.memory_space<vmem>>
      %dma_start3A_51 = tpu.memref_squeeze %dma_start3A_50 : memref<1x32x128xf32, #tpu.memory_space<vmem>> -> memref<32x128xf32, #tpu.memory_space<vmem>>
      %dma_start3A_52 = arith.constant 0 : i32
      %dma_start3A_53 = tpu.memref_slice %arg7[%run_scoped3A_38, %dma_start3A_52, %mul3A_36] : memref<6x32x4096xf32, #tpu.memory_space<hbm>> -> memref<1x32x128xf32, #tpu.memory_space<hbm>>
      %dma_start3A_54 = tpu.memref_squeeze %dma_start3A_53 : memref<1x32x128xf32, #tpu.memory_space<hbm>> -> memref<32x128xf32, #tpu.memory_space<hbm>>
      %dma_start3A_55 = arith.constant 0 : i32
      %dma_start3A_56 = tpu.memref_slice %arg7[%run_scoped3A_38, %dma_start3A_55, %mul3A_36] : memref<6x32x4096xf32, #tpu.memory_space<hbm>> -> memref<1x32x128xf32, #tpu.memory_space<hbm>>
      %dma_start3A_57 = tpu.memref_squeeze %dma_start3A_56 : memref<1x32x128xf32, #tpu.memory_space<hbm>> -> memref<32x128xf32, #tpu.memory_space<hbm>>
      %dma_start3A_58 = arith.constant 0 : i32
      %dma_start3A_59 = arith.constant 0 : i32
      %dma_start3A_60 = tpu.memref_slice %arg11[%run_scoped3A_37, %dma_start3A_58, %dma_start3A_59] : memref<6x32x128xf32, #tpu.memory_space<vmem>> -> memref<1x32x128xf32, #tpu.memory_space<vmem>>
      %dma_start3A_61 = tpu.memref_squeeze %dma_start3A_60 : memref<1x32x128xf32, #tpu.memory_space<vmem>> -> memref<32x128xf32, #tpu.memory_space<vmem>>
      tpu.enqueue_dma source(%dma_start3A_61 : memref<32x128xf32, #tpu.memory_space<vmem>>) target(%dma_start3A_57 : memref<32x128xf32, #tpu.memory_space<hbm>>) target_semaphore(%run_scoped3A_47 : memref<!tpu.dma_semaphore, #tpu.memory_space<semaphore_mem>>)
      %dma_wait3A_62 = arith.constant 0 : i32
      %dma_wait3A_63 = arith.constant 0 : i32
      %dma_wait3A_64 = tpu.memref_slice %arg11[%run_scoped3A_37, %dma_wait3A_62, %dma_wait3A_63] : memref<6x32x128xf32, #tpu.memory_space<vmem>> -> memref<1x32x128xf32, #tpu.memory_space<vmem>>
      %dma_wait3A_65 = tpu.memref_squeeze %dma_wait3A_64 : memref<1x32x128xf32, #tpu.memory_space<vmem>> -> memref<32x128xf32, #tpu.memory_space<vmem>>
      %dma_wait3A_66 = arith.constant 0 : i32
      %dma_wait3A_67 = tpu.memref_slice %arg7[%run_scoped3A_38, %dma_wait3A_66, %mul3A_36] : memref<6x32x4096xf32, #tpu.memory_space<hbm>> -> memref<1x32x128xf32, #tpu.memory_space<hbm>>
      %dma_wait3A_68 = tpu.memref_squeeze %dma_wait3A_67 : memref<1x32x128xf32, #tpu.memory_space<hbm>> -> memref<32x128xf32, #tpu.memory_space<hbm>>
      %dma_wait3A_69 = arith.constant 0 : i32
      %dma_wait3A_70 = tpu.memref_slice %arg7[%run_scoped3A_38, %dma_wait3A_69, %mul3A_36] : memref<6x32x4096xf32, #tpu.memory_space<hbm>> -> memref<1x32x128xf32, #tpu.memory_space<hbm>>
      %dma_wait3A_71 = tpu.memref_squeeze %dma_wait3A_70 : memref<1x32x128xf32, #tpu.memory_space<hbm>> -> memref<32x128xf32, #tpu.memory_space<hbm>>
      %dma_wait3A_72 = arith.constant 0 : i32
      %dma_wait3A_73 = arith.constant 0 : i32
      %dma_wait3A_74 = tpu.memref_slice %arg11[%run_scoped3A_37, %dma_wait3A_72, %dma_wait3A_73] : memref<6x32x128xf32, #tpu.memory_space<vmem>> -> memref<1x32x128xf32, #tpu.memory_space<vmem>>
      %dma_wait3A_75 = tpu.memref_squeeze %dma_wait3A_74 : memref<1x32x128xf32, #tpu.memory_space<vmem>> -> memref<32x128xf32, #tpu.memory_space<vmem>>
      tpu.wait_dma2 semaphore(%run_scoped3A_47 : memref<!tpu.dma_semaphore, #tpu.memory_space<semaphore_mem>>) src(%dma_wait3A_75 : memref<32x128xf32, #tpu.memory_space<vmem>>) dst(%dma_wait3A_71 : memref<32x128xf32, #tpu.memory_space<hbm>>)
      tpu.yield
    }) : () -> ()
    %mul3A_39 = arith.constant 128 : i32
    %mul3A_40 = arith.muli %add3A, %mul3A_39 : i32
    %run_scoped3A_41 = arith.constant 4 : i32
    %run_scoped3A_42 = arith.constant 4 : i32
    "tpu.region"() ({
      %run_scoped3A_47 = tpu.sem_alloc : memref<!tpu.dma_semaphore, #tpu.memory_space<semaphore_mem>>
      %dma_start3A_48 = arith.constant 0 : i32
      %dma_start3A_49 = arith.constant 0 : i32
      %dma_start3A_50 = tpu.memref_slice %arg11[%run_scoped3A_41, %dma_start3A_48, %dma_start3A_49] : memref<6x32x128xf32, #tpu.memory_space<vmem>> -> memref<1x32x128xf32, #tpu.memory_space<vmem>>
      %dma_start3A_51 = tpu.memref_squeeze %dma_start3A_50 : memref<1x32x128xf32, #tpu.memory_space<vmem>> -> memref<32x128xf32, #tpu.memory_space<vmem>>
      %dma_start3A_52 = arith.constant 0 : i32
      %dma_start3A_53 = tpu.memref_slice %arg7[%run_scoped3A_42, %dma_start3A_52, %mul3A_40] : memref<6x32x4096xf32, #tpu.memory_space<hbm>> -> memref<1x32x128xf32, #tpu.memory_space<hbm>>
      %dma_start3A_54 = tpu.memref_squeeze %dma_start3A_53 : memref<1x32x128xf32, #tpu.memory_space<hbm>> -> memref<32x128xf32, #tpu.memory_space<hbm>>
      %dma_start3A_55 = arith.constant 0 : i32
      %dma_start3A_56 = tpu.memref_slice %arg7[%run_scoped3A_42, %dma_start3A_55, %mul3A_40] : memref<6x32x4096xf32, #tpu.memory_space<hbm>> -> memref<1x32x128xf32, #tpu.memory_space<hbm>>
      %dma_start3A_57 = tpu.memref_squeeze %dma_start3A_56 : memref<1x32x128xf32, #tpu.memory_space<hbm>> -> memref<32x128xf32, #tpu.memory_space<hbm>>
      %dma_start3A_58 = arith.constant 0 : i32
      %dma_start3A_59 = arith.constant 0 : i32
      %dma_start3A_60 = tpu.memref_slice %arg11[%run_scoped3A_41, %dma_start3A_58, %dma_start3A_59] : memref<6x32x128xf32, #tpu.memory_space<vmem>> -> memref<1x32x128xf32, #tpu.memory_space<vmem>>
      %dma_start3A_61 = tpu.memref_squeeze %dma_start3A_60 : memref<1x32x128xf32, #tpu.memory_space<vmem>> -> memref<32x128xf32, #tpu.memory_space<vmem>>
      tpu.enqueue_dma source(%dma_start3A_61 : memref<32x128xf32, #tpu.memory_space<vmem>>) target(%dma_start3A_57 : memref<32x128xf32, #tpu.memory_space<hbm>>) target_semaphore(%run_scoped3A_47 : memref<!tpu.dma_semaphore, #tpu.memory_space<semaphore_mem>>)
      %dma_wait3A_62 = arith.constant 0 : i32
      %dma_wait3A_63 = arith.constant 0 : i32
      %dma_wait3A_64 = tpu.memref_slice %arg11[%run_scoped3A_41, %dma_wait3A_62, %dma_wait3A_63] : memref<6x32x128xf32, #tpu.memory_space<vmem>> -> memref<1x32x128xf32, #tpu.memory_space<vmem>>
      %dma_wait3A_65 = tpu.memref_squeeze %dma_wait3A_64 : memref<1x32x128xf32, #tpu.memory_space<vmem>> -> memref<32x128xf32, #tpu.memory_space<vmem>>
      %dma_wait3A_66 = arith.constant 0 : i32
      %dma_wait3A_67 = tpu.memref_slice %arg7[%run_scoped3A_42, %dma_wait3A_66, %mul3A_40] : memref<6x32x4096xf32, #tpu.memory_space<hbm>> -> memref<1x32x128xf32, #tpu.memory_space<hbm>>
      %dma_wait3A_68 = tpu.memref_squeeze %dma_wait3A_67 : memref<1x32x128xf32, #tpu.memory_space<hbm>> -> memref<32x128xf32, #tpu.memory_space<hbm>>
      %dma_wait3A_69 = arith.constant 0 : i32
      %dma_wait3A_70 = tpu.memref_slice %arg7[%run_scoped3A_42, %dma_wait3A_69, %mul3A_40] : memref<6x32x4096xf32, #tpu.memory_space<hbm>> -> memref<1x32x128xf32, #tpu.memory_space<hbm>>
      %dma_wait3A_71 = tpu.memref_squeeze %dma_wait3A_70 : memref<1x32x128xf32, #tpu.memory_space<hbm>> -> memref<32x128xf32, #tpu.memory_space<hbm>>
      %dma_wait3A_72 = arith.constant 0 : i32
      %dma_wait3A_73 = arith.constant 0 : i32
      %dma_wait3A_74 = tpu.memref_slice %arg11[%run_scoped3A_41, %dma_wait3A_72, %dma_wait3A_73] : memref<6x32x128xf32, #tpu.memory_space<vmem>> -> memref<1x32x128xf32, #tpu.memory_space<vmem>>
      %dma_wait3A_75 = tpu.memref_squeeze %dma_wait3A_74 : memref<1x32x128xf32, #tpu.memory_space<vmem>> -> memref<32x128xf32, #tpu.memory_space<vmem>>
      tpu.wait_dma2 semaphore(%run_scoped3A_47 : memref<!tpu.dma_semaphore, #tpu.memory_space<semaphore_mem>>) src(%dma_wait3A_75 : memref<32x128xf32, #tpu.memory_space<vmem>>) dst(%dma_wait3A_71 : memref<32x128xf32, #tpu.memory_space<hbm>>)
      tpu.yield
    }) : () -> ()
    %mul3A_43 = arith.constant 128 : i32
    %mul3A_44 = arith.muli %add3A, %mul3A_43 : i32
    %run_scoped3A_45 = arith.constant 5 : i32
    %run_scoped3A_46 = arith.constant 5 : i32
    "tpu.region"() ({
      %run_scoped3A_47 = tpu.sem_alloc : memref<!tpu.dma_semaphore, #tpu.memory_space<semaphore_mem>>
      %dma_start3A_48 = arith.constant 0 : i32
      %dma_start3A_49 = arith.constant 0 : i32
      %dma_start3A_50 = tpu.memref_slice %arg11[%run_scoped3A_45, %dma_start3A_48, %dma_start3A_49] : memref<6x32x128xf32, #tpu.memory_space<vmem>> -> memref<1x32x128xf32, #tpu.memory_space<vmem>>
      %dma_start3A_51 = tpu.memref_squeeze %dma_start3A_50 : memref<1x32x128xf32, #tpu.memory_space<vmem>> -> memref<32x128xf32, #tpu.memory_space<vmem>>
      %dma_start3A_52 = arith.constant 0 : i32
      %dma_start3A_53 = tpu.memref_slice %arg7[%run_scoped3A_46, %dma_start3A_52, %mul3A_44] : memref<6x32x4096xf32, #tpu.memory_space<hbm>> -> memref<1x32x128xf32, #tpu.memory_space<hbm>>
      %dma_start3A_54 = tpu.memref_squeeze %dma_start3A_53 : memref<1x32x128xf32, #tpu.memory_space<hbm>> -> memref<32x128xf32, #tpu.memory_space<hbm>>
      %dma_start3A_55 = arith.constant 0 : i32
      %dma_start3A_56 = tpu.memref_slice %arg7[%run_scoped3A_46, %dma_start3A_55, %mul3A_44] : memref<6x32x4096xf32, #tpu.memory_space<hbm>> -> memref<1x32x128xf32, #tpu.memory_space<hbm>>
      %dma_start3A_57 = tpu.memref_squeeze %dma_start3A_56 : memref<1x32x128xf32, #tpu.memory_space<hbm>> -> memref<32x128xf32, #tpu.memory_space<hbm>>
      %dma_start3A_58 = arith.constant 0 : i32
      %dma_start3A_59 = arith.constant 0 : i32
      %dma_start3A_60 = tpu.memref_slice %arg11[%run_scoped3A_45, %dma_start3A_58, %dma_start3A_59] : memref<6x32x128xf32, #tpu.memory_space<vmem>> -> memref<1x32x128xf32, #tpu.memory_space<vmem>>
      %dma_start3A_61 = tpu.memref_squeeze %dma_start3A_60 : memref<1x32x128xf32, #tpu.memory_space<vmem>> -> memref<32x128xf32, #tpu.memory_space<vmem>>
      tpu.enqueue_dma source(%dma_start3A_61 : memref<32x128xf32, #tpu.memory_space<vmem>>) target(%dma_start3A_57 : memref<32x128xf32, #tpu.memory_space<hbm>>) target_semaphore(%run_scoped3A_47 : memref<!tpu.dma_semaphore, #tpu.memory_space<semaphore_mem>>)
      %dma_wait3A_62 = arith.constant 0 : i32
      %dma_wait3A_63 = arith.constant 0 : i32
      %dma_wait3A_64 = tpu.memref_slice %arg11[%run_scoped3A_45, %dma_wait3A_62, %dma_wait3A_63] : memref<6x32x128xf32, #tpu.memory_space<vmem>> -> memref<1x32x128xf32, #tpu.memory_space<vmem>>
      %dma_wait3A_65 = tpu.memref_squeeze %dma_wait3A_64 : memref<1x32x128xf32, #tpu.memory_space<vmem>> -> memref<32x128xf32, #tpu.memory_space<vmem>>
      %dma_wait3A_66 = arith.constant 0 : i32
      %dma_wait3A_67 = tpu.memref_slice %arg7[%run_scoped3A_46, %dma_wait3A_66, %mul3A_44] : memref<6x32x4096xf32, #tpu.memory_space<hbm>> -> memref<1x32x128xf32, #tpu.memory_space<hbm>>
      %dma_wait3A_68 = tpu.memref_squeeze %dma_wait3A_67 : memref<1x32x128xf32, #tpu.memory_space<hbm>> -> memref<32x128xf32, #tpu.memory_space<hbm>>
      %dma_wait3A_69 = arith.constant 0 : i32
      %dma_wait3A_70 = tpu.memref_slice %arg7[%run_scoped3A_46, %dma_wait3A_69, %mul3A_44] : memref<6x32x4096xf32, #tpu.memory_space<hbm>> -> memref<1x32x128xf32, #tpu.memory_space<hbm>>
      %dma_wait3A_71 = tpu.memref_squeeze %dma_wait3A_70 : memref<1x32x128xf32, #tpu.memory_space<hbm>> -> memref<32x128xf32, #tpu.memory_space<hbm>>
      %dma_wait3A_72 = arith.constant 0 : i32
      %dma_wait3A_73 = arith.constant 0 : i32
      %dma_wait3A_74 = tpu.memref_slice %arg11[%run_scoped3A_45, %dma_wait3A_72, %dma_wait3A_73] : memref<6x32x128xf32, #tpu.memory_space<vmem>> -> memref<1x32x128xf32, #tpu.memory_space<vmem>>
      %dma_wait3A_75 = tpu.memref_squeeze %dma_wait3A_74 : memref<1x32x128xf32, #tpu.memory_space<vmem>> -> memref<32x128xf32, #tpu.memory_space<vmem>>
      tpu.wait_dma2 semaphore(%run_scoped3A_47 : memref<!tpu.dma_semaphore, #tpu.memory_space<semaphore_mem>>) src(%dma_wait3A_75 : memref<32x128xf32, #tpu.memory_space<vmem>>) dst(%dma_wait3A_71 : memref<32x128xf32, #tpu.memory_space<hbm>>)
      tpu.yield
    }) : () -> ()
    return
  }
}

#map = affine_map<(d0, d1) -> (0)>
#map1 = affine_map<(d0, d1) -> (0, 0)>
module attributes {stable_mosaic.version = 14 : i64} {
  func.func @k(%arg0: i32, %arg1: i32, %arg2: memref<16384xf32, #tpu.memory_space<hbm>>, %arg3: memref<16384xf32, #tpu.memory_space<hbm>>, %arg4: memref<16384xf32, #tpu.memory_space<hbm>>, %arg5: memref<4096xi32, #tpu.memory_space<hbm>>, %arg6: memref<32x4096xi32, #tpu.memory_space<hbm>>, %arg7: memref<131072xi32, #tpu.memory_space<hbm>>, %arg8: memref<16400xf32, #tpu.memory_space<vmem>>, %arg9: memref<16400xf32, #tpu.memory_space<vmem>>, %arg10: memref<16400xf32, #tpu.memory_space<vmem>>, %arg11: memref<16400xf32, #tpu.memory_space<vmem>>, %arg12: memref<144xi32, #tpu.memory_space<vmem>>, %arg13: memref<8192xi32, #tpu.memory_space<vmem>>, %arg14: memref<4096xi32, #tpu.memory_space<vmem>>, %arg15: memref<32x128xi32, #tpu.memory_space<vmem>>) attributes {dimension_semantics = [#tpu.dimension_semantics<core_parallel>, #tpu.dimension_semantics<subcore_parallel>], iteration_bounds = array<i64: 2, 16>, scalar_prefetch = 0 : i64, scratch_operands = 8 : i64, tpu.core_type = #tpu.core_type<sc_vector_subcore>, window_params = [{transform_indices = #map}, {transform_indices = #map}, {transform_indices = #map}, {transform_indices = #map}, {transform_indices = #map1}, {transform_indices = #map}]} {
    %mul3A = arith.constant 2 : i32
    %mul3A_0 = arith.muli %arg1, %mul3A : i32
    %add3A = arith.addi %mul3A_0, %arg0 : i32
    "tpu.region"() ({
      %run_scoped3A = tpu.sem_alloc : memref<!tpu.dma_semaphore, #tpu.memory_space<semaphore_mem>>
      %dma_start3A = arith.constant 0 : i32
      %dma_start3A_27 = tpu.memref_slice %arg8[%dma_start3A] : memref<16400xf32, #tpu.memory_space<vmem>> -> memref<16384xf32, #tpu.memory_space<vmem>>
      %dma_start3A_28 = arith.constant 0 : i32
      %dma_start3A_29 = tpu.memref_slice %arg8[%dma_start3A_28] : memref<16400xf32, #tpu.memory_space<vmem>> -> memref<16384xf32, #tpu.memory_space<vmem>>
      tpu.enqueue_dma source(%arg2 : memref<16384xf32, #tpu.memory_space<hbm>>) target(%dma_start3A_29 : memref<16384xf32, #tpu.memory_space<vmem>>) target_semaphore(%run_scoped3A : memref<!tpu.dma_semaphore, #tpu.memory_space<semaphore_mem>>)
      %dma_wait3A = arith.constant 0 : i32
      %dma_wait3A_30 = tpu.memref_slice %arg8[%dma_wait3A] : memref<16400xf32, #tpu.memory_space<vmem>> -> memref<16384xf32, #tpu.memory_space<vmem>>
      %dma_wait3A_31 = arith.constant 0 : i32
      %dma_wait3A_32 = tpu.memref_slice %arg8[%dma_wait3A_31] : memref<16400xf32, #tpu.memory_space<vmem>> -> memref<16384xf32, #tpu.memory_space<vmem>>
      tpu.wait_dma2 semaphore(%run_scoped3A : memref<!tpu.dma_semaphore, #tpu.memory_space<semaphore_mem>>) src(%arg2 : memref<16384xf32, #tpu.memory_space<hbm>>) dst(%dma_wait3A_32 : memref<16384xf32, #tpu.memory_space<vmem>>)
      tpu.yield
    }) : () -> ()
    "tpu.region"() ({
      %run_scoped3A = tpu.sem_alloc : memref<!tpu.dma_semaphore, #tpu.memory_space<semaphore_mem>>
      %dma_start3A = arith.constant 0 : i32
      %dma_start3A_27 = tpu.memref_slice %arg9[%dma_start3A] : memref<16400xf32, #tpu.memory_space<vmem>> -> memref<16384xf32, #tpu.memory_space<vmem>>
      %dma_start3A_28 = arith.constant 0 : i32
      %dma_start3A_29 = tpu.memref_slice %arg9[%dma_start3A_28] : memref<16400xf32, #tpu.memory_space<vmem>> -> memref<16384xf32, #tpu.memory_space<vmem>>
      tpu.enqueue_dma source(%arg3 : memref<16384xf32, #tpu.memory_space<hbm>>) target(%dma_start3A_29 : memref<16384xf32, #tpu.memory_space<vmem>>) target_semaphore(%run_scoped3A : memref<!tpu.dma_semaphore, #tpu.memory_space<semaphore_mem>>)
      %dma_wait3A = arith.constant 0 : i32
      %dma_wait3A_30 = tpu.memref_slice %arg9[%dma_wait3A] : memref<16400xf32, #tpu.memory_space<vmem>> -> memref<16384xf32, #tpu.memory_space<vmem>>
      %dma_wait3A_31 = arith.constant 0 : i32
      %dma_wait3A_32 = tpu.memref_slice %arg9[%dma_wait3A_31] : memref<16400xf32, #tpu.memory_space<vmem>> -> memref<16384xf32, #tpu.memory_space<vmem>>
      tpu.wait_dma2 semaphore(%run_scoped3A : memref<!tpu.dma_semaphore, #tpu.memory_space<semaphore_mem>>) src(%arg3 : memref<16384xf32, #tpu.memory_space<hbm>>) dst(%dma_wait3A_32 : memref<16384xf32, #tpu.memory_space<vmem>>)
      tpu.yield
    }) : () -> ()
    "tpu.region"() ({
      %run_scoped3A = tpu.sem_alloc : memref<!tpu.dma_semaphore, #tpu.memory_space<semaphore_mem>>
      %dma_start3A = arith.constant 0 : i32
      %dma_start3A_27 = tpu.memref_slice %arg10[%dma_start3A] : memref<16400xf32, #tpu.memory_space<vmem>> -> memref<16384xf32, #tpu.memory_space<vmem>>
      %dma_start3A_28 = arith.constant 0 : i32
      %dma_start3A_29 = tpu.memref_slice %arg10[%dma_start3A_28] : memref<16400xf32, #tpu.memory_space<vmem>> -> memref<16384xf32, #tpu.memory_space<vmem>>
      tpu.enqueue_dma source(%arg4 : memref<16384xf32, #tpu.memory_space<hbm>>) target(%dma_start3A_29 : memref<16384xf32, #tpu.memory_space<vmem>>) target_semaphore(%run_scoped3A : memref<!tpu.dma_semaphore, #tpu.memory_space<semaphore_mem>>)
      %dma_wait3A = arith.constant 0 : i32
      %dma_wait3A_30 = tpu.memref_slice %arg10[%dma_wait3A] : memref<16400xf32, #tpu.memory_space<vmem>> -> memref<16384xf32, #tpu.memory_space<vmem>>
      %dma_wait3A_31 = arith.constant 0 : i32
      %dma_wait3A_32 = tpu.memref_slice %arg10[%dma_wait3A_31] : memref<16400xf32, #tpu.memory_space<vmem>> -> memref<16384xf32, #tpu.memory_space<vmem>>
      tpu.wait_dma2 semaphore(%run_scoped3A : memref<!tpu.dma_semaphore, #tpu.memory_space<semaphore_mem>>) src(%arg4 : memref<16384xf32, #tpu.memory_space<hbm>>) dst(%dma_wait3A_32 : memref<16384xf32, #tpu.memory_space<vmem>>)
      tpu.yield
    }) : () -> ()
    %mul3A_1 = arith.constant 128 : i32
    %mul3A_2 = arith.muli %add3A, %mul3A_1 : i32
    "tpu.region"() ({
      %run_scoped3A = tpu.sem_alloc : memref<!tpu.dma_semaphore, #tpu.memory_space<semaphore_mem>>
      %dma_start3A = arith.constant 0 : i32
      %dma_start3A_27 = tpu.memref_slice %arg12[%dma_start3A] : memref<144xi32, #tpu.memory_space<vmem>> -> memref<128xi32, #tpu.memory_space<vmem>>
      %dma_start3A_28 = tpu.memref_slice %arg5[%mul3A_2] : memref<4096xi32, #tpu.memory_space<hbm>> -> memref<128xi32, #tpu.memory_space<hbm>>
      %dma_start3A_29 = arith.constant 0 : i32
      %dma_start3A_30 = tpu.memref_slice %arg12[%dma_start3A_29] : memref<144xi32, #tpu.memory_space<vmem>> -> memref<128xi32, #tpu.memory_space<vmem>>
      %dma_start3A_31 = tpu.memref_slice %arg5[%mul3A_2] : memref<4096xi32, #tpu.memory_space<hbm>> -> memref<128xi32, #tpu.memory_space<hbm>>
      tpu.enqueue_dma source(%dma_start3A_31 : memref<128xi32, #tpu.memory_space<hbm>>) target(%dma_start3A_30 : memref<128xi32, #tpu.memory_space<vmem>>) target_semaphore(%run_scoped3A : memref<!tpu.dma_semaphore, #tpu.memory_space<semaphore_mem>>)
      %dma_wait3A = arith.constant 0 : i32
      %dma_wait3A_32 = tpu.memref_slice %arg12[%dma_wait3A] : memref<144xi32, #tpu.memory_space<vmem>> -> memref<128xi32, #tpu.memory_space<vmem>>
      %dma_wait3A_33 = tpu.memref_slice %arg5[%mul3A_2] : memref<4096xi32, #tpu.memory_space<hbm>> -> memref<128xi32, #tpu.memory_space<hbm>>
      %dma_wait3A_34 = arith.constant 0 : i32
      %dma_wait3A_35 = tpu.memref_slice %arg12[%dma_wait3A_34] : memref<144xi32, #tpu.memory_space<vmem>> -> memref<128xi32, #tpu.memory_space<vmem>>
      %dma_wait3A_36 = tpu.memref_slice %arg5[%mul3A_2] : memref<4096xi32, #tpu.memory_space<hbm>> -> memref<128xi32, #tpu.memory_space<hbm>>
      tpu.wait_dma2 semaphore(%run_scoped3A : memref<!tpu.dma_semaphore, #tpu.memory_space<semaphore_mem>>) src(%dma_wait3A_36 : memref<128xi32, #tpu.memory_space<hbm>>) dst(%dma_wait3A_35 : memref<128xi32, #tpu.memory_space<vmem>>)
      tpu.yield
    }) : () -> ()
    %iota3A = tpu.iota {dimensions = array<i32: 0>} : vector<16xi32>
    %scan3A = arith.constant 0 : i32
    %scan3A_3 = arith.constant 0 : i32
    %scan3A_4 = arith.constant 1024 : i32
    %scan3A_5 = arith.addi %scan3A_3, %scan3A_4 : i32
    %scan3A_6 = arith.constant 1 : i32
    %scan3A_7 = scf.for %scan3A_27 = %scan3A_3 to %scan3A_5 step %scan3A_6 iter_args(%scan3A_28 = %scan3A) -> (i32)  : i32 {
      %mul3A_29 = arith.constant 16 : i32
      %mul3A_30 = arith.muli %scan3A_27, %mul3A_29 : i32
      %get3A = arith.index_cast %mul3A_30 : i32 to index
      %get3A_31 = tpu.vector_load %arg8[%get3A] {strides = array<i32>} : memref<16400xf32, #tpu.memory_space<vmem>>, vector<16xf32>,
      %get3A_32 = arith.index_cast %mul3A_30 : i32 to index
      %get3A_33 = tpu.vector_load %arg9[%get3A_32] {strides = array<i32>} : memref<16400xf32, #tpu.memory_space<vmem>>, vector<16xf32>,
      %get3A_34 = arith.index_cast %mul3A_30 : i32 to index
      %get3A_35 = tpu.vector_load %arg10[%get3A_34] {strides = array<i32>} : memref<16400xf32, #tpu.memory_space<vmem>>, vector<16xf32>,
      %mul3A_36 = arith.mulf %get3A_31, %get3A_31 : vector<16xf32>
      %mul3A_37 = arith.mulf %get3A_33, %get3A_33 : vector<16xf32>
      %add3A_38 = arith.addf %mul3A_36, %mul3A_37 : vector<16xf32>
      %mul3A_39 = arith.mulf %get3A_35, %get3A_35 : vector<16xf32>
      %add3A_40 = arith.addf %add3A_38, %mul3A_39 : vector<16xf32>
      %swap3A = arith.index_cast %mul3A_30 : i32 to index
      %swap3A_41 = tpu.vector_load %arg11[%swap3A] {strides = array<i32>} : memref<16400xf32, #tpu.memory_space<vmem>>, vector<16xf32>,
      tpu.vector_store %arg11[%swap3A], %add3A_40 {strides = array<i32>} : memref<16400xf32, #tpu.memory_space<vmem>>, vector<16xf32>,
      %bitcast_convert_type3A = tpu.bitcast %get3A_31 : vector<16xf32> -> vector<16xi32>
      %shift_right_logical3A = arith.constant 16 : i32
      %shift_right_logical3A_42 = vector.broadcast %shift_right_logical3A : i32 to vector<16xi32>
      %shift_right_logical3A_43 = arith.shrui %bitcast_convert_type3A, %shift_right_logical3A_42 : vector<16xi32>
      %and3A = arith.constant 1 : i32
      %and3A_44 = vector.broadcast %and3A : i32 to vector<16xi32>
      %and3A_45 = arith.andi %shift_right_logical3A_43, %and3A_44 : vector<16xi32>
      %add3A_46 = arith.constant 32767 : i32
      %add3A_47 = vector.broadcast %add3A_46 : i32 to vector<16xi32>
      %add3A_48 = arith.addi %bitcast_convert_type3A, %add3A_47 : vector<16xi32>
      %add3A_49 = arith.addi %add3A_48, %and3A_45 : vector<16xi32>
      %and3A_50 = arith.constant -65536 : i32
      %and3A_51 = vector.broadcast %and3A_50 : i32 to vector<16xi32>
      %and3A_52 = arith.andi %add3A_49, %and3A_51 : vector<16xi32>
      %bitcast_convert_type3A_53 = tpu.bitcast %and3A_52 : vector<16xi32> -> vector<16xf32>
      %swap3A_54 = arith.index_cast %mul3A_30 : i32 to index
      %swap3A_55 = tpu.vector_load %arg8[%swap3A_54] {strides = array<i32>} : memref<16400xf32, #tpu.memory_space<vmem>>, vector<16xf32>,
      tpu.vector_store %arg8[%swap3A_54], %bitcast_convert_type3A_53 {strides = array<i32>} : memref<16400xf32, #tpu.memory_space<vmem>>, vector<16xf32>,
      %bitcast_convert_type3A_56 = tpu.bitcast %get3A_33 : vector<16xf32> -> vector<16xi32>
      %shift_right_logical3A_57 = arith.constant 16 : i32
      %shift_right_logical3A_58 = vector.broadcast %shift_right_logical3A_57 : i32 to vector<16xi32>
      %shift_right_logical3A_59 = arith.shrui %bitcast_convert_type3A_56, %shift_right_logical3A_58 : vector<16xi32>
      %and3A_60 = arith.constant 1 : i32
      %and3A_61 = vector.broadcast %and3A_60 : i32 to vector<16xi32>
      %and3A_62 = arith.andi %shift_right_logical3A_59, %and3A_61 : vector<16xi32>
      %add3A_63 = arith.constant 32767 : i32
      %add3A_64 = vector.broadcast %add3A_63 : i32 to vector<16xi32>
      %add3A_65 = arith.addi %bitcast_convert_type3A_56, %add3A_64 : vector<16xi32>
      %add3A_66 = arith.addi %add3A_65, %and3A_62 : vector<16xi32>
      %and3A_67 = arith.constant -65536 : i32
      %and3A_68 = vector.broadcast %and3A_67 : i32 to vector<16xi32>
      %and3A_69 = arith.andi %add3A_66, %and3A_68 : vector<16xi32>
      %bitcast_convert_type3A_70 = tpu.bitcast %and3A_69 : vector<16xi32> -> vector<16xf32>
      %swap3A_71 = arith.index_cast %mul3A_30 : i32 to index
      %swap3A_72 = tpu.vector_load %arg9[%swap3A_71] {strides = array<i32>} : memref<16400xf32, #tpu.memory_space<vmem>>, vector<16xf32>,
      tpu.vector_store %arg9[%swap3A_71], %bitcast_convert_type3A_70 {strides = array<i32>} : memref<16400xf32, #tpu.memory_space<vmem>>, vector<16xf32>,
      %bitcast_convert_type3A_73 = tpu.bitcast %get3A_35 : vector<16xf32> -> vector<16xi32>
      %shift_right_logical3A_74 = arith.constant 16 : i32
      %shift_right_logical3A_75 = vector.broadcast %shift_right_logical3A_74 : i32 to vector<16xi32>
      %shift_right_logical3A_76 = arith.shrui %bitcast_convert_type3A_73, %shift_right_logical3A_75 : vector<16xi32>
      %and3A_77 = arith.constant 1 : i32
      %and3A_78 = vector.broadcast %and3A_77 : i32 to vector<16xi32>
      %and3A_79 = arith.andi %shift_right_logical3A_76, %and3A_78 : vector<16xi32>
      %add3A_80 = arith.constant 32767 : i32
      %add3A_81 = vector.broadcast %add3A_80 : i32 to vector<16xi32>
      %add3A_82 = arith.addi %bitcast_convert_type3A_73, %add3A_81 : vector<16xi32>
      %add3A_83 = arith.addi %add3A_82, %and3A_79 : vector<16xi32>
      %and3A_84 = arith.constant -65536 : i32
      %and3A_85 = vector.broadcast %and3A_84 : i32 to vector<16xi32>
      %and3A_86 = arith.andi %add3A_83, %and3A_85 : vector<16xi32>
      %bitcast_convert_type3A_87 = tpu.bitcast %and3A_86 : vector<16xi32> -> vector<16xf32>
      %swap3A_88 = arith.index_cast %mul3A_30 : i32 to index
      %swap3A_89 = tpu.vector_load %arg10[%swap3A_88] {strides = array<i32>} : memref<16400xf32, #tpu.memory_space<vmem>>, vector<16xf32>,
      tpu.vector_store %arg10[%swap3A_88], %bitcast_convert_type3A_87 {strides = array<i32>} : memref<16400xf32, #tpu.memory_space<vmem>>, vector<16xf32>,
      %scan3A_90 = arith.constant 0 : i32
      scf.yield %scan3A_90 : i32
    }
    %scan3A_8 = arith.constant 1024 : i32
    %scan3A_9 = arith.constant 0 : i32
    %scan3A_10 = arith.constant 0 : i32
    %scan3A_11 = arith.constant 128 : i32
    %scan3A_12 = arith.addi %scan3A_10, %scan3A_11 : i32
    %scan3A_13 = arith.constant 1 : i32
    %scan3A_14 = scf.for %scan3A_27 = %scan3A_10 to %scan3A_12 step %scan3A_13 iter_args(%scan3A_28 = %scan3A_9) -> (i32)  : i32 {
      %get3A = arith.index_cast %scan3A_27 : i32 to index
      %get3A_29 = tpu.vector_load %arg12[%get3A] {strides = array<i32>} : memref<144xi32, #tpu.memory_space<vmem>>, vector<16xi32>,
      %slice3A = vector.extract_strided_slice %get3A_29 {offsets = [0], sizes = [1], strides = [1]} : vector<16xi32> to vector<1xi32>
      %squeeze3A = vector.extract %slice3A[0] : i32 from vector<1xi32>
      %get3A_30 = arith.index_cast %squeeze3A : i32 to index
      %get3A_31 = tpu.vector_load %arg8[%get3A_30] {strides = array<i32>} : memref<16400xf32, #tpu.memory_space<vmem>>, vector<16xf32>,
      %slice3A_32 = vector.extract_strided_slice %get3A_31 {offsets = [0], sizes = [1], strides = [1]} : vector<16xf32> to vector<1xf32>
      %squeeze3A_33 = vector.extract %slice3A_32[0] : f32 from vector<1xf32>
      %broadcast_in_dim3A = vector.broadcast %squeeze3A_33 : f32 to vector<16xf32>
      %get3A_34 = arith.index_cast %squeeze3A : i32 to index
      %get3A_35 = tpu.vector_load %arg9[%get3A_34] {strides = array<i32>} : memref<16400xf32, #tpu.memory_space<vmem>>, vector<16xf32>,
      %slice3A_36 = vector.extract_strided_slice %get3A_35 {offsets = [0], sizes = [1], strides = [1]} : vector<16xf32> to vector<1xf32>
      %squeeze3A_37 = vector.extract %slice3A_36[0] : f32 from vector<1xf32>
      %broadcast_in_dim3A_38 = vector.broadcast %squeeze3A_37 : f32 to vector<16xf32>
      %get3A_39 = arith.index_cast %squeeze3A : i32 to index
      %get3A_40 = tpu.vector_load %arg10[%get3A_39] {strides = array<i32>} : memref<16400xf32, #tpu.memory_space<vmem>>, vector<16xf32>,
      %slice3A_41 = vector.extract_strided_slice %get3A_40 {offsets = [0], sizes = [1], strides = [1]} : vector<16xf32> to vector<1xf32>
      %squeeze3A_42 = vector.extract %slice3A_41[0] : f32 from vector<1xf32>
      %broadcast_in_dim3A_43 = vector.broadcast %squeeze3A_42 : f32 to vector<16xf32>
      %get3A_44 = arith.index_cast %squeeze3A : i32 to index
      %get3A_45 = tpu.vector_load %arg11[%get3A_44] {strides = array<i32>} : memref<16400xf32, #tpu.memory_space<vmem>>, vector<16xf32>,
      %slice3A_46 = vector.extract_strided_slice %get3A_45 {offsets = [0], sizes = [1], strides = [1]} : vector<16xf32> to vector<1xf32>
      %squeeze3A_47 = vector.extract %slice3A_46[0] : f32 from vector<1xf32>
      %broadcast_in_dim3A_48 = vector.broadcast %squeeze3A_47 : f32 to vector<16xf32>
      %while3A = arith.constant 0 : i32
      %while3A_49 = arith.constant 0 : i32
      %while3A_50:2 = scf.while (%while3A_94 = %while3A, %while3A_95 = %while3A_49) : (i32, i32) -> (i32, i32) {
        %lt3A_96 = arith.constant 32 : i32
        %lt3A_97 = arith.cmpi slt, %while3A_95, %lt3A_96 : i32
        %lt3A_98 = arith.constant 1024 : i32
        %lt3A_99 = arith.cmpi slt, %while3A_94, %lt3A_98 : i32
        %and3A = arith.andi %lt3A_97, %lt3A_99 : i1
        scf.condition(%and3A) %while3A_94, %while3A_95 : i32, i32
      } do {
      ^bb0(%while3A_94: i32, %while3A_95: i32):
        %mul3A_96 = arith.constant 16 : i32
        %mul3A_97 = arith.muli %while3A_94, %mul3A_96 : i32
        %get3A_98 = arith.index_cast %mul3A_97 : i32 to index
        %get3A_99 = tpu.vector_load %arg8[%get3A_98] {strides = array<i32>} : memref<16400xf32, #tpu.memory_space<vmem>>, vector<16xf32>,
        %get3A_100 = arith.index_cast %mul3A_97 : i32 to index
        %get3A_101 = tpu.vector_load %arg9[%get3A_100] {strides = array<i32>} : memref<16400xf32, #tpu.memory_space<vmem>>, vector<16xf32>,
        %get3A_102 = arith.index_cast %mul3A_97 : i32 to index
        %get3A_103 = tpu.vector_load %arg10[%get3A_102] {strides = array<i32>} : memref<16400xf32, #tpu.memory_space<vmem>>, vector<16xf32>,
        %get3A_104 = arith.index_cast %mul3A_97 : i32 to index
        %get3A_105 = tpu.vector_load %arg11[%get3A_104] {strides = array<i32>} : memref<16400xf32, #tpu.memory_space<vmem>>, vector<16xf32>,
        %mul3A_106 = arith.mulf %broadcast_in_dim3A, %get3A_99 : vector<16xf32>
        %mul3A_107 = arith.mulf %broadcast_in_dim3A_38, %get3A_101 : vector<16xf32>
        %add3A_108 = arith.addf %mul3A_106, %mul3A_107 : vector<16xf32>
        %mul3A_109 = arith.mulf %broadcast_in_dim3A_43, %get3A_103 : vector<16xf32>
        %add3A_110 = arith.addf %add3A_108, %mul3A_109 : vector<16xf32>
        %add3A_111 = arith.addf %broadcast_in_dim3A_48, %get3A_105 : vector<16xf32>
        %mul3A_112 = arith.constant 2.000000e+00 : f32
        %mul3A_113 = vector.broadcast %mul3A_112 : f32 to vector<16xf32>
        %mul3A_114 = arith.mulf %mul3A_113, %add3A_110 : vector<16xf32>
        %sub3A = arith.subf %add3A_111, %mul3A_114 : vector<16xf32>
        %le3A = arith.constant 4.000000e-02 : f32
        %le3A_115 = vector.broadcast %le3A : f32 to vector<16xf32>
        %le3A_116 = arith.cmpf ole, %sub3A, %le3A_115 : vector<16xf32>
        %mul3A_117 = arith.constant 16 : i32
        %mul3A_118 = arith.muli %while3A_94, %mul3A_117 : i32
        %add3A_119 = vector.broadcast %mul3A_118 : i32 to vector<16xi32>
        %add3A_120 = arith.addi %add3A_119, %iota3A : vector<16xi32>
        %mul3A_121 = arith.constant 64 : i32
        %mul3A_122 = arith.muli %scan3A_27, %mul3A_121 : i32
        %add3A_123 = arith.addi %mul3A_122, %while3A_95 : i32
        %swap3A_124 = arith.index_cast %add3A_123 : i32 to index
        %swap3A_125 = tpu.vector_load %arg13[%swap3A_124] masked %le3A_116 {strides = array<i32>} : memref<8192xi32, #tpu.memory_space<vmem>>, vector<16xi32>, vector<16xi1>
        tpu.vector_store %arg13[%swap3A_124], %add3A_120 masked %le3A_116 {strides = array<i32>} : memref<8192xi32, #tpu.memory_space<vmem>>, vector<16xi32>, vector<16xi1>
        %all_reduce_population_count3A = tpu.all_reduce %le3A_116 {dim = 0 : i64, kind = #tpu.reduction_kind<sum>} : vector<16xi1> -> vector<16xi32>
        %add3A_126 = arith.constant 1 : i32
        %add3A_127 = arith.addi %while3A_94, %add3A_126 : i32
        %slice3A_128 = vector.extract_strided_slice %all_reduce_population_count3A {offsets = [0], sizes = [1], strides = [1]} : vector<16xi32> to vector<1xi32>
        %squeeze3A_129 = vector.extract %slice3A_128[0] : i32 from vector<1xi32>
        %add3A_130 = arith.addi %while3A_95, %squeeze3A_129 : i32
        scf.yield %add3A_127, %add3A_130 : i32, i32
      }
      %min3A = arith.constant 32 : i32
      %min3A_51 = arith.minsi %while3A_50#1, %min3A : i32
      %lt3A = vector.broadcast %min3A_51 : i32 to vector<16xi32>
      %lt3A_52 = arith.cmpi slt, %iota3A, %lt3A : vector<16xi32>
      %mul3A_53 = arith.constant 64 : i32
      %mul3A_54 = arith.muli %scan3A_27, %mul3A_53 : i32
      %get3A_55 = arith.index_cast %mul3A_54 : i32 to index
      %get3A_56 = tpu.vector_load %arg13[%get3A_55] {strides = array<i32>} : memref<8192xi32, #tpu.memory_space<vmem>>, vector<16xi32>,
      %jit3A = arith.constant 0 : i32
      %broadcast_in_dim3A_57 = vector.broadcast %jit3A : i32 to vector<16xi32>
      %select_n3A = arith.select %lt3A_52, %get3A_56, %broadcast_in_dim3A_57 : vector<16xi1>, vector<16xi32>
      %add3A_58 = arith.constant 16 : i32
      %add3A_59 = vector.broadcast %add3A_58 : i32 to vector<16xi32>
      %add3A_60 = arith.addi %iota3A, %add3A_59 : vector<16xi32>
      %lt3A_61 = vector.broadcast %min3A_51 : i32 to vector<16xi32>
      %lt3A_62 = arith.cmpi slt, %add3A_60, %lt3A_61 : vector<16xi32>
      %mul3A_63 = arith.constant 64 : i32
      %mul3A_64 = arith.muli %scan3A_27, %mul3A_63 : i32
      %add3A_65 = arith.constant 16 : i32
      %add3A_66 = arith.addi %mul3A_64, %add3A_65 : i32
      %get3A_67 = arith.index_cast %add3A_66 : i32 to index
      %get3A_68 = tpu.vector_load %arg13[%get3A_67] {strides = array<i32>} : memref<8192xi32, #tpu.memory_space<vmem>>, vector<16xi32>,
      %jit3A_69 = arith.constant 0 : i32
      %broadcast_in_dim3A_70 = vector.broadcast %jit3A_69 : i32 to vector<16xi32>
      %select_n3A_71 = arith.select %lt3A_62, %get3A_68, %broadcast_in_dim3A_70 : vector<16xi1>, vector<16xi32>
      %lt3A_72 = vector.broadcast %min3A_51 : i32 to vector<16xi32>
      %lt3A_73 = arith.cmpi slt, %iota3A, %lt3A_72 : vector<16xi32>
      %convert_element_type3A = arith.extui %lt3A_73 : vector<16xi1> to vector<16xi32>
      %mul3A_74 = arith.constant 32 : i32
      %mul3A_75 = arith.muli %scan3A_27, %mul3A_74 : i32
      %swap3A = arith.index_cast %mul3A_75 : i32 to index
      %swap3A_76 = tpu.vector_load %arg14[%swap3A] {strides = array<i32>} : memref<4096xi32, #tpu.memory_space<vmem>>, vector<16xi32>,
      tpu.vector_store %arg14[%swap3A], %convert_element_type3A {strides = array<i32>} : memref<4096xi32, #tpu.memory_space<vmem>>, vector<16xi32>,
      %add3A_77 = arith.constant 16 : i32
      %add3A_78 = vector.broadcast %add3A_77 : i32 to vector<16xi32>
      %add3A_79 = arith.addi %iota3A, %add3A_78 : vector<16xi32>
      %lt3A_80 = vector.broadcast %min3A_51 : i32 to vector<16xi32>
      %lt3A_81 = arith.cmpi slt, %add3A_79, %lt3A_80 : vector<16xi32>
      %convert_element_type3A_82 = arith.extui %lt3A_81 : vector<16xi1> to vector<16xi32>
      %mul3A_83 = arith.constant 32 : i32
      %mul3A_84 = arith.muli %scan3A_27, %mul3A_83 : i32
      %add3A_85 = arith.constant 16 : i32
      %add3A_86 = arith.addi %mul3A_84, %add3A_85 : i32
      %swap3A_87 = arith.index_cast %add3A_86 : i32 to index
      %swap3A_88 = tpu.vector_load %arg14[%swap3A_87] {strides = array<i32>} : memref<4096xi32, #tpu.memory_space<vmem>>, vector<16xi32>,
      tpu.vector_store %arg14[%swap3A_87], %convert_element_type3A_82 {strides = array<i32>} : memref<4096xi32, #tpu.memory_space<vmem>>, vector<16xi32>,
      %broadcast_in_dim3A_89 = vector.broadcast %scan3A_27 : i32 to vector<16xi32>
      tpu.vector_store_idx %arg15[%iota3A, %broadcast_in_dim3A_89], %select_n3A : memref<32x128xi32, #tpu.memory_space<vmem>>[vector<16xi32>, vector<16xi32>], vector<16xi32>,
      %add3A_90 = arith.constant 16 : i32
      %add3A_91 = vector.broadcast %add3A_90 : i32 to vector<16xi32>
      %add3A_92 = arith.addi %iota3A, %add3A_91 : vector<16xi32>
      tpu.vector_store_idx %arg15[%add3A_92, %broadcast_in_dim3A_89], %select_n3A_71 : memref<32x128xi32, #tpu.memory_space<vmem>>[vector<16xi32>, vector<16xi32>], vector<16xi32>,
      %scan3A_93 = arith.constant 0 : i32
      scf.yield %scan3A_93 : i32
    }
    %scan3A_15 = arith.constant 128 : i32
    %mul3A_16 = arith.constant 128 : i32
    %mul3A_17 = arith.muli %add3A, %mul3A_16 : i32
    %mul3A_18 = arith.constant 32 : i32
    %mul3A_19 = arith.muli %mul3A_17, %mul3A_18 : i32
    "tpu.region"() ({
      %run_scoped3A = tpu.sem_alloc : memref<!tpu.dma_semaphore, #tpu.memory_space<semaphore_mem>>
      %dma_start3A = tpu.memref_slice %arg7[%mul3A_19] : memref<131072xi32, #tpu.memory_space<hbm>> -> memref<4096xi32, #tpu.memory_space<hbm>>
      %dma_start3A_27 = tpu.memref_slice %arg7[%mul3A_19] : memref<131072xi32, #tpu.memory_space<hbm>> -> memref<4096xi32, #tpu.memory_space<hbm>>
      tpu.enqueue_dma source(%arg14 : memref<4096xi32, #tpu.memory_space<vmem>>) target(%dma_start3A_27 : memref<4096xi32, #tpu.memory_space<hbm>>) target_semaphore(%run_scoped3A : memref<!tpu.dma_semaphore, #tpu.memory_space<semaphore_mem>>)
      %dma_wait3A = tpu.memref_slice %arg7[%mul3A_19] : memref<131072xi32, #tpu.memory_space<hbm>> -> memref<4096xi32, #tpu.memory_space<hbm>>
      %dma_wait3A_28 = tpu.memref_slice %arg7[%mul3A_19] : memref<131072xi32, #tpu.memory_space<hbm>> -> memref<4096xi32, #tpu.memory_space<hbm>>
      tpu.wait_dma2 semaphore(%run_scoped3A : memref<!tpu.dma_semaphore, #tpu.memory_space<semaphore_mem>>) src(%arg14 : memref<4096xi32, #tpu.memory_space<vmem>>) dst(%dma_wait3A_28 : memref<4096xi32, #tpu.memory_space<hbm>>)
      tpu.yield
    }) : () -> ()
    %scan3A_20 = arith.constant 0 : i32
    %scan3A_21 = arith.constant 0 : i32
    %scan3A_22 = arith.constant 32 : i32
    %scan3A_23 = arith.addi %scan3A_21, %scan3A_22 : i32
    %scan3A_24 = arith.constant 1 : i32
    %scan3A_25 = scf.for %scan3A_27 = %scan3A_21 to %scan3A_23 step %scan3A_24 iter_args(%scan3A_28 = %scan3A_20) -> (i32)  : i32 {
      %mul3A_29 = arith.constant 128 : i32
      %mul3A_30 = arith.muli %add3A, %mul3A_29 : i32
      "tpu.region"() ({
        %run_scoped3A = tpu.sem_alloc : memref<!tpu.dma_semaphore, #tpu.memory_space<semaphore_mem>>
        %dma_start3A = arith.constant 0 : i32
        %dma_start3A_32 = tpu.memref_slice %arg15[%scan3A_27, %dma_start3A] : memref<32x128xi32, #tpu.memory_space<vmem>> -> memref<1x128xi32, #tpu.memory_space<vmem>>
        %dma_start3A_33 = tpu.memref_squeeze %dma_start3A_32 : memref<1x128xi32, #tpu.memory_space<vmem>> -> memref<128xi32, #tpu.memory_space<vmem>>
        %dma_start3A_34 = tpu.memref_slice %arg6[%scan3A_27, %mul3A_30] : memref<32x4096xi32, #tpu.memory_space<hbm>> -> memref<1x128xi32, #tpu.memory_space<hbm>>
        %dma_start3A_35 = tpu.memref_squeeze %dma_start3A_34 : memref<1x128xi32, #tpu.memory_space<hbm>> -> memref<128xi32, #tpu.memory_space<hbm>>
        %dma_start3A_36 = tpu.memref_slice %arg6[%scan3A_27, %mul3A_30] : memref<32x4096xi32, #tpu.memory_space<hbm>> -> memref<1x128xi32, #tpu.memory_space<hbm>>
        %dma_start3A_37 = tpu.memref_squeeze %dma_start3A_36 : memref<1x128xi32, #tpu.memory_space<hbm>> -> memref<128xi32, #tpu.memory_space<hbm>>
        %dma_start3A_38 = arith.constant 0 : i32
        %dma_start3A_39 = tpu.memref_slice %arg15[%scan3A_27, %dma_start3A_38] : memref<32x128xi32, #tpu.memory_space<vmem>> -> memref<1x128xi32, #tpu.memory_space<vmem>>
        %dma_start3A_40 = tpu.memref_squeeze %dma_start3A_39 : memref<1x128xi32, #tpu.memory_space<vmem>> -> memref<128xi32, #tpu.memory_space<vmem>>
        tpu.enqueue_dma source(%dma_start3A_40 : memref<128xi32, #tpu.memory_space<vmem>>) target(%dma_start3A_37 : memref<128xi32, #tpu.memory_space<hbm>>) target_semaphore(%run_scoped3A : memref<!tpu.dma_semaphore, #tpu.memory_space<semaphore_mem>>)
        %dma_wait3A = arith.constant 0 : i32
        %dma_wait3A_41 = tpu.memref_slice %arg15[%scan3A_27, %dma_wait3A] : memref<32x128xi32, #tpu.memory_space<vmem>> -> memref<1x128xi32, #tpu.memory_space<vmem>>
        %dma_wait3A_42 = tpu.memref_squeeze %dma_wait3A_41 : memref<1x128xi32, #tpu.memory_space<vmem>> -> memref<128xi32, #tpu.memory_space<vmem>>
        %dma_wait3A_43 = tpu.memref_slice %arg6[%scan3A_27, %mul3A_30] : memref<32x4096xi32, #tpu.memory_space<hbm>> -> memref<1x128xi32, #tpu.memory_space<hbm>>
        %dma_wait3A_44 = tpu.memref_squeeze %dma_wait3A_43 : memref<1x128xi32, #tpu.memory_space<hbm>> -> memref<128xi32, #tpu.memory_space<hbm>>
        %dma_wait3A_45 = tpu.memref_slice %arg6[%scan3A_27, %mul3A_30] : memref<32x4096xi32, #tpu.memory_space<hbm>> -> memref<1x128xi32, #tpu.memory_space<hbm>>
        %dma_wait3A_46 = tpu.memref_squeeze %dma_wait3A_45 : memref<1x128xi32, #tpu.memory_space<hbm>> -> memref<128xi32, #tpu.memory_space<hbm>>
        %dma_wait3A_47 = arith.constant 0 : i32
        %dma_wait3A_48 = tpu.memref_slice %arg15[%scan3A_27, %dma_wait3A_47] : memref<32x128xi32, #tpu.memory_space<vmem>> -> memref<1x128xi32, #tpu.memory_space<vmem>>
        %dma_wait3A_49 = tpu.memref_squeeze %dma_wait3A_48 : memref<1x128xi32, #tpu.memory_space<vmem>> -> memref<128xi32, #tpu.memory_space<vmem>>
        tpu.wait_dma2 semaphore(%run_scoped3A : memref<!tpu.dma_semaphore, #tpu.memory_space<semaphore_mem>>) src(%dma_wait3A_49 : memref<128xi32, #tpu.memory_space<vmem>>) dst(%dma_wait3A_46 : memref<128xi32, #tpu.memory_space<hbm>>)
        tpu.yield
      }) : () -> ()
      %scan3A_31 = arith.constant 0 : i32
      scf.yield %scan3A_31 : i32
    }
    %scan3A_26 = arith.constant 32 : i32
    return
  }
}

module attributes {stable_mosaic.version = 14 : i64} {
  func.func @_fps_body(%arg0: memref<3x128x128xf32, #tpu.memory_space<vmem>>, %arg1: memref<32x128xi32, #tpu.memory_space<vmem>>, %arg2: memref<128x128xf32, #tpu.memory_space<vmem>>) attributes {dimension_semantics = [], scalar_prefetch = 0 : i64, scratch_operands = 1 : i64, tpu.core_type = #tpu.core_type<tc>} {
    %get3A = arith.constant 0 : index
    %get3A_0 = arith.constant 0 : index
    %get3A_1 = arith.constant 0 : index
    %get3A_2 = vector.load %arg0[%get3A, %get3A_0, %get3A_1] : memref<3x128x128xf32, #tpu.memory_space<vmem>>, vector<1x128x128xf32>
    %get3A_3 = vector.shape_cast %get3A_2 : vector<1x128x128xf32> to vector<128x128xf32>
    %get3A_4 = arith.constant 1 : index
    %get3A_5 = arith.constant 0 : index
    %get3A_6 = arith.constant 0 : index
    %get3A_7 = vector.load %arg0[%get3A_4, %get3A_5, %get3A_6] : memref<3x128x128xf32, #tpu.memory_space<vmem>>, vector<1x128x128xf32>
    %get3A_8 = vector.shape_cast %get3A_7 : vector<1x128x128xf32> to vector<128x128xf32>
    %get3A_9 = arith.constant 2 : index
    %get3A_10 = arith.constant 0 : index
    %get3A_11 = arith.constant 0 : index
    %get3A_12 = vector.load %arg0[%get3A_9, %get3A_10, %get3A_11] : memref<3x128x128xf32, #tpu.memory_space<vmem>>, vector<1x128x128xf32>
    %get3A_13 = vector.shape_cast %get3A_12 : vector<1x128x128xf32> to vector<128x128xf32>
    %iota3A = tpu.iota {dimensions = array<i32: 0>} : vector<128x128xi32>
    %mul3A = arith.constant 128 : i32
    %mul3A_14 = vector.broadcast %mul3A : i32 to vector<128x128xi32>
    %mul3A_15 = arith.muli %iota3A, %mul3A_14 : vector<128x128xi32>
    %iota3A_16 = tpu.iota {dimensions = array<i32: 1>} : vector<128x128xi32>
    %add3A = arith.addi %mul3A_15, %iota3A_16 : vector<128x128xi32>
    %iota3A_17 = tpu.iota {dimensions = array<i32: 0>} : vector<32x128xi32>
    %mul3A_18 = arith.constant 128 : i32
    %mul3A_19 = vector.broadcast %mul3A_18 : i32 to vector<32x128xi32>
    %mul3A_20 = arith.muli %iota3A_17, %mul3A_19 : vector<32x128xi32>
    %iota3A_21 = tpu.iota {dimensions = array<i32: 1>} : vector<32x128xi32>
    %add3A_22 = arith.addi %mul3A_20, %iota3A_21 : vector<32x128xi32>
    %broadcast_in_dim3A = arith.constant 0x7F800000 : f32
    %broadcast_in_dim3A_23 = vector.broadcast %broadcast_in_dim3A : f32 to vector<128x128xf32>
    %swap3A = arith.constant 0 : index
    %swap3A_24 = arith.constant 0 : index
    %swap3A_25 = vector.load %arg2[%swap3A, %swap3A_24] : memref<128x128xf32, #tpu.memory_space<vmem>>, vector<128x128xf32>
    tpu.vector_store %arg2[%swap3A, %swap3A_24], %broadcast_in_dim3A_23 {strides = array<i32>} : memref<128x128xf32, #tpu.memory_space<vmem>>, vector<128x128xf32>,
    %broadcast_in_dim3A_26 = arith.constant 0 : i32
    %broadcast_in_dim3A_27 = vector.broadcast %broadcast_in_dim3A_26 : i32 to vector<32x128xi32>
    %swap3A_28 = arith.constant 0 : index
    %swap3A_29 = arith.constant 0 : index
    %swap3A_30 = vector.load %arg1[%swap3A_28, %swap3A_29] : memref<32x128xi32, #tpu.memory_space<vmem>>, vector<32x128xi32>
    tpu.vector_store %arg1[%swap3A_28, %swap3A_29], %broadcast_in_dim3A_27 {strides = array<i32>} : memref<32x128xi32, #tpu.memory_space<vmem>>, vector<32x128xi32>,
    %iota3A_31 = tpu.iota {dimensions = array<i32: 1>} : vector<1x128xi32>
    %scan3A = arith.constant 0 : i32
    %scan3A_32 = arith.constant 1 : i32
    %scan3A_33 = arith.constant 4095 : i32
    %scan3A_34 = arith.addi %scan3A_32, %scan3A_33 : i32
    %scan3A_35 = arith.constant 1 : i32
    %scan3A_36 = scf.for %scan3A_38 = %scan3A_32 to %scan3A_34 step %scan3A_35 iter_args(%scan3A_39 = %scan3A) -> (i32)  : i32 {
      %shift_right_logical3A = arith.constant 7 : i32
      %shift_right_logical3A_40 = arith.shrui %scan3A_39, %shift_right_logical3A : i32
      %and3A = arith.constant 127 : i32
      %and3A_41 = arith.andi %scan3A_39, %and3A : i32
      %eq3A = vector.broadcast %and3A_41 : i32 to vector<1x128xi32>
      %eq3A_42 = arith.cmpi eq, %iota3A_31, %eq3A : vector<1x128xi32>
      %get3A_43 = arith.constant 0 : index
      %get3A_44 = arith.index_cast %shift_right_logical3A_40 : i32 to index
      %get3A_45 = arith.constant 0 : index
      %get3A_46 = vector.load %arg0[%get3A_43, %get3A_44, %get3A_45] : memref<3x128x128xf32, #tpu.memory_space<vmem>>, vector<1x1x128xf32>
      %get3A_47 = vector.shape_cast %get3A_46 : vector<1x1x128xf32> to vector<1x128xf32>
      %jit3A = arith.constant 0.000000e+00 : f32
      %broadcast_in_dim3A_48 = vector.broadcast %jit3A : f32 to vector<1x128xf32>
      %select_n3A = arith.select %eq3A_42, %get3A_47, %broadcast_in_dim3A_48 : vector<1x128xi1>, vector<1x128xf32>
      %reduce_sum3A = vector.shape_cast %select_n3A : vector<1x128xf32> to vector<1x1x128xf32>
      %reduce_sum3A_49 = arith.constant dense<0.000000e+00> : vector<1xf32>
      %reduce_sum3A_50 = vector.multi_reduction <add>, %reduce_sum3A, %reduce_sum3A_49 [1, 2] : vector<1x1x128xf32> to vector<1xf32>
      %reduce_sum3A_51 = vector.shape_cast %reduce_sum3A_50 : vector<1xf32> to vector<1x1x1xf32>
      %reduce_sum3A_52 = vector.extract %reduce_sum3A_51[0, 0, 0] : f32 from vector<1x1x1xf32>
      %get3A_53 = arith.constant 1 : index
      %get3A_54 = arith.index_cast %shift_right_logical3A_40 : i32 to index
      %get3A_55 = arith.constant 0 : index
      %get3A_56 = vector.load %arg0[%get3A_53, %get3A_54, %get3A_55] : memref<3x128x128xf32, #tpu.memory_space<vmem>>, vector<1x1x128xf32>
      %get3A_57 = vector.shape_cast %get3A_56 : vector<1x1x128xf32> to vector<1x128xf32>
      %jit3A_58 = arith.constant 0.000000e+00 : f32
      %broadcast_in_dim3A_59 = vector.broadcast %jit3A_58 : f32 to vector<1x128xf32>
      %select_n3A_60 = arith.select %eq3A_42, %get3A_57, %broadcast_in_dim3A_59 : vector<1x128xi1>, vector<1x128xf32>
      %reduce_sum3A_61 = vector.shape_cast %select_n3A_60 : vector<1x128xf32> to vector<1x1x128xf32>
      %reduce_sum3A_62 = arith.constant dense<0.000000e+00> : vector<1xf32>
      %reduce_sum3A_63 = vector.multi_reduction <add>, %reduce_sum3A_61, %reduce_sum3A_62 [1, 2] : vector<1x1x128xf32> to vector<1xf32>
      %reduce_sum3A_64 = vector.shape_cast %reduce_sum3A_63 : vector<1xf32> to vector<1x1x1xf32>
      %reduce_sum3A_65 = vector.extract %reduce_sum3A_64[0, 0, 0] : f32 from vector<1x1x1xf32>
      %get3A_66 = arith.constant 2 : index
      %get3A_67 = arith.index_cast %shift_right_logical3A_40 : i32 to index
      %get3A_68 = arith.constant 0 : index
      %get3A_69 = vector.load %arg0[%get3A_66, %get3A_67, %get3A_68] : memref<3x128x128xf32, #tpu.memory_space<vmem>>, vector<1x1x128xf32>
      %get3A_70 = vector.shape_cast %get3A_69 : vector<1x1x128xf32> to vector<1x128xf32>
      %jit3A_71 = arith.constant 0.000000e+00 : f32
      %broadcast_in_dim3A_72 = vector.broadcast %jit3A_71 : f32 to vector<1x128xf32>
      %select_n3A_73 = arith.select %eq3A_42, %get3A_70, %broadcast_in_dim3A_72 : vector<1x128xi1>, vector<1x128xf32>
      %reduce_sum3A_74 = vector.shape_cast %select_n3A_73 : vector<1x128xf32> to vector<1x1x128xf32>
      %reduce_sum3A_75 = arith.constant dense<0.000000e+00> : vector<1xf32>
      %reduce_sum3A_76 = vector.multi_reduction <add>, %reduce_sum3A_74, %reduce_sum3A_75 [1, 2] : vector<1x1x128xf32> to vector<1xf32>
      %reduce_sum3A_77 = vector.shape_cast %reduce_sum3A_76 : vector<1xf32> to vector<1x1x1xf32>
      %reduce_sum3A_78 = vector.extract %reduce_sum3A_77[0, 0, 0] : f32 from vector<1x1x1xf32>
      %sub3A = vector.broadcast %reduce_sum3A_52 : f32 to vector<128x128xf32>
      %sub3A_79 = arith.subf %get3A_3, %sub3A : vector<128x128xf32>
      %sub3A_80 = vector.broadcast %reduce_sum3A_65 : f32 to vector<128x128xf32>
      %sub3A_81 = arith.subf %get3A_8, %sub3A_80 : vector<128x128xf32>
      %sub3A_82 = vector.broadcast %reduce_sum3A_78 : f32 to vector<128x128xf32>
      %sub3A_83 = arith.subf %get3A_13, %sub3A_82 : vector<128x128xf32>
      %mul3A_84 = arith.mulf %sub3A_79, %sub3A_79 : vector<128x128xf32>
      %mul3A_85 = arith.mulf %sub3A_81, %sub3A_81 : vector<128x128xf32>
      %add3A_86 = arith.addf %mul3A_84, %mul3A_85 : vector<128x128xf32>
      %mul3A_87 = arith.mulf %sub3A_83, %sub3A_83 : vector<128x128xf32>
      %add3A_88 = arith.addf %add3A_86, %mul3A_87 : vector<128x128xf32>
      %get3A_89 = arith.constant 0 : index
      %get3A_90 = arith.constant 0 : index
      %get3A_91 = vector.load %arg2[%get3A_89, %get3A_90] : memref<128x128xf32, #tpu.memory_space<vmem>>, vector<128x128xf32>
      %min3A = arith.minimumf %get3A_91, %add3A_88 : vector<128x128xf32>
      %swap3A_92 = arith.constant 0 : index
      %swap3A_93 = arith.constant 0 : index
      %swap3A_94 = vector.load %arg2[%swap3A_92, %swap3A_93] : memref<128x128xf32, #tpu.memory_space<vmem>>, vector<128x128xf32>
      tpu.vector_store %arg2[%swap3A_92, %swap3A_93], %min3A {strides = array<i32>} : memref<128x128xf32, #tpu.memory_space<vmem>>, vector<128x128xf32>,
      %reduce_max3A = vector.shape_cast %min3A : vector<128x128xf32> to vector<1x128x128xf32>
      %reduce_max3A_95 = arith.constant dense<0xFF800000> : vector<1xf32>
      %reduce_max3A_96 = vector.multi_reduction <maximumf>, %reduce_max3A, %reduce_max3A_95 [1, 2] : vector<1x128x128xf32> to vector<1xf32>
      %reduce_max3A_97 = vector.shape_cast %reduce_max3A_96 : vector<1xf32> to vector<1x1x1xf32>
      %reduce_max3A_98 = vector.extract %reduce_max3A_97[0, 0, 0] : f32 from vector<1x1x1xf32>
      %eq3A_99 = vector.broadcast %reduce_max3A_98 : f32 to vector<128x128xf32>
      %eq3A_100 = arith.cmpf oeq, %min3A, %eq3A_99 : vector<128x128xf32>
      %jit3A_101 = arith.constant 2147483647 : i32
      %broadcast_in_dim3A_102 = vector.broadcast %jit3A_101 : i32 to vector<128x128xi32>
      %select_n3A_103 = arith.select %eq3A_100, %add3A, %broadcast_in_dim3A_102 : vector<128x128xi1>, vector<128x128xi32>
      %reduce_min3A = vector.shape_cast %select_n3A_103 : vector<128x128xi32> to vector<1x128x128xi32>
      %reduce_min3A_104 = arith.constant dense<2147483647> : vector<1xi32>
      %reduce_min3A_105 = vector.multi_reduction <minsi>, %reduce_min3A, %reduce_min3A_104 [1, 2] : vector<1x128x128xi32> to vector<1xi32>
      %reduce_min3A_106 = vector.shape_cast %reduce_min3A_105 : vector<1xi32> to vector<1x1x1xi32>
      %reduce_min3A_107 = vector.extract %reduce_min3A_106[0, 0, 0] : i32 from vector<1x1x1xi32>
      %eq3A_108 = vector.broadcast %scan3A_38 : i32 to vector<32x128xi32>
      %eq3A_109 = arith.cmpi eq, %add3A_22, %eq3A_108 : vector<32x128xi32>
      %get3A_110 = arith.constant 0 : index
      %get3A_111 = arith.constant 0 : index
      %get3A_112 = vector.load %arg1[%get3A_110, %get3A_111] : memref<32x128xi32, #tpu.memory_space<vmem>>, vector<32x128xi32>
      %broadcast_in_dim3A_113 = vector.broadcast %reduce_min3A_107 : i32 to vector<32x128xi32>
      %select_n3A_114 = arith.select %eq3A_109, %broadcast_in_dim3A_113, %get3A_112 : vector<32x128xi1>, vector<32x128xi32>
      %swap3A_115 = arith.constant 0 : index
      %swap3A_116 = arith.constant 0 : index
      %swap3A_117 = vector.load %arg1[%swap3A_115, %swap3A_116] : memref<32x128xi32, #tpu.memory_space<vmem>>, vector<32x128xi32>
      tpu.vector_store %arg1[%swap3A_115, %swap3A_116], %select_n3A_114 {strides = array<i32>} : memref<32x128xi32, #tpu.memory_space<vmem>>, vector<32x128xi32>,
      scf.yield %reduce_min3A_107 : i32
    }
    %scan3A_37 = arith.constant 4095 : i32
    return
  }
}

module attributes {stable_mosaic.version = 14 : i64} {
  func.func @_prep_body(%arg0: i32, %arg1: memref<2048x64xf32, #tpu.memory_space<vmem>>, %arg2: memref<2048x8xf32, #tpu.memory_space<vmem>>, %arg3: memref<64x64xf32, #tpu.memory_space<vmem>>, %arg4: memref<2048x128xf32, #tpu.memory_space<vmem>>) attributes {dimension_semantics = [#tpu.dimension_semantics<arbitrary>], iteration_bounds = array<i64: 8>, scalar_prefetch = 0 : i64, scratch_operands = 0 : i64, tpu.core_type = #tpu.core_type<tc>, window_params = [{transform_indices = @transform_0, window_bounds = array<i64: 2048, 64>}, {transform_indices = @transform_1, window_bounds = array<i64: 2048, 8>}, {pipeline_mode = #tpu.pipeline_mode<synchronous>, transform_indices = @transform_2, window_bounds = array<i64: 64, 64>}, {transform_indices = @transform_3, window_bounds = array<i64: 2048, 128>}]} {
    %get3A = arith.constant 0 : index
    %get3A_0 = arith.constant 0 : index
    %get3A_1 = vector.load %arg1[%get3A, %get3A_0] : memref<2048x64xf32, #tpu.memory_space<vmem>>, vector<2048x64xf32>
    %convert_element_type3A = arith.truncf %get3A_1 : vector<2048x64xf32> to vector<2048x64xbf16>
    %get3A_2 = arith.constant 0 : index
    %get3A_3 = arith.constant 0 : index
    %get3A_4 = vector.load %arg3[%get3A_2, %get3A_3] : memref<64x64xf32, #tpu.memory_space<vmem>>, vector<64x64xf32>
    %convert_element_type3A_5 = arith.truncf %get3A_4 : vector<64x64xf32> to vector<64x64xbf16>
    %dot_general3A = arith.constant dense<0.000000e+00> : vector<2048x64xf32>
    %dot_general3A_6 = tpu.matmul %convert_element_type3A, %convert_element_type3A_5, %dot_general3A {dimension_numbers = #tpu.dot_dimension_numbers<[1], [0], [0], [1], [0, 0, 1, 1], [], []>, transpose_lhs_hint = false} : vector<2048x64xbf16>, vector<64x64xbf16>, vector<2048x64xf32> -> vector<2048x64xf32>
    %get3A_7 = arith.constant 0 : index
    %get3A_8 = arith.constant 0 : index
    %get3A_9 = vector.load %arg2[%get3A_7, %get3A_8] : memref<2048x8xf32, #tpu.memory_space<vmem>>, vector<2048x8xf32>
    %broadcast_in_dim3A = arith.constant 0.000000e+00 : f32
    %broadcast_in_dim3A_10 = vector.broadcast %broadcast_in_dim3A : f32 to vector<2048x56xf32>
    %concatenate3A = tpu.concatenate %dot_general3A_6, %get3A_9, %broadcast_in_dim3A_10 in 1 : vector<2048x64xf32>, vector<2048x8xf32>, vector<2048x56xf32> -> vector<2048x128xf32>
    %swap3A = arith.constant 0 : index
    %swap3A_11 = arith.constant 0 : index
    %swap3A_12 = vector.load %arg4[%swap3A, %swap3A_11] : memref<2048x128xf32, #tpu.memory_space<vmem>>, vector<2048x128xf32>
    tpu.vector_store %arg4[%swap3A, %swap3A_11], %concatenate3A {strides = array<i32>} : memref<2048x128xf32, #tpu.memory_space<vmem>>, vector<2048x128xf32>,
    return
  }
  func.func @transform_0(%arg0: i32) -> (i32, i32) {
    %c0_i32 = arith.constant 0 : i32
    %c0_i32_0 = arith.constant 0 : i32
    return %arg0, %c0_i32 : i32, i32
  }
  func.func @transform_1(%arg0: i32) -> (i32, i32) {
    %c0_i32 = arith.constant 0 : i32
    %c0_i32_0 = arith.constant 0 : i32
    return %arg0, %c0_i32 : i32, i32
  }
  func.func @transform_2(%arg0: i32) -> (i32, i32) {
    %c0_i32 = arith.constant 0 : i32
    %c0_i32_0 = arith.constant 0 : i32
    %c0_i32_1 = arith.constant 0 : i32
    return %c0_i32, %c0_i32_0 : i32, i32
  }
  func.func @transform_3(%arg0: i32) -> (i32, i32) {
    %c0_i32 = arith.constant 0 : i32
    %c0_i32_0 = arith.constant 0 : i32
    return %arg0, %c0_i32 : i32, i32
  }
}

module attributes {stable_mosaic.version = 14 : i64} {
  func.func @_mlp_body(%arg0: i32, %arg1: memref<4096x128xf32, #tpu.memory_space<vmem>>, %arg2: memref<6x32x128xf32, #tpu.memory_space<vmem>>, %arg3: memref<6x128xf32, #tpu.memory_space<vmem>>, %arg4: memref<128x32xi32, #tpu.memory_space<vmem>>, %arg5: memref<4x64xf32, #tpu.memory_space<vmem>>, %arg6: memref<1x64xf32, #tpu.memory_space<vmem>>, %arg7: memref<64x64xf32, #tpu.memory_space<vmem>>, %arg8: memref<1x64xf32, #tpu.memory_space<vmem>>, %arg9: memref<64x128xf32, #tpu.memory_space<vmem>>, %arg10: memref<1x128xf32, #tpu.memory_space<vmem>>, %arg11: memref<128x128xf32, #tpu.memory_space<vmem>>) attributes {dimension_semantics = [#tpu.dimension_semantics<arbitrary>], iteration_bounds = array<i64: 32>, scalar_prefetch = 0 : i64, scratch_operands = 0 : i64, tpu.core_type = #tpu.core_type<tc>, window_params = [{transform_indices = @transform_0, window_bounds = array<i64: 4096, 128>}, {transform_indices = @transform_1, window_bounds = array<i64: 6, 32, 128>}, {transform_indices = @transform_2, window_bounds = array<i64: 6, 128>}, {transform_indices = @transform_3, window_bounds = array<i64: 128, 32>}, {pipeline_mode = #tpu.pipeline_mode<synchronous>, transform_indices = @transform_4, window_bounds = array<i64: 4, 64>}, {pipeline_mode = #tpu.pipeline_mode<synchronous>, transform_indices = @transform_5, window_bounds = array<i64: 1, 64>}, {pipeline_mode = #tpu.pipeline_mode<synchronous>, transform_indices = @transform_6, window_bounds = array<i64: 64, 64>}, {pipeline_mode = #tpu.pipeline_mode<synchronous>, transform_indices = @transform_7, window_bounds = array<i64: 1, 64>}, {pipeline_mode = #tpu.pipeline_mode<synchronous>, transform_indices = @transform_8, window_bounds = array<i64: 64, 128>}, {pipeline_mode = #tpu.pipeline_mode<synchronous>, transform_indices = @transform_9, window_bounds = array<i64: 1, 128>}, {transform_indices = @transform_10, window_bounds = array<i64: 128, 128>}]} {
    %get3A = arith.constant 0 : index
    %get3A_0 = arith.constant 0 : index
    %get3A_1 = vector.load %arg4[%get3A, %get3A_0] : memref<128x32xi32, #tpu.memory_space<vmem>>, vector<128x32xi32>
    %get3A_2 = arith.constant 0 : index
    %get3A_3 = arith.constant 0 : index
    %get3A_4 = vector.load %arg5[%get3A_2, %get3A_3] : memref<4x64xf32, #tpu.memory_space<vmem>>, vector<4x64xf32>
    %convert_element_type3A = arith.truncf %get3A_4 : vector<4x64xf32> to vector<4x64xbf16>
    %get3A_5 = arith.constant 0 : index
    %get3A_6 = arith.constant 0 : index
    %get3A_7 = vector.load %arg7[%get3A_5, %get3A_6] : memref<64x64xf32, #tpu.memory_space<vmem>>, vector<64x64xf32>
    %convert_element_type3A_8 = arith.truncf %get3A_7 : vector<64x64xf32> to vector<64x64xbf16>
    %get3A_9 = arith.constant 0 : index
    %get3A_10 = arith.constant 0 : index
    %get3A_11 = vector.load %arg9[%get3A_9, %get3A_10] : memref<64x128xf32, #tpu.memory_space<vmem>>, vector<64x128xf32>
    %convert_element_type3A_12 = arith.truncf %get3A_11 : vector<64x128xf32> to vector<64x128xbf16>
    %get3A_13 = arith.constant 0 : index
    %get3A_14 = arith.constant 0 : index
    %get3A_15 = vector.load %arg6[%get3A_13, %get3A_14] : memref<1x64xf32, #tpu.memory_space<vmem>>, vector<1x64xf32>
    %get3A_16 = arith.constant 0 : index
    %get3A_17 = arith.constant 0 : index
    %get3A_18 = vector.load %arg8[%get3A_16, %get3A_17] : memref<1x64xf32, #tpu.memory_space<vmem>>, vector<1x64xf32>
    %get3A_19 = arith.constant 0 : index
    %get3A_20 = arith.constant 0 : index
    %get3A_21 = vector.load %arg10[%get3A_19, %get3A_20] : memref<1x128xf32, #tpu.memory_space<vmem>>, vector<1x128xf32>
    %get3A_22 = arith.constant 0 : index
    %get3A_23 = arith.constant 0 : index
    %get3A_24 = vector.load %arg3[%get3A_22, %get3A_23] : memref<6x128xf32, #tpu.memory_space<vmem>>, vector<6x128xf32>
    %slice3A = vector.extract_strided_slice %get3A_24 {offsets = [0, 0], sizes = [1, 128], strides = [1, 1]} : vector<6x128xf32> to vector<1x128xf32>
    %slice3A_25 = vector.extract_strided_slice %get3A_24 {offsets = [1, 0], sizes = [1, 128], strides = [1, 1]} : vector<6x128xf32> to vector<1x128xf32>
    %slice3A_26 = vector.extract_strided_slice %get3A_24 {offsets = [2, 0], sizes = [1, 128], strides = [1, 1]} : vector<6x128xf32> to vector<1x128xf32>
    %slice3A_27 = vector.extract_strided_slice %get3A_24 {offsets = [3, 0], sizes = [1, 128], strides = [1, 1]} : vector<6x128xf32> to vector<1x128xf32>
    %slice3A_28 = vector.extract_strided_slice %get3A_24 {offsets = [4, 0], sizes = [1, 128], strides = [1, 1]} : vector<6x128xf32> to vector<1x128xf32>
    %slice3A_29 = vector.extract_strided_slice %get3A_24 {offsets = [5, 0], sizes = [1, 128], strides = [1, 1]} : vector<6x128xf32> to vector<1x128xf32>
    %get3A_30 = arith.constant 0 : index
    %get3A_31 = arith.constant 0 : index
    %get3A_32 = arith.constant 0 : index
    %get3A_33 = vector.load %arg2[%get3A_30, %get3A_31, %get3A_32] : memref<6x32x128xf32, #tpu.memory_space<vmem>>, vector<1x32x128xf32>
    %get3A_34 = vector.shape_cast %get3A_33 : vector<1x32x128xf32> to vector<32x128xf32>
    %get3A_35 = arith.constant 1 : index
    %get3A_36 = arith.constant 0 : index
    %get3A_37 = arith.constant 0 : index
    %get3A_38 = vector.load %arg2[%get3A_35, %get3A_36, %get3A_37] : memref<6x32x128xf32, #tpu.memory_space<vmem>>, vector<1x32x128xf32>
    %get3A_39 = vector.shape_cast %get3A_38 : vector<1x32x128xf32> to vector<32x128xf32>
    %get3A_40 = arith.constant 2 : index
    %get3A_41 = arith.constant 0 : index
    %get3A_42 = arith.constant 0 : index
    %get3A_43 = vector.load %arg2[%get3A_40, %get3A_41, %get3A_42] : memref<6x32x128xf32, #tpu.memory_space<vmem>>, vector<1x32x128xf32>
    %get3A_44 = vector.shape_cast %get3A_43 : vector<1x32x128xf32> to vector<32x128xf32>
    %get3A_45 = arith.constant 3 : index
    %get3A_46 = arith.constant 0 : index
    %get3A_47 = arith.constant 0 : index
    %get3A_48 = vector.load %arg2[%get3A_45, %get3A_46, %get3A_47] : memref<6x32x128xf32, #tpu.memory_space<vmem>>, vector<1x32x128xf32>
    %get3A_49 = vector.shape_cast %get3A_48 : vector<1x32x128xf32> to vector<32x128xf32>
    %get3A_50 = arith.constant 4 : index
    %get3A_51 = arith.constant 0 : index
    %get3A_52 = arith.constant 0 : index
    %get3A_53 = vector.load %arg2[%get3A_50, %get3A_51, %get3A_52] : memref<6x32x128xf32, #tpu.memory_space<vmem>>, vector<1x32x128xf32>
    %get3A_54 = vector.shape_cast %get3A_53 : vector<1x32x128xf32> to vector<32x128xf32>
    %get3A_55 = arith.constant 5 : index
    %get3A_56 = arith.constant 0 : index
    %get3A_57 = arith.constant 0 : index
    %get3A_58 = vector.load %arg2[%get3A_55, %get3A_56, %get3A_57] : memref<6x32x128xf32, #tpu.memory_space<vmem>>, vector<1x32x128xf32>
    %get3A_59 = vector.shape_cast %get3A_58 : vector<1x32x128xf32> to vector<32x128xf32>
    %sub3A = vector.broadcast %slice3A : vector<1x128xf32> to vector<32x128xf32>
    %sub3A_60 = arith.subf %get3A_34, %sub3A : vector<32x128xf32>
    %sub3A_61 = vector.broadcast %slice3A_25 : vector<1x128xf32> to vector<32x128xf32>
    %sub3A_62 = arith.subf %get3A_39, %sub3A_61 : vector<32x128xf32>
    %sub3A_63 = vector.broadcast %slice3A_26 : vector<1x128xf32> to vector<32x128xf32>
    %sub3A_64 = arith.subf %get3A_44, %sub3A_63 : vector<32x128xf32>
    %mul3A = arith.mulf %sub3A_60, %sub3A_60 : vector<32x128xf32>
    %mul3A_65 = arith.mulf %sub3A_62, %sub3A_62 : vector<32x128xf32>
    %add3A = arith.addf %mul3A, %mul3A_65 : vector<32x128xf32>
    %mul3A_66 = arith.mulf %sub3A_64, %sub3A_64 : vector<32x128xf32>
    %add3A_67 = arith.addf %add3A, %mul3A_66 : vector<32x128xf32>
    %sqrt3A = math.sqrt %add3A_67 : vector<32x128xf32>
    %mul3A_68 = vector.broadcast %slice3A_28 : vector<1x128xf32> to vector<32x128xf32>
    %mul3A_69 = arith.mulf %mul3A_68, %sub3A_64 : vector<32x128xf32>
    %mul3A_70 = vector.broadcast %slice3A_29 : vector<1x128xf32> to vector<32x128xf32>
    %mul3A_71 = arith.mulf %mul3A_70, %sub3A_62 : vector<32x128xf32>
    %sub3A_72 = arith.subf %mul3A_69, %mul3A_71 : vector<32x128xf32>
    %mul3A_73 = vector.broadcast %slice3A_29 : vector<1x128xf32> to vector<32x128xf32>
    %mul3A_74 = arith.mulf %mul3A_73, %sub3A_60 : vector<32x128xf32>
    %mul3A_75 = vector.broadcast %slice3A_27 : vector<1x128xf32> to vector<32x128xf32>
    %mul3A_76 = arith.mulf %mul3A_75, %sub3A_64 : vector<32x128xf32>
    %sub3A_77 = arith.subf %mul3A_74, %mul3A_76 : vector<32x128xf32>
    %mul3A_78 = vector.broadcast %slice3A_27 : vector<1x128xf32> to vector<32x128xf32>
    %mul3A_79 = arith.mulf %mul3A_78, %sub3A_62 : vector<32x128xf32>
    %mul3A_80 = vector.broadcast %slice3A_28 : vector<1x128xf32> to vector<32x128xf32>
    %mul3A_81 = arith.mulf %mul3A_80, %sub3A_60 : vector<32x128xf32>
    %sub3A_82 = arith.subf %mul3A_79, %mul3A_81 : vector<32x128xf32>
    %mul3A_83 = arith.mulf %sub3A_72, %sub3A_72 : vector<32x128xf32>
    %mul3A_84 = arith.mulf %sub3A_77, %sub3A_77 : vector<32x128xf32>
    %add3A_85 = arith.addf %mul3A_83, %mul3A_84 : vector<32x128xf32>
    %mul3A_86 = arith.mulf %sub3A_82, %sub3A_82 : vector<32x128xf32>
    %add3A_87 = arith.addf %add3A_85, %mul3A_86 : vector<32x128xf32>
    %sqrt3A_88 = math.sqrt %add3A_87 : vector<32x128xf32>
    %mul3A_89 = vector.broadcast %slice3A_27 : vector<1x128xf32> to vector<32x128xf32>
    %mul3A_90 = arith.mulf %mul3A_89, %sub3A_60 : vector<32x128xf32>
    %mul3A_91 = vector.broadcast %slice3A_28 : vector<1x128xf32> to vector<32x128xf32>
    %mul3A_92 = arith.mulf %mul3A_91, %sub3A_62 : vector<32x128xf32>
    %add3A_93 = arith.addf %mul3A_90, %mul3A_92 : vector<32x128xf32>
    %mul3A_94 = vector.broadcast %slice3A_29 : vector<1x128xf32> to vector<32x128xf32>
    %mul3A_95 = arith.mulf %mul3A_94, %sub3A_64 : vector<32x128xf32>
    %add3A_96 = arith.addf %add3A_93, %mul3A_95 : vector<32x128xf32>
    %atan23A = math.atan2 %sqrt3A_88, %add3A_96 : vector<32x128xf32>
    %mul3A_97 = arith.mulf %get3A_54, %sub3A_64 : vector<32x128xf32>
    %mul3A_98 = arith.mulf %get3A_59, %sub3A_62 : vector<32x128xf32>
    %sub3A_99 = arith.subf %mul3A_97, %mul3A_98 : vector<32x128xf32>
    %mul3A_100 = arith.mulf %get3A_59, %sub3A_60 : vector<32x128xf32>
    %mul3A_101 = arith.mulf %get3A_49, %sub3A_64 : vector<32x128xf32>
    %sub3A_102 = arith.subf %mul3A_100, %mul3A_101 : vector<32x128xf32>
    %mul3A_103 = arith.mulf %get3A_49, %sub3A_62 : vector<32x128xf32>
    %mul3A_104 = arith.mulf %get3A_54, %sub3A_60 : vector<32x128xf32>
    %sub3A_105 = arith.subf %mul3A_103, %mul3A_104 : vector<32x128xf32>
    %mul3A_106 = arith.mulf %sub3A_99, %sub3A_99 : vector<32x128xf32>
    %mul3A_107 = arith.mulf %sub3A_102, %sub3A_102 : vector<32x128xf32>
    %add3A_108 = arith.addf %mul3A_106, %mul3A_107 : vector<32x128xf32>
    %mul3A_109 = arith.mulf %sub3A_105, %sub3A_105 : vector<32x128xf32>
    %add3A_110 = arith.addf %add3A_108, %mul3A_109 : vector<32x128xf32>
    %sqrt3A_111 = math.sqrt %add3A_110 : vector<32x128xf32>
    %mul3A_112 = arith.mulf %get3A_49, %sub3A_60 : vector<32x128xf32>
    %mul3A_113 = arith.mulf %get3A_54, %sub3A_62 : vector<32x128xf32>
    %add3A_114 = arith.addf %mul3A_112, %mul3A_113 : vector<32x128xf32>
    %mul3A_115 = arith.mulf %get3A_59, %sub3A_64 : vector<32x128xf32>
    %add3A_116 = arith.addf %add3A_114, %mul3A_115 : vector<32x128xf32>
    %atan23A_117 = math.atan2 %sqrt3A_111, %add3A_116 : vector<32x128xf32>
    %mul3A_118 = vector.broadcast %slice3A_28 : vector<1x128xf32> to vector<32x128xf32>
    %mul3A_119 = arith.mulf %mul3A_118, %get3A_59 : vector<32x128xf32>
    %mul3A_120 = vector.broadcast %slice3A_29 : vector<1x128xf32> to vector<32x128xf32>
    %mul3A_121 = arith.mulf %mul3A_120, %get3A_54 : vector<32x128xf32>
    %sub3A_122 = arith.subf %mul3A_119, %mul3A_121 : vector<32x128xf32>
    %mul3A_123 = vector.broadcast %slice3A_29 : vector<1x128xf32> to vector<32x128xf32>
    %mul3A_124 = arith.mulf %mul3A_123, %get3A_49 : vector<32x128xf32>
    %mul3A_125 = vector.broadcast %slice3A_27 : vector<1x128xf32> to vector<32x128xf32>
    %mul3A_126 = arith.mulf %mul3A_125, %get3A_59 : vector<32x128xf32>
    %sub3A_127 = arith.subf %mul3A_124, %mul3A_126 : vector<32x128xf32>
    %mul3A_128 = vector.broadcast %slice3A_27 : vector<1x128xf32> to vector<32x128xf32>
    %mul3A_129 = arith.mulf %mul3A_128, %get3A_54 : vector<32x128xf32>
    %mul3A_130 = vector.broadcast %slice3A_28 : vector<1x128xf32> to vector<32x128xf32>
    %mul3A_131 = arith.mulf %mul3A_130, %get3A_49 : vector<32x128xf32>
    %sub3A_132 = arith.subf %mul3A_129, %mul3A_131 : vector<32x128xf32>
    %mul3A_133 = arith.mulf %sub3A_122, %sub3A_122 : vector<32x128xf32>
    %mul3A_134 = arith.mulf %sub3A_127, %sub3A_127 : vector<32x128xf32>
    %add3A_135 = arith.addf %mul3A_133, %mul3A_134 : vector<32x128xf32>
    %mul3A_136 = arith.mulf %sub3A_132, %sub3A_132 : vector<32x128xf32>
    %add3A_137 = arith.addf %add3A_135, %mul3A_136 : vector<32x128xf32>
    %sqrt3A_138 = math.sqrt %add3A_137 : vector<32x128xf32>
    %mul3A_139 = vector.broadcast %slice3A_27 : vector<1x128xf32> to vector<32x128xf32>
    %mul3A_140 = arith.mulf %mul3A_139, %get3A_49 : vector<32x128xf32>
    %mul3A_141 = vector.broadcast %slice3A_28 : vector<1x128xf32> to vector<32x128xf32>
    %mul3A_142 = arith.mulf %mul3A_141, %get3A_54 : vector<32x128xf32>
    %add3A_143 = arith.addf %mul3A_140, %mul3A_142 : vector<32x128xf32>
    %mul3A_144 = vector.broadcast %slice3A_29 : vector<1x128xf32> to vector<32x128xf32>
    %mul3A_145 = arith.mulf %mul3A_144, %get3A_59 : vector<32x128xf32>
    %add3A_146 = arith.addf %add3A_143, %mul3A_145 : vector<32x128xf32>
    %atan23A_147 = math.atan2 %sqrt3A_138, %add3A_146 : vector<32x128xf32>
    %concatenate3A = tpu.concatenate %sqrt3A, %atan23A, %atan23A_117, %atan23A_147 in 0 : vector<32x128xf32>, vector<32x128xf32>, vector<32x128xf32>, vector<32x128xf32> -> vector<128x128xf32>
    %transpose3A = tpu.transpose %concatenate3A, [1, 0] : vector<128x128xf32> -> vector<128x128xf32>
    %broadcast_in_dim3A = arith.constant 0xFF800000 : f32
    %broadcast_in_dim3A_148 = vector.broadcast %broadcast_in_dim3A : f32 to vector<128x128xf32>
    %get3A_149 = arith.constant 0 : index
    %get3A_150 = arith.constant 0 : index
    %get3A_151 = vector.load %arg1[%get3A_149, %get3A_150] : memref<4096x128xf32, #tpu.memory_space<vmem>>, vector<128x128xf32>
    %slice3A_152 = vector.extract_strided_slice %get3A_151 {offsets = [0, 0], sizes = [128, 64], strides = [1, 1]} : vector<128x128xf32> to vector<128x64xf32>
    %slice3A_153 = vector.extract_strided_slice %transpose3A {offsets = [0, 0], sizes = [128, 1], strides = [1, 1]} : vector<128x128xf32> to vector<128x1xf32>
    %slice3A_154 = vector.extract_strided_slice %transpose3A {offsets = [0, 32], sizes = [128, 1], strides = [1, 1]} : vector<128x128xf32> to vector<128x1xf32>
    %slice3A_155 = vector.extract_strided_slice %transpose3A {offsets = [0, 64], sizes = [128, 1], strides = [1, 1]} : vector<128x128xf32> to vector<128x1xf32>
    %slice3A_156 = vector.extract_strided_slice %transpose3A {offsets = [0, 96], sizes = [128, 1], strides = [1, 1]} : vector<128x128xf32> to vector<128x1xf32>
    %concatenate3A_157 = tpu.concatenate %slice3A_153, %slice3A_154, %slice3A_155, %slice3A_156 in 1 : vector<128x1xf32>, vector<128x1xf32>, vector<128x1xf32>, vector<128x1xf32> -> vector<128x4xf32>
    %convert_element_type3A_158 = arith.truncf %concatenate3A_157 : vector<128x4xf32> to vector<128x4xbf16>
    %dot_general3A = arith.constant dense<0.000000e+00> : vector<128x64xf32>
    %dot_general3A_159 = tpu.matmul %convert_element_type3A_158, %convert_element_type3A, %dot_general3A {dimension_numbers = #tpu.dot_dimension_numbers<[1], [0], [0], [1], [0, 0, 1, 1], [], []>, transpose_lhs_hint = false} : vector<128x4xbf16>, vector<4x64xbf16>, vector<128x64xf32> -> vector<128x64xf32>
    %add3A_160 = arith.addf %slice3A_152, %dot_general3A_159 : vector<128x64xf32>
    %add3A_161 = vector.broadcast %get3A_15 : vector<1x64xf32> to vector<128x64xf32>
    %add3A_162 = arith.addf %add3A_160, %add3A_161 : vector<128x64xf32>
    %max3A = arith.constant 0.000000e+00 : f32
    %max3A_163 = vector.broadcast %max3A : f32 to vector<128x64xf32>
    %max3A_164 = arith.maximumf %add3A_162, %max3A_163 : vector<128x64xf32>
    %convert_element_type3A_165 = arith.truncf %max3A_164 : vector<128x64xf32> to vector<128x64xbf16>
    %dot_general3A_166 = arith.constant dense<0.000000e+00> : vector<128x64xf32>
    %dot_general3A_167 = tpu.matmul %convert_element_type3A_165, %convert_element_type3A_8, %dot_general3A_166 {dimension_numbers = #tpu.dot_dimension_numbers<[1], [0], [0], [1], [0, 0, 1, 1], [], []>, transpose_lhs_hint = false} : vector<128x64xbf16>, vector<64x64xbf16>, vector<128x64xf32> -> vector<128x64xf32>
    %add3A_168 = vector.broadcast %get3A_18 : vector<1x64xf32> to vector<128x64xf32>
    %add3A_169 = arith.addf %dot_general3A_167, %add3A_168 : vector<128x64xf32>
    %max3A_170 = arith.constant 0.000000e+00 : f32
    %max3A_171 = vector.broadcast %max3A_170 : f32 to vector<128x64xf32>
    %max3A_172 = arith.maximumf %add3A_169, %max3A_171 : vector<128x64xf32>
    %convert_element_type3A_173 = arith.truncf %max3A_172 : vector<128x64xf32> to vector<128x64xbf16>
    %dot_general3A_174 = arith.constant dense<0.000000e+00> : vector<128x128xf32>
    %dot_general3A_175 = tpu.matmul %convert_element_type3A_173, %convert_element_type3A_12, %dot_general3A_174 {dimension_numbers = #tpu.dot_dimension_numbers<[1], [0], [0], [1], [0, 0, 1, 1], [], []>, transpose_lhs_hint = false} : vector<128x64xbf16>, vector<64x128xbf16>, vector<128x128xf32> -> vector<128x128xf32>
    %add3A_176 = vector.broadcast %get3A_21 : vector<1x128xf32> to vector<128x128xf32>
    %add3A_177 = arith.addf %dot_general3A_175, %add3A_176 : vector<128x128xf32>
    %slice3A_178 = vector.extract_strided_slice %get3A_1 {offsets = [0, 0], sizes = [128, 1], strides = [1, 1]} : vector<128x32xi32> to vector<128x1xi32>
    %gt3A = arith.constant 0 : i32
    %gt3A_179 = vector.broadcast %gt3A : i32 to vector<128x1xi32>
    %gt3A_180 = arith.cmpi sgt, %slice3A_178, %gt3A_179 : vector<128x1xi32>
    %jit3A = arith.constant 0xFF800000 : f32
    %broadcast_in_dim3A_181 = vector.shape_cast %gt3A_180 : vector<128x1xi1> to vector<128x1xi1>
    %broadcast_in_dim3A_182 = vector.broadcast %broadcast_in_dim3A_181 : vector<128x1xi1> to vector<128x128xi1>
    %broadcast_in_dim3A_183 = vector.broadcast %jit3A : f32 to vector<128x128xf32>
    %select_n3A = arith.select %broadcast_in_dim3A_182, %add3A_177, %broadcast_in_dim3A_183 : vector<128x128xi1>, vector<128x128xf32>
    %max3A_184 = arith.maximumf %broadcast_in_dim3A_148, %select_n3A : vector<128x128xf32>
    %get3A_185 = arith.constant 128 : index
    %get3A_186 = arith.constant 0 : index
    %get3A_187 = vector.load %arg1[%get3A_185, %get3A_186] : memref<4096x128xf32, #tpu.memory_space<vmem>>, vector<128x128xf32>
    %slice3A_188 = vector.extract_strided_slice %get3A_187 {offsets = [0, 0], sizes = [128, 64], strides = [1, 1]} : vector<128x128xf32> to vector<128x64xf32>
    %slice3A_189 = vector.extract_strided_slice %transpose3A {offsets = [0, 1], sizes = [128, 1], strides = [1, 1]} : vector<128x128xf32> to vector<128x1xf32>
    %slice3A_190 = vector.extract_strided_slice %transpose3A {offsets = [0, 33], sizes = [128, 1], strides = [1, 1]} : vector<128x128xf32> to vector<128x1xf32>
    %slice3A_191 = vector.extract_strided_slice %transpose3A {offsets = [0, 65], sizes = [128, 1], strides = [1, 1]} : vector<128x128xf32> to vector<128x1xf32>
    %slice3A_192 = vector.extract_strided_slice %transpose3A {offsets = [0, 97], sizes = [128, 1], strides = [1, 1]} : vector<128x128xf32> to vector<128x1xf32>
    %concatenate3A_193 = tpu.concatenate %slice3A_189, %slice3A_190, %slice3A_191, %slice3A_192 in 1 : vector<128x1xf32>, vector<128x1xf32>, vector<128x1xf32>, vector<128x1xf32> -> vector<128x4xf32>
    %convert_element_type3A_194 = arith.truncf %concatenate3A_193 : vector<128x4xf32> to vector<128x4xbf16>
    %dot_general3A_195 = arith.constant dense<0.000000e+00> : vector<128x64xf32>
    %dot_general3A_196 = tpu.matmul %convert_element_type3A_194, %convert_element_type3A, %dot_general3A_195 {dimension_numbers = #tpu.dot_dimension_numbers<[1], [0], [0], [1], [0, 0, 1, 1], [], []>, transpose_lhs_hint = false} : vector<128x4xbf16>, vector<4x64xbf16>, vector<128x64xf32> -> vector<128x64xf32>
    %add3A_197 = arith.addf %slice3A_188, %dot_general3A_196 : vector<128x64xf32>
    %add3A_198 = vector.broadcast %get3A_15 : vector<1x64xf32> to vector<128x64xf32>
    %add3A_199 = arith.addf %add3A_197, %add3A_198 : vector<128x64xf32>
    %max3A_200 = arith.constant 0.000000e+00 : f32
    %max3A_201 = vector.broadcast %max3A_200 : f32 to vector<128x64xf32>
    %max3A_202 = arith.maximumf %add3A_199, %max3A_201 : vector<128x64xf32>
    %convert_element_type3A_203 = arith.truncf %max3A_202 : vector<128x64xf32> to vector<128x64xbf16>
    %dot_general3A_204 = arith.constant dense<0.000000e+00> : vector<128x64xf32>
    %dot_general3A_205 = tpu.matmul %convert_element_type3A_203, %convert_element_type3A_8, %dot_general3A_204 {dimension_numbers = #tpu.dot_dimension_numbers<[1], [0], [0], [1], [0, 0, 1, 1], [], []>, transpose_lhs_hint = false} : vector<128x64xbf16>, vector<64x64xbf16>, vector<128x64xf32> -> vector<128x64xf32>
    %add3A_206 = vector.broadcast %get3A_18 : vector<1x64xf32> to vector<128x64xf32>
    %add3A_207 = arith.addf %dot_general3A_205, %add3A_206 : vector<128x64xf32>
    %max3A_208 = arith.constant 0.000000e+00 : f32
    %max3A_209 = vector.broadcast %max3A_208 : f32 to vector<128x64xf32>
    %max3A_210 = arith.maximumf %add3A_207, %max3A_209 : vector<128x64xf32>
    %convert_element_type3A_211 = arith.truncf %max3A_210 : vector<128x64xf32> to vector<128x64xbf16>
    %dot_general3A_212 = arith.constant dense<0.000000e+00> : vector<128x128xf32>
    %dot_general3A_213 = tpu.matmul %convert_element_type3A_211, %convert_element_type3A_12, %dot_general3A_212 {dimension_numbers = #tpu.dot_dimension_numbers<[1], [0], [0], [1], [0, 0, 1, 1], [], []>, transpose_lhs_hint = false} : vector<128x64xbf16>, vector<64x128xbf16>, vector<128x128xf32> -> vector<128x128xf32>
    %add3A_214 = vector.broadcast %get3A_21 : vector<1x128xf32> to vector<128x128xf32>
    %add3A_215 = arith.addf %dot_general3A_213, %add3A_214 : vector<128x128xf32>
    %slice3A_216 = vector.extract_strided_slice %get3A_1 {offsets = [0, 1], sizes = [128, 1], strides = [1, 1]} : vector<128x32xi32> to vector<128x1xi32>
    %gt3A_217 = arith.constant 0 : i32
    %gt3A_218 = vector.broadcast %gt3A_217 : i32 to vector<128x1xi32>
    %gt3A_219 = arith.cmpi sgt, %slice3A_216, %gt3A_218 : vector<128x1xi32>
    %jit3A_220 = arith.constant 0xFF800000 : f32
    %broadcast_in_dim3A_221 = vector.shape_cast %gt3A_219 : vector<128x1xi1> to vector<128x1xi1>
    %broadcast_in_dim3A_222 = vector.broadcast %broadcast_in_dim3A_221 : vector<128x1xi1> to vector<128x128xi1>
    %broadcast_in_dim3A_223 = vector.broadcast %jit3A_220 : f32 to vector<128x128xf32>
    %select_n3A_224 = arith.select %broadcast_in_dim3A_222, %add3A_215, %broadcast_in_dim3A_223 : vector<128x128xi1>, vector<128x128xf32>
    %max3A_225 = arith.maximumf %max3A_184, %select_n3A_224 : vector<128x128xf32>
    %get3A_226 = arith.constant 256 : index
    %get3A_227 = arith.constant 0 : index
    %get3A_228 = vector.load %arg1[%get3A_226, %get3A_227] : memref<4096x128xf32, #tpu.memory_space<vmem>>, vector<128x128xf32>
    %slice3A_229 = vector.extract_strided_slice %get3A_228 {offsets = [0, 0], sizes = [128, 64], strides = [1, 1]} : vector<128x128xf32> to vector<128x64xf32>
    %slice3A_230 = vector.extract_strided_slice %transpose3A {offsets = [0, 2], sizes = [128, 1], strides = [1, 1]} : vector<128x128xf32> to vector<128x1xf32>
    %slice3A_231 = vector.extract_strided_slice %transpose3A {offsets = [0, 34], sizes = [128, 1], strides = [1, 1]} : vector<128x128xf32> to vector<128x1xf32>
    %slice3A_232 = vector.extract_strided_slice %transpose3A {offsets = [0, 66], sizes = [128, 1], strides = [1, 1]} : vector<128x128xf32> to vector<128x1xf32>
    %slice3A_233 = vector.extract_strided_slice %transpose3A {offsets = [0, 98], sizes = [128, 1], strides = [1, 1]} : vector<128x128xf32> to vector<128x1xf32>
    %concatenate3A_234 = tpu.concatenate %slice3A_230, %slice3A_231, %slice3A_232, %slice3A_233 in 1 : vector<128x1xf32>, vector<128x1xf32>, vector<128x1xf32>, vector<128x1xf32> -> vector<128x4xf32>
    %convert_element_type3A_235 = arith.truncf %concatenate3A_234 : vector<128x4xf32> to vector<128x4xbf16>
    %dot_general3A_236 = arith.constant dense<0.000000e+00> : vector<128x64xf32>
    %dot_general3A_237 = tpu.matmul %convert_element_type3A_235, %convert_element_type3A, %dot_general3A_236 {dimension_numbers = #tpu.dot_dimension_numbers<[1], [0], [0], [1], [0, 0, 1, 1], [], []>, transpose_lhs_hint = false} : vector<128x4xbf16>, vector<4x64xbf16>, vector<128x64xf32> -> vector<128x64xf32>
    %add3A_238 = arith.addf %slice3A_229, %dot_general3A_237 : vector<128x64xf32>
    %add3A_239 = vector.broadcast %get3A_15 : vector<1x64xf32> to vector<128x64xf32>
    %add3A_240 = arith.addf %add3A_238, %add3A_239 : vector<128x64xf32>
    %max3A_241 = arith.constant 0.000000e+00 : f32
    %max3A_242 = vector.broadcast %max3A_241 : f32 to vector<128x64xf32>
    %max3A_243 = arith.maximumf %add3A_240, %max3A_242 : vector<128x64xf32>
    %convert_element_type3A_244 = arith.truncf %max3A_243 : vector<128x64xf32> to vector<128x64xbf16>
    %dot_general3A_245 = arith.constant dense<0.000000e+00> : vector<128x64xf32>
    %dot_general3A_246 = tpu.matmul %convert_element_type3A_244, %convert_element_type3A_8, %dot_general3A_245 {dimension_numbers = #tpu.dot_dimension_numbers<[1], [0], [0], [1], [0, 0, 1, 1], [], []>, transpose_lhs_hint = false} : vector<128x64xbf16>, vector<64x64xbf16>, vector<128x64xf32> -> vector<128x64xf32>
    %add3A_247 = vector.broadcast %get3A_18 : vector<1x64xf32> to vector<128x64xf32>
    %add3A_248 = arith.addf %dot_general3A_246, %add3A_247 : vector<128x64xf32>
    %max3A_249 = arith.constant 0.000000e+00 : f32
    %max3A_250 = vector.broadcast %max3A_249 : f32 to vector<128x64xf32>
    %max3A_251 = arith.maximumf %add3A_248, %max3A_250 : vector<128x64xf32>
    %convert_element_type3A_252 = arith.truncf %max3A_251 : vector<128x64xf32> to vector<128x64xbf16>
    %dot_general3A_253 = arith.constant dense<0.000000e+00> : vector<128x128xf32>
    %dot_general3A_254 = tpu.matmul %convert_element_type3A_252, %convert_element_type3A_12, %dot_general3A_253 {dimension_numbers = #tpu.dot_dimension_numbers<[1], [0], [0], [1], [0, 0, 1, 1], [], []>, transpose_lhs_hint = false} : vector<128x64xbf16>, vector<64x128xbf16>, vector<128x128xf32> -> vector<128x128xf32>
    %add3A_255 = vector.broadcast %get3A_21 : vector<1x128xf32> to vector<128x128xf32>
    %add3A_256 = arith.addf %dot_general3A_254, %add3A_255 : vector<128x128xf32>
    %slice3A_257 = vector.extract_strided_slice %get3A_1 {offsets = [0, 2], sizes = [128, 1], strides = [1, 1]} : vector<128x32xi32> to vector<128x1xi32>
    %gt3A_258 = arith.constant 0 : i32
    %gt3A_259 = vector.broadcast %gt3A_258 : i32 to vector<128x1xi32>
    %gt3A_260 = arith.cmpi sgt, %slice3A_257, %gt3A_259 : vector<128x1xi32>
    %jit3A_261 = arith.constant 0xFF800000 : f32
    %broadcast_in_dim3A_262 = vector.shape_cast %gt3A_260 : vector<128x1xi1> to vector<128x1xi1>
    %broadcast_in_dim3A_263 = vector.broadcast %broadcast_in_dim3A_262 : vector<128x1xi1> to vector<128x128xi1>
    %broadcast_in_dim3A_264 = vector.broadcast %jit3A_261 : f32 to vector<128x128xf32>
    %select_n3A_265 = arith.select %broadcast_in_dim3A_263, %add3A_256, %broadcast_in_dim3A_264 : vector<128x128xi1>, vector<128x128xf32>
    %max3A_266 = arith.maximumf %max3A_225, %select_n3A_265 : vector<128x128xf32>
    %get3A_267 = arith.constant 384 : index
    %get3A_268 = arith.constant 0 : index
    %get3A_269 = vector.load %arg1[%get3A_267, %get3A_268] : memref<4096x128xf32, #tpu.memory_space<vmem>>, vector<128x128xf32>
    %slice3A_270 = vector.extract_strided_slice %get3A_269 {offsets = [0, 0], sizes = [128, 64], strides = [1, 1]} : vector<128x128xf32> to vector<128x64xf32>
    %slice3A_271 = vector.extract_strided_slice %transpose3A {offsets = [0, 3], sizes = [128, 1], strides = [1, 1]} : vector<128x128xf32> to vector<128x1xf32>
    %slice3A_272 = vector.extract_strided_slice %transpose3A {offsets = [0, 35], sizes = [128, 1], strides = [1, 1]} : vector<128x128xf32> to vector<128x1xf32>
    %slice3A_273 = vector.extract_strided_slice %transpose3A {offsets = [0, 67], sizes = [128, 1], strides = [1, 1]} : vector<128x128xf32> to vector<128x1xf32>
    %slice3A_274 = vector.extract_strided_slice %transpose3A {offsets = [0, 99], sizes = [128, 1], strides = [1, 1]} : vector<128x128xf32> to vector<128x1xf32>
    %concatenate3A_275 = tpu.concatenate %slice3A_271, %slice3A_272, %slice3A_273, %slice3A_274 in 1 : vector<128x1xf32>, vector<128x1xf32>, vector<128x1xf32>, vector<128x1xf32> -> vector<128x4xf32>
    %convert_element_type3A_276 = arith.truncf %concatenate3A_275 : vector<128x4xf32> to vector<128x4xbf16>
    %dot_general3A_277 = arith.constant dense<0.000000e+00> : vector<128x64xf32>
    %dot_general3A_278 = tpu.matmul %convert_element_type3A_276, %convert_element_type3A, %dot_general3A_277 {dimension_numbers = #tpu.dot_dimension_numbers<[1], [0], [0], [1], [0, 0, 1, 1], [], []>, transpose_lhs_hint = false} : vector<128x4xbf16>, vector<4x64xbf16>, vector<128x64xf32> -> vector<128x64xf32>
    %add3A_279 = arith.addf %slice3A_270, %dot_general3A_278 : vector<128x64xf32>
    %add3A_280 = vector.broadcast %get3A_15 : vector<1x64xf32> to vector<128x64xf32>
    %add3A_281 = arith.addf %add3A_279, %add3A_280 : vector<128x64xf32>
    %max3A_282 = arith.constant 0.000000e+00 : f32
    %max3A_283 = vector.broadcast %max3A_282 : f32 to vector<128x64xf32>
    %max3A_284 = arith.maximumf %add3A_281, %max3A_283 : vector<128x64xf32>
    %convert_element_type3A_285 = arith.truncf %max3A_284 : vector<128x64xf32> to vector<128x64xbf16>
    %dot_general3A_286 = arith.constant dense<0.000000e+00> : vector<128x64xf32>
    %dot_general3A_287 = tpu.matmul %convert_element_type3A_285, %convert_element_type3A_8, %dot_general3A_286 {dimension_numbers = #tpu.dot_dimension_numbers<[1], [0], [0], [1], [0, 0, 1, 1], [], []>, transpose_lhs_hint = false} : vector<128x64xbf16>, vector<64x64xbf16>, vector<128x64xf32> -> vector<128x64xf32>
    %add3A_288 = vector.broadcast %get3A_18 : vector<1x64xf32> to vector<128x64xf32>
    %add3A_289 = arith.addf %dot_general3A_287, %add3A_288 : vector<128x64xf32>
    %max3A_290 = arith.constant 0.000000e+00 : f32
    %max3A_291 = vector.broadcast %max3A_290 : f32 to vector<128x64xf32>
    %max3A_292 = arith.maximumf %add3A_289, %max3A_291 : vector<128x64xf32>
    %convert_element_type3A_293 = arith.truncf %max3A_292 : vector<128x64xf32> to vector<128x64xbf16>
    %dot_general3A_294 = arith.constant dense<0.000000e+00> : vector<128x128xf32>
    %dot_general3A_295 = tpu.matmul %convert_element_type3A_293, %convert_element_type3A_12, %dot_general3A_294 {dimension_numbers = #tpu.dot_dimension_numbers<[1], [0], [0], [1], [0, 0, 1, 1], [], []>, transpose_lhs_hint = false} : vector<128x64xbf16>, vector<64x128xbf16>, vector<128x128xf32> -> vector<128x128xf32>
    %add3A_296 = vector.broadcast %get3A_21 : vector<1x128xf32> to vector<128x128xf32>
    %add3A_297 = arith.addf %dot_general3A_295, %add3A_296 : vector<128x128xf32>
    %slice3A_298 = vector.extract_strided_slice %get3A_1 {offsets = [0, 3], sizes = [128, 1], strides = [1, 1]} : vector<128x32xi32> to vector<128x1xi32>
    %gt3A_299 = arith.constant 0 : i32
    %gt3A_300 = vector.broadcast %gt3A_299 : i32 to vector<128x1xi32>
    %gt3A_301 = arith.cmpi sgt, %slice3A_298, %gt3A_300 : vector<128x1xi32>
    %jit3A_302 = arith.constant 0xFF800000 : f32
    %broadcast_in_dim3A_303 = vector.shape_cast %gt3A_301 : vector<128x1xi1> to vector<128x1xi1>
    %broadcast_in_dim3A_304 = vector.broadcast %broadcast_in_dim3A_303 : vector<128x1xi1> to vector<128x128xi1>
    %broadcast_in_dim3A_305 = vector.broadcast %jit3A_302 : f32 to vector<128x128xf32>
    %select_n3A_306 = arith.select %broadcast_in_dim3A_304, %add3A_297, %broadcast_in_dim3A_305 : vector<128x128xi1>, vector<128x128xf32>
    %max3A_307 = arith.maximumf %max3A_266, %select_n3A_306 : vector<128x128xf32>
    %get3A_308 = arith.constant 512 : index
    %get3A_309 = arith.constant 0 : index
    %get3A_310 = vector.load %arg1[%get3A_308, %get3A_309] : memref<4096x128xf32, #tpu.memory_space<vmem>>, vector<128x128xf32>
    %slice3A_311 = vector.extract_strided_slice %get3A_310 {offsets = [0, 0], sizes = [128, 64], strides = [1, 1]} : vector<128x128xf32> to vector<128x64xf32>
    %slice3A_312 = vector.extract_strided_slice %transpose3A {offsets = [0, 4], sizes = [128, 1], strides = [1, 1]} : vector<128x128xf32> to vector<128x1xf32>
    %slice3A_313 = vector.extract_strided_slice %transpose3A {offsets = [0, 36], sizes = [128, 1], strides = [1, 1]} : vector<128x128xf32> to vector<128x1xf32>
    %slice3A_314 = vector.extract_strided_slice %transpose3A {offsets = [0, 68], sizes = [128, 1], strides = [1, 1]} : vector<128x128xf32> to vector<128x1xf32>
    %slice3A_315 = vector.extract_strided_slice %transpose3A {offsets = [0, 100], sizes = [128, 1], strides = [1, 1]} : vector<128x128xf32> to vector<128x1xf32>
    %concatenate3A_316 = tpu.concatenate %slice3A_312, %slice3A_313, %slice3A_314, %slice3A_315 in 1 : vector<128x1xf32>, vector<128x1xf32>, vector<128x1xf32>, vector<128x1xf32> -> vector<128x4xf32>
    %convert_element_type3A_317 = arith.truncf %concatenate3A_316 : vector<128x4xf32> to vector<128x4xbf16>
    %dot_general3A_318 = arith.constant dense<0.000000e+00> : vector<128x64xf32>
    %dot_general3A_319 = tpu.matmul %convert_element_type3A_317, %convert_element_type3A, %dot_general3A_318 {dimension_numbers = #tpu.dot_dimension_numbers<[1], [0], [0], [1], [0, 0, 1, 1], [], []>, transpose_lhs_hint = false} : vector<128x4xbf16>, vector<4x64xbf16>, vector<128x64xf32> -> vector<128x64xf32>
    %add3A_320 = arith.addf %slice3A_311, %dot_general3A_319 : vector<128x64xf32>
    %add3A_321 = vector.broadcast %get3A_15 : vector<1x64xf32> to vector<128x64xf32>
    %add3A_322 = arith.addf %add3A_320, %add3A_321 : vector<128x64xf32>
    %max3A_323 = arith.constant 0.000000e+00 : f32
    %max3A_324 = vector.broadcast %max3A_323 : f32 to vector<128x64xf32>
    %max3A_325 = arith.maximumf %add3A_322, %max3A_324 : vector<128x64xf32>
    %convert_element_type3A_326 = arith.truncf %max3A_325 : vector<128x64xf32> to vector<128x64xbf16>
    %dot_general3A_327 = arith.constant dense<0.000000e+00> : vector<128x64xf32>
    %dot_general3A_328 = tpu.matmul %convert_element_type3A_326, %convert_element_type3A_8, %dot_general3A_327 {dimension_numbers = #tpu.dot_dimension_numbers<[1], [0], [0], [1], [0, 0, 1, 1], [], []>, transpose_lhs_hint = false} : vector<128x64xbf16>, vector<64x64xbf16>, vector<128x64xf32> -> vector<128x64xf32>
    %add3A_329 = vector.broadcast %get3A_18 : vector<1x64xf32> to vector<128x64xf32>
    %add3A_330 = arith.addf %dot_general3A_328, %add3A_329 : vector<128x64xf32>
    %max3A_331 = arith.constant 0.000000e+00 : f32
    %max3A_332 = vector.broadcast %max3A_331 : f32 to vector<128x64xf32>
    %max3A_333 = arith.maximumf %add3A_330, %max3A_332 : vector<128x64xf32>
    %convert_element_type3A_334 = arith.truncf %max3A_333 : vector<128x64xf32> to vector<128x64xbf16>
    %dot_general3A_335 = arith.constant dense<0.000000e+00> : vector<128x128xf32>
    %dot_general3A_336 = tpu.matmul %convert_element_type3A_334, %convert_element_type3A_12, %dot_general3A_335 {dimension_numbers = #tpu.dot_dimension_numbers<[1], [0], [0], [1], [0, 0, 1, 1], [], []>, transpose_lhs_hint = false} : vector<128x64xbf16>, vector<64x128xbf16>, vector<128x128xf32> -> vector<128x128xf32>
    %add3A_337 = vector.broadcast %get3A_21 : vector<1x128xf32> to vector<128x128xf32>
    %add3A_338 = arith.addf %dot_general3A_336, %add3A_337 : vector<128x128xf32>
    %slice3A_339 = vector.extract_strided_slice %get3A_1 {offsets = [0, 4], sizes = [128, 1], strides = [1, 1]} : vector<128x32xi32> to vector<128x1xi32>
    %gt3A_340 = arith.constant 0 : i32
    %gt3A_341 = vector.broadcast %gt3A_340 : i32 to vector<128x1xi32>
    %gt3A_342 = arith.cmpi sgt, %slice3A_339, %gt3A_341 : vector<128x1xi32>
    %jit3A_343 = arith.constant 0xFF800000 : f32
    %broadcast_in_dim3A_344 = vector.shape_cast %gt3A_342 : vector<128x1xi1> to vector<128x1xi1>
    %broadcast_in_dim3A_345 = vector.broadcast %broadcast_in_dim3A_344 : vector<128x1xi1> to vector<128x128xi1>
    %broadcast_in_dim3A_346 = vector.broadcast %jit3A_343 : f32 to vector<128x128xf32>
    %select_n3A_347 = arith.select %broadcast_in_dim3A_345, %add3A_338, %broadcast_in_dim3A_346 : vector<128x128xi1>, vector<128x128xf32>
    %max3A_348 = arith.maximumf %max3A_307, %select_n3A_347 : vector<128x128xf32>
    %get3A_349 = arith.constant 640 : index
    %get3A_350 = arith.constant 0 : index
    %get3A_351 = vector.load %arg1[%get3A_349, %get3A_350] : memref<4096x128xf32, #tpu.memory_space<vmem>>, vector<128x128xf32>
    %slice3A_352 = vector.extract_strided_slice %get3A_351 {offsets = [0, 0], sizes = [128, 64], strides = [1, 1]} : vector<128x128xf32> to vector<128x64xf32>
    %slice3A_353 = vector.extract_strided_slice %transpose3A {offsets = [0, 5], sizes = [128, 1], strides = [1, 1]} : vector<128x128xf32> to vector<128x1xf32>
    %slice3A_354 = vector.extract_strided_slice %transpose3A {offsets = [0, 37], sizes = [128, 1], strides = [1, 1]} : vector<128x128xf32> to vector<128x1xf32>
    %slice3A_355 = vector.extract_strided_slice %transpose3A {offsets = [0, 69], sizes = [128, 1], strides = [1, 1]} : vector<128x128xf32> to vector<128x1xf32>
    %slice3A_356 = vector.extract_strided_slice %transpose3A {offsets = [0, 101], sizes = [128, 1], strides = [1, 1]} : vector<128x128xf32> to vector<128x1xf32>
    %concatenate3A_357 = tpu.concatenate %slice3A_353, %slice3A_354, %slice3A_355, %slice3A_356 in 1 : vector<128x1xf32>, vector<128x1xf32>, vector<128x1xf32>, vector<128x1xf32> -> vector<128x4xf32>
    %convert_element_type3A_358 = arith.truncf %concatenate3A_357 : vector<128x4xf32> to vector<128x4xbf16>
    %dot_general3A_359 = arith.constant dense<0.000000e+00> : vector<128x64xf32>
    %dot_general3A_360 = tpu.matmul %convert_element_type3A_358, %convert_element_type3A, %dot_general3A_359 {dimension_numbers = #tpu.dot_dimension_numbers<[1], [0], [0], [1], [0, 0, 1, 1], [], []>, transpose_lhs_hint = false} : vector<128x4xbf16>, vector<4x64xbf16>, vector<128x64xf32> -> vector<128x64xf32>
    %add3A_361 = arith.addf %slice3A_352, %dot_general3A_360 : vector<128x64xf32>
    %add3A_362 = vector.broadcast %get3A_15 : vector<1x64xf32> to vector<128x64xf32>
    %add3A_363 = arith.addf %add3A_361, %add3A_362 : vector<128x64xf32>
    %max3A_364 = arith.constant 0.000000e+00 : f32
    %max3A_365 = vector.broadcast %max3A_364 : f32 to vector<128x64xf32>
    %max3A_366 = arith.maximumf %add3A_363, %max3A_365 : vector<128x64xf32>
    %convert_element_type3A_367 = arith.truncf %max3A_366 : vector<128x64xf32> to vector<128x64xbf16>
    %dot_general3A_368 = arith.constant dense<0.000000e+00> : vector<128x64xf32>
    %dot_general3A_369 = tpu.matmul %convert_element_type3A_367, %convert_element_type3A_8, %dot_general3A_368 {dimension_numbers = #tpu.dot_dimension_numbers<[1], [0], [0], [1], [0, 0, 1, 1], [], []>, transpose_lhs_hint = false} : vector<128x64xbf16>, vector<64x64xbf16>, vector<128x64xf32> -> vector<128x64xf32>
    %add3A_370 = vector.broadcast %get3A_18 : vector<1x64xf32> to vector<128x64xf32>
    %add3A_371 = arith.addf %dot_general3A_369, %add3A_370 : vector<128x64xf32>
    %max3A_372 = arith.constant 0.000000e+00 : f32
    %max3A_373 = vector.broadcast %max3A_372 : f32 to vector<128x64xf32>
    %max3A_374 = arith.maximumf %add3A_371, %max3A_373 : vector<128x64xf32>
    %convert_element_type3A_375 = arith.truncf %max3A_374 : vector<128x64xf32> to vector<128x64xbf16>
    %dot_general3A_376 = arith.constant dense<0.000000e+00> : vector<128x128xf32>
    %dot_general3A_377 = tpu.matmul %convert_element_type3A_375, %convert_element_type3A_12, %dot_general3A_376 {dimension_numbers = #tpu.dot_dimension_numbers<[1], [0], [0], [1], [0, 0, 1, 1], [], []>, transpose_lhs_hint = false} : vector<128x64xbf16>, vector<64x128xbf16>, vector<128x128xf32> -> vector<128x128xf32>
    %add3A_378 = vector.broadcast %get3A_21 : vector<1x128xf32> to vector<128x128xf32>
    %add3A_379 = arith.addf %dot_general3A_377, %add3A_378 : vector<128x128xf32>
    %slice3A_380 = vector.extract_strided_slice %get3A_1 {offsets = [0, 5], sizes = [128, 1], strides = [1, 1]} : vector<128x32xi32> to vector<128x1xi32>
    %gt3A_381 = arith.constant 0 : i32
    %gt3A_382 = vector.broadcast %gt3A_381 : i32 to vector<128x1xi32>
    %gt3A_383 = arith.cmpi sgt, %slice3A_380, %gt3A_382 : vector<128x1xi32>
    %jit3A_384 = arith.constant 0xFF800000 : f32
    %broadcast_in_dim3A_385 = vector.shape_cast %gt3A_383 : vector<128x1xi1> to vector<128x1xi1>
    %broadcast_in_dim3A_386 = vector.broadcast %broadcast_in_dim3A_385 : vector<128x1xi1> to vector<128x128xi1>
    %broadcast_in_dim3A_387 = vector.broadcast %jit3A_384 : f32 to vector<128x128xf32>
    %select_n3A_388 = arith.select %broadcast_in_dim3A_386, %add3A_379, %broadcast_in_dim3A_387 : vector<128x128xi1>, vector<128x128xf32>
    %max3A_389 = arith.maximumf %max3A_348, %select_n3A_388 : vector<128x128xf32>
    %get3A_390 = arith.constant 768 : index
    %get3A_391 = arith.constant 0 : index
    %get3A_392 = vector.load %arg1[%get3A_390, %get3A_391] : memref<4096x128xf32, #tpu.memory_space<vmem>>, vector<128x128xf32>
    %slice3A_393 = vector.extract_strided_slice %get3A_392 {offsets = [0, 0], sizes = [128, 64], strides = [1, 1]} : vector<128x128xf32> to vector<128x64xf32>
    %slice3A_394 = vector.extract_strided_slice %transpose3A {offsets = [0, 6], sizes = [128, 1], strides = [1, 1]} : vector<128x128xf32> to vector<128x1xf32>
    %slice3A_395 = vector.extract_strided_slice %transpose3A {offsets = [0, 38], sizes = [128, 1], strides = [1, 1]} : vector<128x128xf32> to vector<128x1xf32>
    %slice3A_396 = vector.extract_strided_slice %transpose3A {offsets = [0, 70], sizes = [128, 1], strides = [1, 1]} : vector<128x128xf32> to vector<128x1xf32>
    %slice3A_397 = vector.extract_strided_slice %transpose3A {offsets = [0, 102], sizes = [128, 1], strides = [1, 1]} : vector<128x128xf32> to vector<128x1xf32>
    %concatenate3A_398 = tpu.concatenate %slice3A_394, %slice3A_395, %slice3A_396, %slice3A_397 in 1 : vector<128x1xf32>, vector<128x1xf32>, vector<128x1xf32>, vector<128x1xf32> -> vector<128x4xf32>
    %convert_element_type3A_399 = arith.truncf %concatenate3A_398 : vector<128x4xf32> to vector<128x4xbf16>
    %dot_general3A_400 = arith.constant dense<0.000000e+00> : vector<128x64xf32>
    %dot_general3A_401 = tpu.matmul %convert_element_type3A_399, %convert_element_type3A, %dot_general3A_400 {dimension_numbers = #tpu.dot_dimension_numbers<[1], [0], [0], [1], [0, 0, 1, 1], [], []>, transpose_lhs_hint = false} : vector<128x4xbf16>, vector<4x64xbf16>, vector<128x64xf32> -> vector<128x64xf32>
    %add3A_402 = arith.addf %slice3A_393, %dot_general3A_401 : vector<128x64xf32>
    %add3A_403 = vector.broadcast %get3A_15 : vector<1x64xf32> to vector<128x64xf32>
    %add3A_404 = arith.addf %add3A_402, %add3A_403 : vector<128x64xf32>
    %max3A_405 = arith.constant 0.000000e+00 : f32
    %max3A_406 = vector.broadcast %max3A_405 : f32 to vector<128x64xf32>
    %max3A_407 = arith.maximumf %add3A_404, %max3A_406 : vector<128x64xf32>
    %convert_element_type3A_408 = arith.truncf %max3A_407 : vector<128x64xf32> to vector<128x64xbf16>
    %dot_general3A_409 = arith.constant dense<0.000000e+00> : vector<128x64xf32>
    %dot_general3A_410 = tpu.matmul %convert_element_type3A_408, %convert_element_type3A_8, %dot_general3A_409 {dimension_numbers = #tpu.dot_dimension_numbers<[1], [0], [0], [1], [0, 0, 1, 1], [], []>, transpose_lhs_hint = false} : vector<128x64xbf16>, vector<64x64xbf16>, vector<128x64xf32> -> vector<128x64xf32>
    %add3A_411 = vector.broadcast %get3A_18 : vector<1x64xf32> to vector<128x64xf32>
    %add3A_412 = arith.addf %dot_general3A_410, %add3A_411 : vector<128x64xf32>
    %max3A_413 = arith.constant 0.000000e+00 : f32
    %max3A_414 = vector.broadcast %max3A_413 : f32 to vector<128x64xf32>
    %max3A_415 = arith.maximumf %add3A_412, %max3A_414 : vector<128x64xf32>
    %convert_element_type3A_416 = arith.truncf %max3A_415 : vector<128x64xf32> to vector<128x64xbf16>
    %dot_general3A_417 = arith.constant dense<0.000000e+00> : vector<128x128xf32>
    %dot_general3A_418 = tpu.matmul %convert_element_type3A_416, %convert_element_type3A_12, %dot_general3A_417 {dimension_numbers = #tpu.dot_dimension_numbers<[1], [0], [0], [1], [0, 0, 1, 1], [], []>, transpose_lhs_hint = false} : vector<128x64xbf16>, vector<64x128xbf16>, vector<128x128xf32> -> vector<128x128xf32>
    %add3A_419 = vector.broadcast %get3A_21 : vector<1x128xf32> to vector<128x128xf32>
    %add3A_420 = arith.addf %dot_general3A_418, %add3A_419 : vector<128x128xf32>
    %slice3A_421 = vector.extract_strided_slice %get3A_1 {offsets = [0, 6], sizes = [128, 1], strides = [1, 1]} : vector<128x32xi32> to vector<128x1xi32>
    %gt3A_422 = arith.constant 0 : i32
    %gt3A_423 = vector.broadcast %gt3A_422 : i32 to vector<128x1xi32>
    %gt3A_424 = arith.cmpi sgt, %slice3A_421, %gt3A_423 : vector<128x1xi32>
    %jit3A_425 = arith.constant 0xFF800000 : f32
    %broadcast_in_dim3A_426 = vector.shape_cast %gt3A_424 : vector<128x1xi1> to vector<128x1xi1>
    %broadcast_in_dim3A_427 = vector.broadcast %broadcast_in_dim3A_426 : vector<128x1xi1> to vector<128x128xi1>
    %broadcast_in_dim3A_428 = vector.broadcast %jit3A_425 : f32 to vector<128x128xf32>
    %select_n3A_429 = arith.select %broadcast_in_dim3A_427, %add3A_420, %broadcast_in_dim3A_428 : vector<128x128xi1>, vector<128x128xf32>
    %max3A_430 = arith.maximumf %max3A_389, %select_n3A_429 : vector<128x128xf32>
    %get3A_431 = arith.constant 896 : index
    %get3A_432 = arith.constant 0 : index
    %get3A_433 = vector.load %arg1[%get3A_431, %get3A_432] : memref<4096x128xf32, #tpu.memory_space<vmem>>, vector<128x128xf32>
    %slice3A_434 = vector.extract_strided_slice %get3A_433 {offsets = [0, 0], sizes = [128, 64], strides = [1, 1]} : vector<128x128xf32> to vector<128x64xf32>
    %slice3A_435 = vector.extract_strided_slice %transpose3A {offsets = [0, 7], sizes = [128, 1], strides = [1, 1]} : vector<128x128xf32> to vector<128x1xf32>
    %slice3A_436 = vector.extract_strided_slice %transpose3A {offsets = [0, 39], sizes = [128, 1], strides = [1, 1]} : vector<128x128xf32> to vector<128x1xf32>
    %slice3A_437 = vector.extract_strided_slice %transpose3A {offsets = [0, 71], sizes = [128, 1], strides = [1, 1]} : vector<128x128xf32> to vector<128x1xf32>
    %slice3A_438 = vector.extract_strided_slice %transpose3A {offsets = [0, 103], sizes = [128, 1], strides = [1, 1]} : vector<128x128xf32> to vector<128x1xf32>
    %concatenate3A_439 = tpu.concatenate %slice3A_435, %slice3A_436, %slice3A_437, %slice3A_438 in 1 : vector<128x1xf32>, vector<128x1xf32>, vector<128x1xf32>, vector<128x1xf32> -> vector<128x4xf32>
    %convert_element_type3A_440 = arith.truncf %concatenate3A_439 : vector<128x4xf32> to vector<128x4xbf16>
    %dot_general3A_441 = arith.constant dense<0.000000e+00> : vector<128x64xf32>
    %dot_general3A_442 = tpu.matmul %convert_element_type3A_440, %convert_element_type3A, %dot_general3A_441 {dimension_numbers = #tpu.dot_dimension_numbers<[1], [0], [0], [1], [0, 0, 1, 1], [], []>, transpose_lhs_hint = false} : vector<128x4xbf16>, vector<4x64xbf16>, vector<128x64xf32> -> vector<128x64xf32>
    %add3A_443 = arith.addf %slice3A_434, %dot_general3A_442 : vector<128x64xf32>
    %add3A_444 = vector.broadcast %get3A_15 : vector<1x64xf32> to vector<128x64xf32>
    %add3A_445 = arith.addf %add3A_443, %add3A_444 : vector<128x64xf32>
    %max3A_446 = arith.constant 0.000000e+00 : f32
    %max3A_447 = vector.broadcast %max3A_446 : f32 to vector<128x64xf32>
    %max3A_448 = arith.maximumf %add3A_445, %max3A_447 : vector<128x64xf32>
    %convert_element_type3A_449 = arith.truncf %max3A_448 : vector<128x64xf32> to vector<128x64xbf16>
    %dot_general3A_450 = arith.constant dense<0.000000e+00> : vector<128x64xf32>
    %dot_general3A_451 = tpu.matmul %convert_element_type3A_449, %convert_element_type3A_8, %dot_general3A_450 {dimension_numbers = #tpu.dot_dimension_numbers<[1], [0], [0], [1], [0, 0, 1, 1], [], []>, transpose_lhs_hint = false} : vector<128x64xbf16>, vector<64x64xbf16>, vector<128x64xf32> -> vector<128x64xf32>
    %add3A_452 = vector.broadcast %get3A_18 : vector<1x64xf32> to vector<128x64xf32>
    %add3A_453 = arith.addf %dot_general3A_451, %add3A_452 : vector<128x64xf32>
    %max3A_454 = arith.constant 0.000000e+00 : f32
    %max3A_455 = vector.broadcast %max3A_454 : f32 to vector<128x64xf32>
    %max3A_456 = arith.maximumf %add3A_453, %max3A_455 : vector<128x64xf32>
    %convert_element_type3A_457 = arith.truncf %max3A_456 : vector<128x64xf32> to vector<128x64xbf16>
    %dot_general3A_458 = arith.constant dense<0.000000e+00> : vector<128x128xf32>
    %dot_general3A_459 = tpu.matmul %convert_element_type3A_457, %convert_element_type3A_12, %dot_general3A_458 {dimension_numbers = #tpu.dot_dimension_numbers<[1], [0], [0], [1], [0, 0, 1, 1], [], []>, transpose_lhs_hint = false} : vector<128x64xbf16>, vector<64x128xbf16>, vector<128x128xf32> -> vector<128x128xf32>
    %add3A_460 = vector.broadcast %get3A_21 : vector<1x128xf32> to vector<128x128xf32>
    %add3A_461 = arith.addf %dot_general3A_459, %add3A_460 : vector<128x128xf32>
    %slice3A_462 = vector.extract_strided_slice %get3A_1 {offsets = [0, 7], sizes = [128, 1], strides = [1, 1]} : vector<128x32xi32> to vector<128x1xi32>
    %gt3A_463 = arith.constant 0 : i32
    %gt3A_464 = vector.broadcast %gt3A_463 : i32 to vector<128x1xi32>
    %gt3A_465 = arith.cmpi sgt, %slice3A_462, %gt3A_464 : vector<128x1xi32>
    %jit3A_466 = arith.constant 0xFF800000 : f32
    %broadcast_in_dim3A_467 = vector.shape_cast %gt3A_465 : vector<128x1xi1> to vector<128x1xi1>
    %broadcast_in_dim3A_468 = vector.broadcast %broadcast_in_dim3A_467 : vector<128x1xi1> to vector<128x128xi1>
    %broadcast_in_dim3A_469 = vector.broadcast %jit3A_466 : f32 to vector<128x128xf32>
    %select_n3A_470 = arith.select %broadcast_in_dim3A_468, %add3A_461, %broadcast_in_dim3A_469 : vector<128x128xi1>, vector<128x128xf32>
    %max3A_471 = arith.maximumf %max3A_430, %select_n3A_470 : vector<128x128xf32>
    %get3A_472 = arith.constant 1024 : index
    %get3A_473 = arith.constant 0 : index
    %get3A_474 = vector.load %arg1[%get3A_472, %get3A_473] : memref<4096x128xf32, #tpu.memory_space<vmem>>, vector<128x128xf32>
    %slice3A_475 = vector.extract_strided_slice %get3A_474 {offsets = [0, 0], sizes = [128, 64], strides = [1, 1]} : vector<128x128xf32> to vector<128x64xf32>
    %slice3A_476 = vector.extract_strided_slice %transpose3A {offsets = [0, 8], sizes = [128, 1], strides = [1, 1]} : vector<128x128xf32> to vector<128x1xf32>
    %slice3A_477 = vector.extract_strided_slice %transpose3A {offsets = [0, 40], sizes = [128, 1], strides = [1, 1]} : vector<128x128xf32> to vector<128x1xf32>
    %slice3A_478 = vector.extract_strided_slice %transpose3A {offsets = [0, 72], sizes = [128, 1], strides = [1, 1]} : vector<128x128xf32> to vector<128x1xf32>
    %slice3A_479 = vector.extract_strided_slice %transpose3A {offsets = [0, 104], sizes = [128, 1], strides = [1, 1]} : vector<128x128xf32> to vector<128x1xf32>
    %concatenate3A_480 = tpu.concatenate %slice3A_476, %slice3A_477, %slice3A_478, %slice3A_479 in 1 : vector<128x1xf32>, vector<128x1xf32>, vector<128x1xf32>, vector<128x1xf32> -> vector<128x4xf32>
    %convert_element_type3A_481 = arith.truncf %concatenate3A_480 : vector<128x4xf32> to vector<128x4xbf16>
    %dot_general3A_482 = arith.constant dense<0.000000e+00> : vector<128x64xf32>
    %dot_general3A_483 = tpu.matmul %convert_element_type3A_481, %convert_element_type3A, %dot_general3A_482 {dimension_numbers = #tpu.dot_dimension_numbers<[1], [0], [0], [1], [0, 0, 1, 1], [], []>, transpose_lhs_hint = false} : vector<128x4xbf16>, vector<4x64xbf16>, vector<128x64xf32> -> vector<128x64xf32>
    %add3A_484 = arith.addf %slice3A_475, %dot_general3A_483 : vector<128x64xf32>
    %add3A_485 = vector.broadcast %get3A_15 : vector<1x64xf32> to vector<128x64xf32>
    %add3A_486 = arith.addf %add3A_484, %add3A_485 : vector<128x64xf32>
    %max3A_487 = arith.constant 0.000000e+00 : f32
    %max3A_488 = vector.broadcast %max3A_487 : f32 to vector<128x64xf32>
    %max3A_489 = arith.maximumf %add3A_486, %max3A_488 : vector<128x64xf32>
    %convert_element_type3A_490 = arith.truncf %max3A_489 : vector<128x64xf32> to vector<128x64xbf16>
    %dot_general3A_491 = arith.constant dense<0.000000e+00> : vector<128x64xf32>
    %dot_general3A_492 = tpu.matmul %convert_element_type3A_490, %convert_element_type3A_8, %dot_general3A_491 {dimension_numbers = #tpu.dot_dimension_numbers<[1], [0], [0], [1], [0, 0, 1, 1], [], []>, transpose_lhs_hint = false} : vector<128x64xbf16>, vector<64x64xbf16>, vector<128x64xf32> -> vector<128x64xf32>
    %add3A_493 = vector.broadcast %get3A_18 : vector<1x64xf32> to vector<128x64xf32>
    %add3A_494 = arith.addf %dot_general3A_492, %add3A_493 : vector<128x64xf32>
    %max3A_495 = arith.constant 0.000000e+00 : f32
    %max3A_496 = vector.broadcast %max3A_495 : f32 to vector<128x64xf32>
    %max3A_497 = arith.maximumf %add3A_494, %max3A_496 : vector<128x64xf32>
    %convert_element_type3A_498 = arith.truncf %max3A_497 : vector<128x64xf32> to vector<128x64xbf16>
    %dot_general3A_499 = arith.constant dense<0.000000e+00> : vector<128x128xf32>
    %dot_general3A_500 = tpu.matmul %convert_element_type3A_498, %convert_element_type3A_12, %dot_general3A_499 {dimension_numbers = #tpu.dot_dimension_numbers<[1], [0], [0], [1], [0, 0, 1, 1], [], []>, transpose_lhs_hint = false} : vector<128x64xbf16>, vector<64x128xbf16>, vector<128x128xf32> -> vector<128x128xf32>
    %add3A_501 = vector.broadcast %get3A_21 : vector<1x128xf32> to vector<128x128xf32>
    %add3A_502 = arith.addf %dot_general3A_500, %add3A_501 : vector<128x128xf32>
    %slice3A_503 = vector.extract_strided_slice %get3A_1 {offsets = [0, 8], sizes = [128, 1], strides = [1, 1]} : vector<128x32xi32> to vector<128x1xi32>
    %gt3A_504 = arith.constant 0 : i32
    %gt3A_505 = vector.broadcast %gt3A_504 : i32 to vector<128x1xi32>
    %gt3A_506 = arith.cmpi sgt, %slice3A_503, %gt3A_505 : vector<128x1xi32>
    %jit3A_507 = arith.constant 0xFF800000 : f32
    %broadcast_in_dim3A_508 = vector.shape_cast %gt3A_506 : vector<128x1xi1> to vector<128x1xi1>
    %broadcast_in_dim3A_509 = vector.broadcast %broadcast_in_dim3A_508 : vector<128x1xi1> to vector<128x128xi1>
    %broadcast_in_dim3A_510 = vector.broadcast %jit3A_507 : f32 to vector<128x128xf32>
    %select_n3A_511 = arith.select %broadcast_in_dim3A_509, %add3A_502, %broadcast_in_dim3A_510 : vector<128x128xi1>, vector<128x128xf32>
    %max3A_512 = arith.maximumf %max3A_471, %select_n3A_511 : vector<128x128xf32>
    %get3A_513 = arith.constant 1152 : index
    %get3A_514 = arith.constant 0 : index
    %get3A_515 = vector.load %arg1[%get3A_513, %get3A_514] : memref<4096x128xf32, #tpu.memory_space<vmem>>, vector<128x128xf32>
    %slice3A_516 = vector.extract_strided_slice %get3A_515 {offsets = [0, 0], sizes = [128, 64], strides = [1, 1]} : vector<128x128xf32> to vector<128x64xf32>
    %slice3A_517 = vector.extract_strided_slice %transpose3A {offsets = [0, 9], sizes = [128, 1], strides = [1, 1]} : vector<128x128xf32> to vector<128x1xf32>
    %slice3A_518 = vector.extract_strided_slice %transpose3A {offsets = [0, 41], sizes = [128, 1], strides = [1, 1]} : vector<128x128xf32> to vector<128x1xf32>
    %slice3A_519 = vector.extract_strided_slice %transpose3A {offsets = [0, 73], sizes = [128, 1], strides = [1, 1]} : vector<128x128xf32> to vector<128x1xf32>
    %slice3A_520 = vector.extract_strided_slice %transpose3A {offsets = [0, 105], sizes = [128, 1], strides = [1, 1]} : vector<128x128xf32> to vector<128x1xf32>
    %concatenate3A_521 = tpu.concatenate %slice3A_517, %slice3A_518, %slice3A_519, %slice3A_520 in 1 : vector<128x1xf32>, vector<128x1xf32>, vector<128x1xf32>, vector<128x1xf32> -> vector<128x4xf32>
    %convert_element_type3A_522 = arith.truncf %concatenate3A_521 : vector<128x4xf32> to vector<128x4xbf16>
    %dot_general3A_523 = arith.constant dense<0.000000e+00> : vector<128x64xf32>
    %dot_general3A_524 = tpu.matmul %convert_element_type3A_522, %convert_element_type3A, %dot_general3A_523 {dimension_numbers = #tpu.dot_dimension_numbers<[1], [0], [0], [1], [0, 0, 1, 1], [], []>, transpose_lhs_hint = false} : vector<128x4xbf16>, vector<4x64xbf16>, vector<128x64xf32> -> vector<128x64xf32>
    %add3A_525 = arith.addf %slice3A_516, %dot_general3A_524 : vector<128x64xf32>
    %add3A_526 = vector.broadcast %get3A_15 : vector<1x64xf32> to vector<128x64xf32>
    %add3A_527 = arith.addf %add3A_525, %add3A_526 : vector<128x64xf32>
    %max3A_528 = arith.constant 0.000000e+00 : f32
    %max3A_529 = vector.broadcast %max3A_528 : f32 to vector<128x64xf32>
    %max3A_530 = arith.maximumf %add3A_527, %max3A_529 : vector<128x64xf32>
    %convert_element_type3A_531 = arith.truncf %max3A_530 : vector<128x64xf32> to vector<128x64xbf16>
    %dot_general3A_532 = arith.constant dense<0.000000e+00> : vector<128x64xf32>
    %dot_general3A_533 = tpu.matmul %convert_element_type3A_531, %convert_element_type3A_8, %dot_general3A_532 {dimension_numbers = #tpu.dot_dimension_numbers<[1], [0], [0], [1], [0, 0, 1, 1], [], []>, transpose_lhs_hint = false} : vector<128x64xbf16>, vector<64x64xbf16>, vector<128x64xf32> -> vector<128x64xf32>
    %add3A_534 = vector.broadcast %get3A_18 : vector<1x64xf32> to vector<128x64xf32>
    %add3A_535 = arith.addf %dot_general3A_533, %add3A_534 : vector<128x64xf32>
    %max3A_536 = arith.constant 0.000000e+00 : f32
    %max3A_537 = vector.broadcast %max3A_536 : f32 to vector<128x64xf32>
    %max3A_538 = arith.maximumf %add3A_535, %max3A_537 : vector<128x64xf32>
    %convert_element_type3A_539 = arith.truncf %max3A_538 : vector<128x64xf32> to vector<128x64xbf16>
    %dot_general3A_540 = arith.constant dense<0.000000e+00> : vector<128x128xf32>
    %dot_general3A_541 = tpu.matmul %convert_element_type3A_539, %convert_element_type3A_12, %dot_general3A_540 {dimension_numbers = #tpu.dot_dimension_numbers<[1], [0], [0], [1], [0, 0, 1, 1], [], []>, transpose_lhs_hint = false} : vector<128x64xbf16>, vector<64x128xbf16>, vector<128x128xf32> -> vector<128x128xf32>
    %add3A_542 = vector.broadcast %get3A_21 : vector<1x128xf32> to vector<128x128xf32>
    %add3A_543 = arith.addf %dot_general3A_541, %add3A_542 : vector<128x128xf32>
    %slice3A_544 = vector.extract_strided_slice %get3A_1 {offsets = [0, 9], sizes = [128, 1], strides = [1, 1]} : vector<128x32xi32> to vector<128x1xi32>
    %gt3A_545 = arith.constant 0 : i32
    %gt3A_546 = vector.broadcast %gt3A_545 : i32 to vector<128x1xi32>
    %gt3A_547 = arith.cmpi sgt, %slice3A_544, %gt3A_546 : vector<128x1xi32>
    %jit3A_548 = arith.constant 0xFF800000 : f32
    %broadcast_in_dim3A_549 = vector.shape_cast %gt3A_547 : vector<128x1xi1> to vector<128x1xi1>
    %broadcast_in_dim3A_550 = vector.broadcast %broadcast_in_dim3A_549 : vector<128x1xi1> to vector<128x128xi1>
    %broadcast_in_dim3A_551 = vector.broadcast %jit3A_548 : f32 to vector<128x128xf32>
    %select_n3A_552 = arith.select %broadcast_in_dim3A_550, %add3A_543, %broadcast_in_dim3A_551 : vector<128x128xi1>, vector<128x128xf32>
    %max3A_553 = arith.maximumf %max3A_512, %select_n3A_552 : vector<128x128xf32>
    %get3A_554 = arith.constant 1280 : index
    %get3A_555 = arith.constant 0 : index
    %get3A_556 = vector.load %arg1[%get3A_554, %get3A_555] : memref<4096x128xf32, #tpu.memory_space<vmem>>, vector<128x128xf32>
    %slice3A_557 = vector.extract_strided_slice %get3A_556 {offsets = [0, 0], sizes = [128, 64], strides = [1, 1]} : vector<128x128xf32> to vector<128x64xf32>
    %slice3A_558 = vector.extract_strided_slice %transpose3A {offsets = [0, 10], sizes = [128, 1], strides = [1, 1]} : vector<128x128xf32> to vector<128x1xf32>
    %slice3A_559 = vector.extract_strided_slice %transpose3A {offsets = [0, 42], sizes = [128, 1], strides = [1, 1]} : vector<128x128xf32> to vector<128x1xf32>
    %slice3A_560 = vector.extract_strided_slice %transpose3A {offsets = [0, 74], sizes = [128, 1], strides = [1, 1]} : vector<128x128xf32> to vector<128x1xf32>
    %slice3A_561 = vector.extract_strided_slice %transpose3A {offsets = [0, 106], sizes = [128, 1], strides = [1, 1]} : vector<128x128xf32> to vector<128x1xf32>
    %concatenate3A_562 = tpu.concatenate %slice3A_558, %slice3A_559, %slice3A_560, %slice3A_561 in 1 : vector<128x1xf32>, vector<128x1xf32>, vector<128x1xf32>, vector<128x1xf32> -> vector<128x4xf32>
    %convert_element_type3A_563 = arith.truncf %concatenate3A_562 : vector<128x4xf32> to vector<128x4xbf16>
    %dot_general3A_564 = arith.constant dense<0.000000e+00> : vector<128x64xf32>
    %dot_general3A_565 = tpu.matmul %convert_element_type3A_563, %convert_element_type3A, %dot_general3A_564 {dimension_numbers = #tpu.dot_dimension_numbers<[1], [0], [0], [1], [0, 0, 1, 1], [], []>, transpose_lhs_hint = false} : vector<128x4xbf16>, vector<4x64xbf16>, vector<128x64xf32> -> vector<128x64xf32>
    %add3A_566 = arith.addf %slice3A_557, %dot_general3A_565 : vector<128x64xf32>
    %add3A_567 = vector.broadcast %get3A_15 : vector<1x64xf32> to vector<128x64xf32>
    %add3A_568 = arith.addf %add3A_566, %add3A_567 : vector<128x64xf32>
    %max3A_569 = arith.constant 0.000000e+00 : f32
    %max3A_570 = vector.broadcast %max3A_569 : f32 to vector<128x64xf32>
    %max3A_571 = arith.maximumf %add3A_568, %max3A_570 : vector<128x64xf32>
    %convert_element_type3A_572 = arith.truncf %max3A_571 : vector<128x64xf32> to vector<128x64xbf16>
    %dot_general3A_573 = arith.constant dense<0.000000e+00> : vector<128x64xf32>
    %dot_general3A_574 = tpu.matmul %convert_element_type3A_572, %convert_element_type3A_8, %dot_general3A_573 {dimension_numbers = #tpu.dot_dimension_numbers<[1], [0], [0], [1], [0, 0, 1, 1], [], []>, transpose_lhs_hint = false} : vector<128x64xbf16>, vector<64x64xbf16>, vector<128x64xf32> -> vector<128x64xf32>
    %add3A_575 = vector.broadcast %get3A_18 : vector<1x64xf32> to vector<128x64xf32>
    %add3A_576 = arith.addf %dot_general3A_574, %add3A_575 : vector<128x64xf32>
    %max3A_577 = arith.constant 0.000000e+00 : f32
    %max3A_578 = vector.broadcast %max3A_577 : f32 to vector<128x64xf32>
    %max3A_579 = arith.maximumf %add3A_576, %max3A_578 : vector<128x64xf32>
    %convert_element_type3A_580 = arith.truncf %max3A_579 : vector<128x64xf32> to vector<128x64xbf16>
    %dot_general3A_581 = arith.constant dense<0.000000e+00> : vector<128x128xf32>
    %dot_general3A_582 = tpu.matmul %convert_element_type3A_580, %convert_element_type3A_12, %dot_general3A_581 {dimension_numbers = #tpu.dot_dimension_numbers<[1], [0], [0], [1], [0, 0, 1, 1], [], []>, transpose_lhs_hint = false} : vector<128x64xbf16>, vector<64x128xbf16>, vector<128x128xf32> -> vector<128x128xf32>
    %add3A_583 = vector.broadcast %get3A_21 : vector<1x128xf32> to vector<128x128xf32>
    %add3A_584 = arith.addf %dot_general3A_582, %add3A_583 : vector<128x128xf32>
    %slice3A_585 = vector.extract_strided_slice %get3A_1 {offsets = [0, 10], sizes = [128, 1], strides = [1, 1]} : vector<128x32xi32> to vector<128x1xi32>
    %gt3A_586 = arith.constant 0 : i32
    %gt3A_587 = vector.broadcast %gt3A_586 : i32 to vector<128x1xi32>
    %gt3A_588 = arith.cmpi sgt, %slice3A_585, %gt3A_587 : vector<128x1xi32>
    %jit3A_589 = arith.constant 0xFF800000 : f32
    %broadcast_in_dim3A_590 = vector.shape_cast %gt3A_588 : vector<128x1xi1> to vector<128x1xi1>
    %broadcast_in_dim3A_591 = vector.broadcast %broadcast_in_dim3A_590 : vector<128x1xi1> to vector<128x128xi1>
    %broadcast_in_dim3A_592 = vector.broadcast %jit3A_589 : f32 to vector<128x128xf32>
    %select_n3A_593 = arith.select %broadcast_in_dim3A_591, %add3A_584, %broadcast_in_dim3A_592 : vector<128x128xi1>, vector<128x128xf32>
    %max3A_594 = arith.maximumf %max3A_553, %select_n3A_593 : vector<128x128xf32>
    %get3A_595 = arith.constant 1408 : index
    %get3A_596 = arith.constant 0 : index
    %get3A_597 = vector.load %arg1[%get3A_595, %get3A_596] : memref<4096x128xf32, #tpu.memory_space<vmem>>, vector<128x128xf32>
    %slice3A_598 = vector.extract_strided_slice %get3A_597 {offsets = [0, 0], sizes = [128, 64], strides = [1, 1]} : vector<128x128xf32> to vector<128x64xf32>
    %slice3A_599 = vector.extract_strided_slice %transpose3A {offsets = [0, 11], sizes = [128, 1], strides = [1, 1]} : vector<128x128xf32> to vector<128x1xf32>
    %slice3A_600 = vector.extract_strided_slice %transpose3A {offsets = [0, 43], sizes = [128, 1], strides = [1, 1]} : vector<128x128xf32> to vector<128x1xf32>
    %slice3A_601 = vector.extract_strided_slice %transpose3A {offsets = [0, 75], sizes = [128, 1], strides = [1, 1]} : vector<128x128xf32> to vector<128x1xf32>
    %slice3A_602 = vector.extract_strided_slice %transpose3A {offsets = [0, 107], sizes = [128, 1], strides = [1, 1]} : vector<128x128xf32> to vector<128x1xf32>
    %concatenate3A_603 = tpu.concatenate %slice3A_599, %slice3A_600, %slice3A_601, %slice3A_602 in 1 : vector<128x1xf32>, vector<128x1xf32>, vector<128x1xf32>, vector<128x1xf32> -> vector<128x4xf32>
    %convert_element_type3A_604 = arith.truncf %concatenate3A_603 : vector<128x4xf32> to vector<128x4xbf16>
    %dot_general3A_605 = arith.constant dense<0.000000e+00> : vector<128x64xf32>
    %dot_general3A_606 = tpu.matmul %convert_element_type3A_604, %convert_element_type3A, %dot_general3A_605 {dimension_numbers = #tpu.dot_dimension_numbers<[1], [0], [0], [1], [0, 0, 1, 1], [], []>, transpose_lhs_hint = false} : vector<128x4xbf16>, vector<4x64xbf16>, vector<128x64xf32> -> vector<128x64xf32>
    %add3A_607 = arith.addf %slice3A_598, %dot_general3A_606 : vector<128x64xf32>
    %add3A_608 = vector.broadcast %get3A_15 : vector<1x64xf32> to vector<128x64xf32>
    %add3A_609 = arith.addf %add3A_607, %add3A_608 : vector<128x64xf32>
    %max3A_610 = arith.constant 0.000000e+00 : f32
    %max3A_611 = vector.broadcast %max3A_610 : f32 to vector<128x64xf32>
    %max3A_612 = arith.maximumf %add3A_609, %max3A_611 : vector<128x64xf32>
    %convert_element_type3A_613 = arith.truncf %max3A_612 : vector<128x64xf32> to vector<128x64xbf16>
    %dot_general3A_614 = arith.constant dense<0.000000e+00> : vector<128x64xf32>
    %dot_general3A_615 = tpu.matmul %convert_element_type3A_613, %convert_element_type3A_8, %dot_general3A_614 {dimension_numbers = #tpu.dot_dimension_numbers<[1], [0], [0], [1], [0, 0, 1, 1], [], []>, transpose_lhs_hint = false} : vector<128x64xbf16>, vector<64x64xbf16>, vector<128x64xf32> -> vector<128x64xf32>
    %add3A_616 = vector.broadcast %get3A_18 : vector<1x64xf32> to vector<128x64xf32>
    %add3A_617 = arith.addf %dot_general3A_615, %add3A_616 : vector<128x64xf32>
    %max3A_618 = arith.constant 0.000000e+00 : f32
    %max3A_619 = vector.broadcast %max3A_618 : f32 to vector<128x64xf32>
    %max3A_620 = arith.maximumf %add3A_617, %max3A_619 : vector<128x64xf32>
    %convert_element_type3A_621 = arith.truncf %max3A_620 : vector<128x64xf32> to vector<128x64xbf16>
    %dot_general3A_622 = arith.constant dense<0.000000e+00> : vector<128x128xf32>
    %dot_general3A_623 = tpu.matmul %convert_element_type3A_621, %convert_element_type3A_12, %dot_general3A_622 {dimension_numbers = #tpu.dot_dimension_numbers<[1], [0], [0], [1], [0, 0, 1, 1], [], []>, transpose_lhs_hint = false} : vector<128x64xbf16>, vector<64x128xbf16>, vector<128x128xf32> -> vector<128x128xf32>
    %add3A_624 = vector.broadcast %get3A_21 : vector<1x128xf32> to vector<128x128xf32>
    %add3A_625 = arith.addf %dot_general3A_623, %add3A_624 : vector<128x128xf32>
    %slice3A_626 = vector.extract_strided_slice %get3A_1 {offsets = [0, 11], sizes = [128, 1], strides = [1, 1]} : vector<128x32xi32> to vector<128x1xi32>
    %gt3A_627 = arith.constant 0 : i32
    %gt3A_628 = vector.broadcast %gt3A_627 : i32 to vector<128x1xi32>
    %gt3A_629 = arith.cmpi sgt, %slice3A_626, %gt3A_628 : vector<128x1xi32>
    %jit3A_630 = arith.constant 0xFF800000 : f32
    %broadcast_in_dim3A_631 = vector.shape_cast %gt3A_629 : vector<128x1xi1> to vector<128x1xi1>
    %broadcast_in_dim3A_632 = vector.broadcast %broadcast_in_dim3A_631 : vector<128x1xi1> to vector<128x128xi1>
    %broadcast_in_dim3A_633 = vector.broadcast %jit3A_630 : f32 to vector<128x128xf32>
    %select_n3A_634 = arith.select %broadcast_in_dim3A_632, %add3A_625, %broadcast_in_dim3A_633 : vector<128x128xi1>, vector<128x128xf32>
    %max3A_635 = arith.maximumf %max3A_594, %select_n3A_634 : vector<128x128xf32>
    %get3A_636 = arith.constant 1536 : index
    %get3A_637 = arith.constant 0 : index
    %get3A_638 = vector.load %arg1[%get3A_636, %get3A_637] : memref<4096x128xf32, #tpu.memory_space<vmem>>, vector<128x128xf32>
    %slice3A_639 = vector.extract_strided_slice %get3A_638 {offsets = [0, 0], sizes = [128, 64], strides = [1, 1]} : vector<128x128xf32> to vector<128x64xf32>
    %slice3A_640 = vector.extract_strided_slice %transpose3A {offsets = [0, 12], sizes = [128, 1], strides = [1, 1]} : vector<128x128xf32> to vector<128x1xf32>
    %slice3A_641 = vector.extract_strided_slice %transpose3A {offsets = [0, 44], sizes = [128, 1], strides = [1, 1]} : vector<128x128xf32> to vector<128x1xf32>
    %slice3A_642 = vector.extract_strided_slice %transpose3A {offsets = [0, 76], sizes = [128, 1], strides = [1, 1]} : vector<128x128xf32> to vector<128x1xf32>
    %slice3A_643 = vector.extract_strided_slice %transpose3A {offsets = [0, 108], sizes = [128, 1], strides = [1, 1]} : vector<128x128xf32> to vector<128x1xf32>
    %concatenate3A_644 = tpu.concatenate %slice3A_640, %slice3A_641, %slice3A_642, %slice3A_643 in 1 : vector<128x1xf32>, vector<128x1xf32>, vector<128x1xf32>, vector<128x1xf32> -> vector<128x4xf32>
    %convert_element_type3A_645 = arith.truncf %concatenate3A_644 : vector<128x4xf32> to vector<128x4xbf16>
    %dot_general3A_646 = arith.constant dense<0.000000e+00> : vector<128x64xf32>
    %dot_general3A_647 = tpu.matmul %convert_element_type3A_645, %convert_element_type3A, %dot_general3A_646 {dimension_numbers = #tpu.dot_dimension_numbers<[1], [0], [0], [1], [0, 0, 1, 1], [], []>, transpose_lhs_hint = false} : vector<128x4xbf16>, vector<4x64xbf16>, vector<128x64xf32> -> vector<128x64xf32>
    %add3A_648 = arith.addf %slice3A_639, %dot_general3A_647 : vector<128x64xf32>
    %add3A_649 = vector.broadcast %get3A_15 : vector<1x64xf32> to vector<128x64xf32>
    %add3A_650 = arith.addf %add3A_648, %add3A_649 : vector<128x64xf32>
    %max3A_651 = arith.constant 0.000000e+00 : f32
    %max3A_652 = vector.broadcast %max3A_651 : f32 to vector<128x64xf32>
    %max3A_653 = arith.maximumf %add3A_650, %max3A_652 : vector<128x64xf32>
    %convert_element_type3A_654 = arith.truncf %max3A_653 : vector<128x64xf32> to vector<128x64xbf16>
    %dot_general3A_655 = arith.constant dense<0.000000e+00> : vector<128x64xf32>
    %dot_general3A_656 = tpu.matmul %convert_element_type3A_654, %convert_element_type3A_8, %dot_general3A_655 {dimension_numbers = #tpu.dot_dimension_numbers<[1], [0], [0], [1], [0, 0, 1, 1], [], []>, transpose_lhs_hint = false} : vector<128x64xbf16>, vector<64x64xbf16>, vector<128x64xf32> -> vector<128x64xf32>
    %add3A_657 = vector.broadcast %get3A_18 : vector<1x64xf32> to vector<128x64xf32>
    %add3A_658 = arith.addf %dot_general3A_656, %add3A_657 : vector<128x64xf32>
    %max3A_659 = arith.constant 0.000000e+00 : f32
    %max3A_660 = vector.broadcast %max3A_659 : f32 to vector<128x64xf32>
    %max3A_661 = arith.maximumf %add3A_658, %max3A_660 : vector<128x64xf32>
    %convert_element_type3A_662 = arith.truncf %max3A_661 : vector<128x64xf32> to vector<128x64xbf16>
    %dot_general3A_663 = arith.constant dense<0.000000e+00> : vector<128x128xf32>
    %dot_general3A_664 = tpu.matmul %convert_element_type3A_662, %convert_element_type3A_12, %dot_general3A_663 {dimension_numbers = #tpu.dot_dimension_numbers<[1], [0], [0], [1], [0, 0, 1, 1], [], []>, transpose_lhs_hint = false} : vector<128x64xbf16>, vector<64x128xbf16>, vector<128x128xf32> -> vector<128x128xf32>
    %add3A_665 = vector.broadcast %get3A_21 : vector<1x128xf32> to vector<128x128xf32>
    %add3A_666 = arith.addf %dot_general3A_664, %add3A_665 : vector<128x128xf32>
    %slice3A_667 = vector.extract_strided_slice %get3A_1 {offsets = [0, 12], sizes = [128, 1], strides = [1, 1]} : vector<128x32xi32> to vector<128x1xi32>
    %gt3A_668 = arith.constant 0 : i32
    %gt3A_669 = vector.broadcast %gt3A_668 : i32 to vector<128x1xi32>
    %gt3A_670 = arith.cmpi sgt, %slice3A_667, %gt3A_669 : vector<128x1xi32>
    %jit3A_671 = arith.constant 0xFF800000 : f32
    %broadcast_in_dim3A_672 = vector.shape_cast %gt3A_670 : vector<128x1xi1> to vector<128x1xi1>
    %broadcast_in_dim3A_673 = vector.broadcast %broadcast_in_dim3A_672 : vector<128x1xi1> to vector<128x128xi1>
    %broadcast_in_dim3A_674 = vector.broadcast %jit3A_671 : f32 to vector<128x128xf32>
    %select_n3A_675 = arith.select %broadcast_in_dim3A_673, %add3A_666, %broadcast_in_dim3A_674 : vector<128x128xi1>, vector<128x128xf32>
    %max3A_676 = arith.maximumf %max3A_635, %select_n3A_675 : vector<128x128xf32>
    %get3A_677 = arith.constant 1664 : index
    %get3A_678 = arith.constant 0 : index
    %get3A_679 = vector.load %arg1[%get3A_677, %get3A_678] : memref<4096x128xf32, #tpu.memory_space<vmem>>, vector<128x128xf32>
    %slice3A_680 = vector.extract_strided_slice %get3A_679 {offsets = [0, 0], sizes = [128, 64], strides = [1, 1]} : vector<128x128xf32> to vector<128x64xf32>
    %slice3A_681 = vector.extract_strided_slice %transpose3A {offsets = [0, 13], sizes = [128, 1], strides = [1, 1]} : vector<128x128xf32> to vector<128x1xf32>
    %slice3A_682 = vector.extract_strided_slice %transpose3A {offsets = [0, 45], sizes = [128, 1], strides = [1, 1]} : vector<128x128xf32> to vector<128x1xf32>
    %slice3A_683 = vector.extract_strided_slice %transpose3A {offsets = [0, 77], sizes = [128, 1], strides = [1, 1]} : vector<128x128xf32> to vector<128x1xf32>
    %slice3A_684 = vector.extract_strided_slice %transpose3A {offsets = [0, 109], sizes = [128, 1], strides = [1, 1]} : vector<128x128xf32> to vector<128x1xf32>
    %concatenate3A_685 = tpu.concatenate %slice3A_681, %slice3A_682, %slice3A_683, %slice3A_684 in 1 : vector<128x1xf32>, vector<128x1xf32>, vector<128x1xf32>, vector<128x1xf32> -> vector<128x4xf32>
    %convert_element_type3A_686 = arith.truncf %concatenate3A_685 : vector<128x4xf32> to vector<128x4xbf16>
    %dot_general3A_687 = arith.constant dense<0.000000e+00> : vector<128x64xf32>
    %dot_general3A_688 = tpu.matmul %convert_element_type3A_686, %convert_element_type3A, %dot_general3A_687 {dimension_numbers = #tpu.dot_dimension_numbers<[1], [0], [0], [1], [0, 0, 1, 1], [], []>, transpose_lhs_hint = false} : vector<128x4xbf16>, vector<4x64xbf16>, vector<128x64xf32> -> vector<128x64xf32>
    %add3A_689 = arith.addf %slice3A_680, %dot_general3A_688 : vector<128x64xf32>
    %add3A_690 = vector.broadcast %get3A_15 : vector<1x64xf32> to vector<128x64xf32>
    %add3A_691 = arith.addf %add3A_689, %add3A_690 : vector<128x64xf32>
    %max3A_692 = arith.constant 0.000000e+00 : f32
    %max3A_693 = vector.broadcast %max3A_692 : f32 to vector<128x64xf32>
    %max3A_694 = arith.maximumf %add3A_691, %max3A_693 : vector<128x64xf32>
    %convert_element_type3A_695 = arith.truncf %max3A_694 : vector<128x64xf32> to vector<128x64xbf16>
    %dot_general3A_696 = arith.constant dense<0.000000e+00> : vector<128x64xf32>
    %dot_general3A_697 = tpu.matmul %convert_element_type3A_695, %convert_element_type3A_8, %dot_general3A_696 {dimension_numbers = #tpu.dot_dimension_numbers<[1], [0], [0], [1], [0, 0, 1, 1], [], []>, transpose_lhs_hint = false} : vector<128x64xbf16>, vector<64x64xbf16>, vector<128x64xf32> -> vector<128x64xf32>
    %add3A_698 = vector.broadcast %get3A_18 : vector<1x64xf32> to vector<128x64xf32>
    %add3A_699 = arith.addf %dot_general3A_697, %add3A_698 : vector<128x64xf32>
    %max3A_700 = arith.constant 0.000000e+00 : f32
    %max3A_701 = vector.broadcast %max3A_700 : f32 to vector<128x64xf32>
    %max3A_702 = arith.maximumf %add3A_699, %max3A_701 : vector<128x64xf32>
    %convert_element_type3A_703 = arith.truncf %max3A_702 : vector<128x64xf32> to vector<128x64xbf16>
    %dot_general3A_704 = arith.constant dense<0.000000e+00> : vector<128x128xf32>
    %dot_general3A_705 = tpu.matmul %convert_element_type3A_703, %convert_element_type3A_12, %dot_general3A_704 {dimension_numbers = #tpu.dot_dimension_numbers<[1], [0], [0], [1], [0, 0, 1, 1], [], []>, transpose_lhs_hint = false} : vector<128x64xbf16>, vector<64x128xbf16>, vector<128x128xf32> -> vector<128x128xf32>
    %add3A_706 = vector.broadcast %get3A_21 : vector<1x128xf32> to vector<128x128xf32>
    %add3A_707 = arith.addf %dot_general3A_705, %add3A_706 : vector<128x128xf32>
    %slice3A_708 = vector.extract_strided_slice %get3A_1 {offsets = [0, 13], sizes = [128, 1], strides = [1, 1]} : vector<128x32xi32> to vector<128x1xi32>
    %gt3A_709 = arith.constant 0 : i32
    %gt3A_710 = vector.broadcast %gt3A_709 : i32 to vector<128x1xi32>
    %gt3A_711 = arith.cmpi sgt, %slice3A_708, %gt3A_710 : vector<128x1xi32>
    %jit3A_712 = arith.constant 0xFF800000 : f32
    %broadcast_in_dim3A_713 = vector.shape_cast %gt3A_711 : vector<128x1xi1> to vector<128x1xi1>
    %broadcast_in_dim3A_714 = vector.broadcast %broadcast_in_dim3A_713 : vector<128x1xi1> to vector<128x128xi1>
    %broadcast_in_dim3A_715 = vector.broadcast %jit3A_712 : f32 to vector<128x128xf32>
    %select_n3A_716 = arith.select %broadcast_in_dim3A_714, %add3A_707, %broadcast_in_dim3A_715 : vector<128x128xi1>, vector<128x128xf32>
    %max3A_717 = arith.maximumf %max3A_676, %select_n3A_716 : vector<128x128xf32>
    %get3A_718 = arith.constant 1792 : index
    %get3A_719 = arith.constant 0 : index
    %get3A_720 = vector.load %arg1[%get3A_718, %get3A_719] : memref<4096x128xf32, #tpu.memory_space<vmem>>, vector<128x128xf32>
    %slice3A_721 = vector.extract_strided_slice %get3A_720 {offsets = [0, 0], sizes = [128, 64], strides = [1, 1]} : vector<128x128xf32> to vector<128x64xf32>
    %slice3A_722 = vector.extract_strided_slice %transpose3A {offsets = [0, 14], sizes = [128, 1], strides = [1, 1]} : vector<128x128xf32> to vector<128x1xf32>
    %slice3A_723 = vector.extract_strided_slice %transpose3A {offsets = [0, 46], sizes = [128, 1], strides = [1, 1]} : vector<128x128xf32> to vector<128x1xf32>
    %slice3A_724 = vector.extract_strided_slice %transpose3A {offsets = [0, 78], sizes = [128, 1], strides = [1, 1]} : vector<128x128xf32> to vector<128x1xf32>
    %slice3A_725 = vector.extract_strided_slice %transpose3A {offsets = [0, 110], sizes = [128, 1], strides = [1, 1]} : vector<128x128xf32> to vector<128x1xf32>
    %concatenate3A_726 = tpu.concatenate %slice3A_722, %slice3A_723, %slice3A_724, %slice3A_725 in 1 : vector<128x1xf32>, vector<128x1xf32>, vector<128x1xf32>, vector<128x1xf32> -> vector<128x4xf32>
    %convert_element_type3A_727 = arith.truncf %concatenate3A_726 : vector<128x4xf32> to vector<128x4xbf16>
    %dot_general3A_728 = arith.constant dense<0.000000e+00> : vector<128x64xf32>
    %dot_general3A_729 = tpu.matmul %convert_element_type3A_727, %convert_element_type3A, %dot_general3A_728 {dimension_numbers = #tpu.dot_dimension_numbers<[1], [0], [0], [1], [0, 0, 1, 1], [], []>, transpose_lhs_hint = false} : vector<128x4xbf16>, vector<4x64xbf16>, vector<128x64xf32> -> vector<128x64xf32>
    %add3A_730 = arith.addf %slice3A_721, %dot_general3A_729 : vector<128x64xf32>
    %add3A_731 = vector.broadcast %get3A_15 : vector<1x64xf32> to vector<128x64xf32>
    %add3A_732 = arith.addf %add3A_730, %add3A_731 : vector<128x64xf32>
    %max3A_733 = arith.constant 0.000000e+00 : f32
    %max3A_734 = vector.broadcast %max3A_733 : f32 to vector<128x64xf32>
    %max3A_735 = arith.maximumf %add3A_732, %max3A_734 : vector<128x64xf32>
    %convert_element_type3A_736 = arith.truncf %max3A_735 : vector<128x64xf32> to vector<128x64xbf16>
    %dot_general3A_737 = arith.constant dense<0.000000e+00> : vector<128x64xf32>
    %dot_general3A_738 = tpu.matmul %convert_element_type3A_736, %convert_element_type3A_8, %dot_general3A_737 {dimension_numbers = #tpu.dot_dimension_numbers<[1], [0], [0], [1], [0, 0, 1, 1], [], []>, transpose_lhs_hint = false} : vector<128x64xbf16>, vector<64x64xbf16>, vector<128x64xf32> -> vector<128x64xf32>
    %add3A_739 = vector.broadcast %get3A_18 : vector<1x64xf32> to vector<128x64xf32>
    %add3A_740 = arith.addf %dot_general3A_738, %add3A_739 : vector<128x64xf32>
    %max3A_741 = arith.constant 0.000000e+00 : f32
    %max3A_742 = vector.broadcast %max3A_741 : f32 to vector<128x64xf32>
    %max3A_743 = arith.maximumf %add3A_740, %max3A_742 : vector<128x64xf32>
    %convert_element_type3A_744 = arith.truncf %max3A_743 : vector<128x64xf32> to vector<128x64xbf16>
    %dot_general3A_745 = arith.constant dense<0.000000e+00> : vector<128x128xf32>
    %dot_general3A_746 = tpu.matmul %convert_element_type3A_744, %convert_element_type3A_12, %dot_general3A_745 {dimension_numbers = #tpu.dot_dimension_numbers<[1], [0], [0], [1], [0, 0, 1, 1], [], []>, transpose_lhs_hint = false} : vector<128x64xbf16>, vector<64x128xbf16>, vector<128x128xf32> -> vector<128x128xf32>
    %add3A_747 = vector.broadcast %get3A_21 : vector<1x128xf32> to vector<128x128xf32>
    %add3A_748 = arith.addf %dot_general3A_746, %add3A_747 : vector<128x128xf32>
    %slice3A_749 = vector.extract_strided_slice %get3A_1 {offsets = [0, 14], sizes = [128, 1], strides = [1, 1]} : vector<128x32xi32> to vector<128x1xi32>
    %gt3A_750 = arith.constant 0 : i32
    %gt3A_751 = vector.broadcast %gt3A_750 : i32 to vector<128x1xi32>
    %gt3A_752 = arith.cmpi sgt, %slice3A_749, %gt3A_751 : vector<128x1xi32>
    %jit3A_753 = arith.constant 0xFF800000 : f32
    %broadcast_in_dim3A_754 = vector.shape_cast %gt3A_752 : vector<128x1xi1> to vector<128x1xi1>
    %broadcast_in_dim3A_755 = vector.broadcast %broadcast_in_dim3A_754 : vector<128x1xi1> to vector<128x128xi1>
    %broadcast_in_dim3A_756 = vector.broadcast %jit3A_753 : f32 to vector<128x128xf32>
    %select_n3A_757 = arith.select %broadcast_in_dim3A_755, %add3A_748, %broadcast_in_dim3A_756 : vector<128x128xi1>, vector<128x128xf32>
    %max3A_758 = arith.maximumf %max3A_717, %select_n3A_757 : vector<128x128xf32>
    %get3A_759 = arith.constant 1920 : index
    %get3A_760 = arith.constant 0 : index
    %get3A_761 = vector.load %arg1[%get3A_759, %get3A_760] : memref<4096x128xf32, #tpu.memory_space<vmem>>, vector<128x128xf32>
    %slice3A_762 = vector.extract_strided_slice %get3A_761 {offsets = [0, 0], sizes = [128, 64], strides = [1, 1]} : vector<128x128xf32> to vector<128x64xf32>
    %slice3A_763 = vector.extract_strided_slice %transpose3A {offsets = [0, 15], sizes = [128, 1], strides = [1, 1]} : vector<128x128xf32> to vector<128x1xf32>
    %slice3A_764 = vector.extract_strided_slice %transpose3A {offsets = [0, 47], sizes = [128, 1], strides = [1, 1]} : vector<128x128xf32> to vector<128x1xf32>
    %slice3A_765 = vector.extract_strided_slice %transpose3A {offsets = [0, 79], sizes = [128, 1], strides = [1, 1]} : vector<128x128xf32> to vector<128x1xf32>
    %slice3A_766 = vector.extract_strided_slice %transpose3A {offsets = [0, 111], sizes = [128, 1], strides = [1, 1]} : vector<128x128xf32> to vector<128x1xf32>
    %concatenate3A_767 = tpu.concatenate %slice3A_763, %slice3A_764, %slice3A_765, %slice3A_766 in 1 : vector<128x1xf32>, vector<128x1xf32>, vector<128x1xf32>, vector<128x1xf32> -> vector<128x4xf32>
    %convert_element_type3A_768 = arith.truncf %concatenate3A_767 : vector<128x4xf32> to vector<128x4xbf16>
    %dot_general3A_769 = arith.constant dense<0.000000e+00> : vector<128x64xf32>
    %dot_general3A_770 = tpu.matmul %convert_element_type3A_768, %convert_element_type3A, %dot_general3A_769 {dimension_numbers = #tpu.dot_dimension_numbers<[1], [0], [0], [1], [0, 0, 1, 1], [], []>, transpose_lhs_hint = false} : vector<128x4xbf16>, vector<4x64xbf16>, vector<128x64xf32> -> vector<128x64xf32>
    %add3A_771 = arith.addf %slice3A_762, %dot_general3A_770 : vector<128x64xf32>
    %add3A_772 = vector.broadcast %get3A_15 : vector<1x64xf32> to vector<128x64xf32>
    %add3A_773 = arith.addf %add3A_771, %add3A_772 : vector<128x64xf32>
    %max3A_774 = arith.constant 0.000000e+00 : f32
    %max3A_775 = vector.broadcast %max3A_774 : f32 to vector<128x64xf32>
    %max3A_776 = arith.maximumf %add3A_773, %max3A_775 : vector<128x64xf32>
    %convert_element_type3A_777 = arith.truncf %max3A_776 : vector<128x64xf32> to vector<128x64xbf16>
    %dot_general3A_778 = arith.constant dense<0.000000e+00> : vector<128x64xf32>
    %dot_general3A_779 = tpu.matmul %convert_element_type3A_777, %convert_element_type3A_8, %dot_general3A_778 {dimension_numbers = #tpu.dot_dimension_numbers<[1], [0], [0], [1], [0, 0, 1, 1], [], []>, transpose_lhs_hint = false} : vector<128x64xbf16>, vector<64x64xbf16>, vector<128x64xf32> -> vector<128x64xf32>
    %add3A_780 = vector.broadcast %get3A_18 : vector<1x64xf32> to vector<128x64xf32>
    %add3A_781 = arith.addf %dot_general3A_779, %add3A_780 : vector<128x64xf32>
    %max3A_782 = arith.constant 0.000000e+00 : f32
    %max3A_783 = vector.broadcast %max3A_782 : f32 to vector<128x64xf32>
    %max3A_784 = arith.maximumf %add3A_781, %max3A_783 : vector<128x64xf32>
    %convert_element_type3A_785 = arith.truncf %max3A_784 : vector<128x64xf32> to vector<128x64xbf16>
    %dot_general3A_786 = arith.constant dense<0.000000e+00> : vector<128x128xf32>
    %dot_general3A_787 = tpu.matmul %convert_element_type3A_785, %convert_element_type3A_12, %dot_general3A_786 {dimension_numbers = #tpu.dot_dimension_numbers<[1], [0], [0], [1], [0, 0, 1, 1], [], []>, transpose_lhs_hint = false} : vector<128x64xbf16>, vector<64x128xbf16>, vector<128x128xf32> -> vector<128x128xf32>
    %add3A_788 = vector.broadcast %get3A_21 : vector<1x128xf32> to vector<128x128xf32>
    %add3A_789 = arith.addf %dot_general3A_787, %add3A_788 : vector<128x128xf32>
    %slice3A_790 = vector.extract_strided_slice %get3A_1 {offsets = [0, 15], sizes = [128, 1], strides = [1, 1]} : vector<128x32xi32> to vector<128x1xi32>
    %gt3A_791 = arith.constant 0 : i32
    %gt3A_792 = vector.broadcast %gt3A_791 : i32 to vector<128x1xi32>
    %gt3A_793 = arith.cmpi sgt, %slice3A_790, %gt3A_792 : vector<128x1xi32>
    %jit3A_794 = arith.constant 0xFF800000 : f32
    %broadcast_in_dim3A_795 = vector.shape_cast %gt3A_793 : vector<128x1xi1> to vector<128x1xi1>
    %broadcast_in_dim3A_796 = vector.broadcast %broadcast_in_dim3A_795 : vector<128x1xi1> to vector<128x128xi1>
    %broadcast_in_dim3A_797 = vector.broadcast %jit3A_794 : f32 to vector<128x128xf32>
    %select_n3A_798 = arith.select %broadcast_in_dim3A_796, %add3A_789, %broadcast_in_dim3A_797 : vector<128x128xi1>, vector<128x128xf32>
    %max3A_799 = arith.maximumf %max3A_758, %select_n3A_798 : vector<128x128xf32>
    %get3A_800 = arith.constant 2048 : index
    %get3A_801 = arith.constant 0 : index
    %get3A_802 = vector.load %arg1[%get3A_800, %get3A_801] : memref<4096x128xf32, #tpu.memory_space<vmem>>, vector<128x128xf32>
    %slice3A_803 = vector.extract_strided_slice %get3A_802 {offsets = [0, 0], sizes = [128, 64], strides = [1, 1]} : vector<128x128xf32> to vector<128x64xf32>
    %slice3A_804 = vector.extract_strided_slice %transpose3A {offsets = [0, 16], sizes = [128, 1], strides = [1, 1]} : vector<128x128xf32> to vector<128x1xf32>
    %slice3A_805 = vector.extract_strided_slice %transpose3A {offsets = [0, 48], sizes = [128, 1], strides = [1, 1]} : vector<128x128xf32> to vector<128x1xf32>
    %slice3A_806 = vector.extract_strided_slice %transpose3A {offsets = [0, 80], sizes = [128, 1], strides = [1, 1]} : vector<128x128xf32> to vector<128x1xf32>
    %slice3A_807 = vector.extract_strided_slice %transpose3A {offsets = [0, 112], sizes = [128, 1], strides = [1, 1]} : vector<128x128xf32> to vector<128x1xf32>
    %concatenate3A_808 = tpu.concatenate %slice3A_804, %slice3A_805, %slice3A_806, %slice3A_807 in 1 : vector<128x1xf32>, vector<128x1xf32>, vector<128x1xf32>, vector<128x1xf32> -> vector<128x4xf32>
    %convert_element_type3A_809 = arith.truncf %concatenate3A_808 : vector<128x4xf32> to vector<128x4xbf16>
    %dot_general3A_810 = arith.constant dense<0.000000e+00> : vector<128x64xf32>
    %dot_general3A_811 = tpu.matmul %convert_element_type3A_809, %convert_element_type3A, %dot_general3A_810 {dimension_numbers = #tpu.dot_dimension_numbers<[1], [0], [0], [1], [0, 0, 1, 1], [], []>, transpose_lhs_hint = false} : vector<128x4xbf16>, vector<4x64xbf16>, vector<128x64xf32> -> vector<128x64xf32>
    %add3A_812 = arith.addf %slice3A_803, %dot_general3A_811 : vector<128x64xf32>
    %add3A_813 = vector.broadcast %get3A_15 : vector<1x64xf32> to vector<128x64xf32>
    %add3A_814 = arith.addf %add3A_812, %add3A_813 : vector<128x64xf32>
    %max3A_815 = arith.constant 0.000000e+00 : f32
    %max3A_816 = vector.broadcast %max3A_815 : f32 to vector<128x64xf32>
    %max3A_817 = arith.maximumf %add3A_814, %max3A_816 : vector<128x64xf32>
    %convert_element_type3A_818 = arith.truncf %max3A_817 : vector<128x64xf32> to vector<128x64xbf16>
    %dot_general3A_819 = arith.constant dense<0.000000e+00> : vector<128x64xf32>
    %dot_general3A_820 = tpu.matmul %convert_element_type3A_818, %convert_element_type3A_8, %dot_general3A_819 {dimension_numbers = #tpu.dot_dimension_numbers<[1], [0], [0], [1], [0, 0, 1, 1], [], []>, transpose_lhs_hint = false} : vector<128x64xbf16>, vector<64x64xbf16>, vector<128x64xf32> -> vector<128x64xf32>
    %add3A_821 = vector.broadcast %get3A_18 : vector<1x64xf32> to vector<128x64xf32>
    %add3A_822 = arith.addf %dot_general3A_820, %add3A_821 : vector<128x64xf32>
    %max3A_823 = arith.constant 0.000000e+00 : f32
    %max3A_824 = vector.broadcast %max3A_823 : f32 to vector<128x64xf32>
    %max3A_825 = arith.maximumf %add3A_822, %max3A_824 : vector<128x64xf32>
    %convert_element_type3A_826 = arith.truncf %max3A_825 : vector<128x64xf32> to vector<128x64xbf16>
    %dot_general3A_827 = arith.constant dense<0.000000e+00> : vector<128x128xf32>
    %dot_general3A_828 = tpu.matmul %convert_element_type3A_826, %convert_element_type3A_12, %dot_general3A_827 {dimension_numbers = #tpu.dot_dimension_numbers<[1], [0], [0], [1], [0, 0, 1, 1], [], []>, transpose_lhs_hint = false} : vector<128x64xbf16>, vector<64x128xbf16>, vector<128x128xf32> -> vector<128x128xf32>
    %add3A_829 = vector.broadcast %get3A_21 : vector<1x128xf32> to vector<128x128xf32>
    %add3A_830 = arith.addf %dot_general3A_828, %add3A_829 : vector<128x128xf32>
    %slice3A_831 = vector.extract_strided_slice %get3A_1 {offsets = [0, 16], sizes = [128, 1], strides = [1, 1]} : vector<128x32xi32> to vector<128x1xi32>
    %gt3A_832 = arith.constant 0 : i32
    %gt3A_833 = vector.broadcast %gt3A_832 : i32 to vector<128x1xi32>
    %gt3A_834 = arith.cmpi sgt, %slice3A_831, %gt3A_833 : vector<128x1xi32>
    %jit3A_835 = arith.constant 0xFF800000 : f32
    %broadcast_in_dim3A_836 = vector.shape_cast %gt3A_834 : vector<128x1xi1> to vector<128x1xi1>
    %broadcast_in_dim3A_837 = vector.broadcast %broadcast_in_dim3A_836 : vector<128x1xi1> to vector<128x128xi1>
    %broadcast_in_dim3A_838 = vector.broadcast %jit3A_835 : f32 to vector<128x128xf32>
    %select_n3A_839 = arith.select %broadcast_in_dim3A_837, %add3A_830, %broadcast_in_dim3A_838 : vector<128x128xi1>, vector<128x128xf32>
    %max3A_840 = arith.maximumf %max3A_799, %select_n3A_839 : vector<128x128xf32>
    %get3A_841 = arith.constant 2176 : index
    %get3A_842 = arith.constant 0 : index
    %get3A_843 = vector.load %arg1[%get3A_841, %get3A_842] : memref<4096x128xf32, #tpu.memory_space<vmem>>, vector<128x128xf32>
    %slice3A_844 = vector.extract_strided_slice %get3A_843 {offsets = [0, 0], sizes = [128, 64], strides = [1, 1]} : vector<128x128xf32> to vector<128x64xf32>
    %slice3A_845 = vector.extract_strided_slice %transpose3A {offsets = [0, 17], sizes = [128, 1], strides = [1, 1]} : vector<128x128xf32> to vector<128x1xf32>
    %slice3A_846 = vector.extract_strided_slice %transpose3A {offsets = [0, 49], sizes = [128, 1], strides = [1, 1]} : vector<128x128xf32> to vector<128x1xf32>
    %slice3A_847 = vector.extract_strided_slice %transpose3A {offsets = [0, 81], sizes = [128, 1], strides = [1, 1]} : vector<128x128xf32> to vector<128x1xf32>
    %slice3A_848 = vector.extract_strided_slice %transpose3A {offsets = [0, 113], sizes = [128, 1], strides = [1, 1]} : vector<128x128xf32> to vector<128x1xf32>
    %concatenate3A_849 = tpu.concatenate %slice3A_845, %slice3A_846, %slice3A_847, %slice3A_848 in 1 : vector<128x1xf32>, vector<128x1xf32>, vector<128x1xf32>, vector<128x1xf32> -> vector<128x4xf32>
    %convert_element_type3A_850 = arith.truncf %concatenate3A_849 : vector<128x4xf32> to vector<128x4xbf16>
    %dot_general3A_851 = arith.constant dense<0.000000e+00> : vector<128x64xf32>
    %dot_general3A_852 = tpu.matmul %convert_element_type3A_850, %convert_element_type3A, %dot_general3A_851 {dimension_numbers = #tpu.dot_dimension_numbers<[1], [0], [0], [1], [0, 0, 1, 1], [], []>, transpose_lhs_hint = false} : vector<128x4xbf16>, vector<4x64xbf16>, vector<128x64xf32> -> vector<128x64xf32>
    %add3A_853 = arith.addf %slice3A_844, %dot_general3A_852 : vector<128x64xf32>
    %add3A_854 = vector.broadcast %get3A_15 : vector<1x64xf32> to vector<128x64xf32>
    %add3A_855 = arith.addf %add3A_853, %add3A_854 : vector<128x64xf32>
    %max3A_856 = arith.constant 0.000000e+00 : f32
    %max3A_857 = vector.broadcast %max3A_856 : f32 to vector<128x64xf32>
    %max3A_858 = arith.maximumf %add3A_855, %max3A_857 : vector<128x64xf32>
    %convert_element_type3A_859 = arith.truncf %max3A_858 : vector<128x64xf32> to vector<128x64xbf16>
    %dot_general3A_860 = arith.constant dense<0.000000e+00> : vector<128x64xf32>
    %dot_general3A_861 = tpu.matmul %convert_element_type3A_859, %convert_element_type3A_8, %dot_general3A_860 {dimension_numbers = #tpu.dot_dimension_numbers<[1], [0], [0], [1], [0, 0, 1, 1], [], []>, transpose_lhs_hint = false} : vector<128x64xbf16>, vector<64x64xbf16>, vector<128x64xf32> -> vector<128x64xf32>
    %add3A_862 = vector.broadcast %get3A_18 : vector<1x64xf32> to vector<128x64xf32>
    %add3A_863 = arith.addf %dot_general3A_861, %add3A_862 : vector<128x64xf32>
    %max3A_864 = arith.constant 0.000000e+00 : f32
    %max3A_865 = vector.broadcast %max3A_864 : f32 to vector<128x64xf32>
    %max3A_866 = arith.maximumf %add3A_863, %max3A_865 : vector<128x64xf32>
    %convert_element_type3A_867 = arith.truncf %max3A_866 : vector<128x64xf32> to vector<128x64xbf16>
    %dot_general3A_868 = arith.constant dense<0.000000e+00> : vector<128x128xf32>
    %dot_general3A_869 = tpu.matmul %convert_element_type3A_867, %convert_element_type3A_12, %dot_general3A_868 {dimension_numbers = #tpu.dot_dimension_numbers<[1], [0], [0], [1], [0, 0, 1, 1], [], []>, transpose_lhs_hint = false} : vector<128x64xbf16>, vector<64x128xbf16>, vector<128x128xf32> -> vector<128x128xf32>
    %add3A_870 = vector.broadcast %get3A_21 : vector<1x128xf32> to vector<128x128xf32>
    %add3A_871 = arith.addf %dot_general3A_869, %add3A_870 : vector<128x128xf32>
    %slice3A_872 = vector.extract_strided_slice %get3A_1 {offsets = [0, 17], sizes = [128, 1], strides = [1, 1]} : vector<128x32xi32> to vector<128x1xi32>
    %gt3A_873 = arith.constant 0 : i32
    %gt3A_874 = vector.broadcast %gt3A_873 : i32 to vector<128x1xi32>
    %gt3A_875 = arith.cmpi sgt, %slice3A_872, %gt3A_874 : vector<128x1xi32>
    %jit3A_876 = arith.constant 0xFF800000 : f32
    %broadcast_in_dim3A_877 = vector.shape_cast %gt3A_875 : vector<128x1xi1> to vector<128x1xi1>
    %broadcast_in_dim3A_878 = vector.broadcast %broadcast_in_dim3A_877 : vector<128x1xi1> to vector<128x128xi1>
    %broadcast_in_dim3A_879 = vector.broadcast %jit3A_876 : f32 to vector<128x128xf32>
    %select_n3A_880 = arith.select %broadcast_in_dim3A_878, %add3A_871, %broadcast_in_dim3A_879 : vector<128x128xi1>, vector<128x128xf32>
    %max3A_881 = arith.maximumf %max3A_840, %select_n3A_880 : vector<128x128xf32>
    %get3A_882 = arith.constant 2304 : index
    %get3A_883 = arith.constant 0 : index
    %get3A_884 = vector.load %arg1[%get3A_882, %get3A_883] : memref<4096x128xf32, #tpu.memory_space<vmem>>, vector<128x128xf32>
    %slice3A_885 = vector.extract_strided_slice %get3A_884 {offsets = [0, 0], sizes = [128, 64], strides = [1, 1]} : vector<128x128xf32> to vector<128x64xf32>
    %slice3A_886 = vector.extract_strided_slice %transpose3A {offsets = [0, 18], sizes = [128, 1], strides = [1, 1]} : vector<128x128xf32> to vector<128x1xf32>
    %slice3A_887 = vector.extract_strided_slice %transpose3A {offsets = [0, 50], sizes = [128, 1], strides = [1, 1]} : vector<128x128xf32> to vector<128x1xf32>
    %slice3A_888 = vector.extract_strided_slice %transpose3A {offsets = [0, 82], sizes = [128, 1], strides = [1, 1]} : vector<128x128xf32> to vector<128x1xf32>
    %slice3A_889 = vector.extract_strided_slice %transpose3A {offsets = [0, 114], sizes = [128, 1], strides = [1, 1]} : vector<128x128xf32> to vector<128x1xf32>
    %concatenate3A_890 = tpu.concatenate %slice3A_886, %slice3A_887, %slice3A_888, %slice3A_889 in 1 : vector<128x1xf32>, vector<128x1xf32>, vector<128x1xf32>, vector<128x1xf32> -> vector<128x4xf32>
    %convert_element_type3A_891 = arith.truncf %concatenate3A_890 : vector<128x4xf32> to vector<128x4xbf16>
    %dot_general3A_892 = arith.constant dense<0.000000e+00> : vector<128x64xf32>
    %dot_general3A_893 = tpu.matmul %convert_element_type3A_891, %convert_element_type3A, %dot_general3A_892 {dimension_numbers = #tpu.dot_dimension_numbers<[1], [0], [0], [1], [0, 0, 1, 1], [], []>, transpose_lhs_hint = false} : vector<128x4xbf16>, vector<4x64xbf16>, vector<128x64xf32> -> vector<128x64xf32>
    %add3A_894 = arith.addf %slice3A_885, %dot_general3A_893 : vector<128x64xf32>
    %add3A_895 = vector.broadcast %get3A_15 : vector<1x64xf32> to vector<128x64xf32>
    %add3A_896 = arith.addf %add3A_894, %add3A_895 : vector<128x64xf32>
    %max3A_897 = arith.constant 0.000000e+00 : f32
    %max3A_898 = vector.broadcast %max3A_897 : f32 to vector<128x64xf32>
    %max3A_899 = arith.maximumf %add3A_896, %max3A_898 : vector<128x64xf32>
    %convert_element_type3A_900 = arith.truncf %max3A_899 : vector<128x64xf32> to vector<128x64xbf16>
    %dot_general3A_901 = arith.constant dense<0.000000e+00> : vector<128x64xf32>
    %dot_general3A_902 = tpu.matmul %convert_element_type3A_900, %convert_element_type3A_8, %dot_general3A_901 {dimension_numbers = #tpu.dot_dimension_numbers<[1], [0], [0], [1], [0, 0, 1, 1], [], []>, transpose_lhs_hint = false} : vector<128x64xbf16>, vector<64x64xbf16>, vector<128x64xf32> -> vector<128x64xf32>
    %add3A_903 = vector.broadcast %get3A_18 : vector<1x64xf32> to vector<128x64xf32>
    %add3A_904 = arith.addf %dot_general3A_902, %add3A_903 : vector<128x64xf32>
    %max3A_905 = arith.constant 0.000000e+00 : f32
    %max3A_906 = vector.broadcast %max3A_905 : f32 to vector<128x64xf32>
    %max3A_907 = arith.maximumf %add3A_904, %max3A_906 : vector<128x64xf32>
    %convert_element_type3A_908 = arith.truncf %max3A_907 : vector<128x64xf32> to vector<128x64xbf16>
    %dot_general3A_909 = arith.constant dense<0.000000e+00> : vector<128x128xf32>
    %dot_general3A_910 = tpu.matmul %convert_element_type3A_908, %convert_element_type3A_12, %dot_general3A_909 {dimension_numbers = #tpu.dot_dimension_numbers<[1], [0], [0], [1], [0, 0, 1, 1], [], []>, transpose_lhs_hint = false} : vector<128x64xbf16>, vector<64x128xbf16>, vector<128x128xf32> -> vector<128x128xf32>
    %add3A_911 = vector.broadcast %get3A_21 : vector<1x128xf32> to vector<128x128xf32>
    %add3A_912 = arith.addf %dot_general3A_910, %add3A_911 : vector<128x128xf32>
    %slice3A_913 = vector.extract_strided_slice %get3A_1 {offsets = [0, 18], sizes = [128, 1], strides = [1, 1]} : vector<128x32xi32> to vector<128x1xi32>
    %gt3A_914 = arith.constant 0 : i32
    %gt3A_915 = vector.broadcast %gt3A_914 : i32 to vector<128x1xi32>
    %gt3A_916 = arith.cmpi sgt, %slice3A_913, %gt3A_915 : vector<128x1xi32>
    %jit3A_917 = arith.constant 0xFF800000 : f32
    %broadcast_in_dim3A_918 = vector.shape_cast %gt3A_916 : vector<128x1xi1> to vector<128x1xi1>
    %broadcast_in_dim3A_919 = vector.broadcast %broadcast_in_dim3A_918 : vector<128x1xi1> to vector<128x128xi1>
    %broadcast_in_dim3A_920 = vector.broadcast %jit3A_917 : f32 to vector<128x128xf32>
    %select_n3A_921 = arith.select %broadcast_in_dim3A_919, %add3A_912, %broadcast_in_dim3A_920 : vector<128x128xi1>, vector<128x128xf32>
    %max3A_922 = arith.maximumf %max3A_881, %select_n3A_921 : vector<128x128xf32>
    %get3A_923 = arith.constant 2432 : index
    %get3A_924 = arith.constant 0 : index
    %get3A_925 = vector.load %arg1[%get3A_923, %get3A_924] : memref<4096x128xf32, #tpu.memory_space<vmem>>, vector<128x128xf32>
    %slice3A_926 = vector.extract_strided_slice %get3A_925 {offsets = [0, 0], sizes = [128, 64], strides = [1, 1]} : vector<128x128xf32> to vector<128x64xf32>
    %slice3A_927 = vector.extract_strided_slice %transpose3A {offsets = [0, 19], sizes = [128, 1], strides = [1, 1]} : vector<128x128xf32> to vector<128x1xf32>
    %slice3A_928 = vector.extract_strided_slice %transpose3A {offsets = [0, 51], sizes = [128, 1], strides = [1, 1]} : vector<128x128xf32> to vector<128x1xf32>
    %slice3A_929 = vector.extract_strided_slice %transpose3A {offsets = [0, 83], sizes = [128, 1], strides = [1, 1]} : vector<128x128xf32> to vector<128x1xf32>
    %slice3A_930 = vector.extract_strided_slice %transpose3A {offsets = [0, 115], sizes = [128, 1], strides = [1, 1]} : vector<128x128xf32> to vector<128x1xf32>
    %concatenate3A_931 = tpu.concatenate %slice3A_927, %slice3A_928, %slice3A_929, %slice3A_930 in 1 : vector<128x1xf32>, vector<128x1xf32>, vector<128x1xf32>, vector<128x1xf32> -> vector<128x4xf32>
    %convert_element_type3A_932 = arith.truncf %concatenate3A_931 : vector<128x4xf32> to vector<128x4xbf16>
    %dot_general3A_933 = arith.constant dense<0.000000e+00> : vector<128x64xf32>
    %dot_general3A_934 = tpu.matmul %convert_element_type3A_932, %convert_element_type3A, %dot_general3A_933 {dimension_numbers = #tpu.dot_dimension_numbers<[1], [0], [0], [1], [0, 0, 1, 1], [], []>, transpose_lhs_hint = false} : vector<128x4xbf16>, vector<4x64xbf16>, vector<128x64xf32> -> vector<128x64xf32>
    %add3A_935 = arith.addf %slice3A_926, %dot_general3A_934 : vector<128x64xf32>
    %add3A_936 = vector.broadcast %get3A_15 : vector<1x64xf32> to vector<128x64xf32>
    %add3A_937 = arith.addf %add3A_935, %add3A_936 : vector<128x64xf32>
    %max3A_938 = arith.constant 0.000000e+00 : f32
    %max3A_939 = vector.broadcast %max3A_938 : f32 to vector<128x64xf32>
    %max3A_940 = arith.maximumf %add3A_937, %max3A_939 : vector<128x64xf32>
    %convert_element_type3A_941 = arith.truncf %max3A_940 : vector<128x64xf32> to vector<128x64xbf16>
    %dot_general3A_942 = arith.constant dense<0.000000e+00> : vector<128x64xf32>
    %dot_general3A_943 = tpu.matmul %convert_element_type3A_941, %convert_element_type3A_8, %dot_general3A_942 {dimension_numbers = #tpu.dot_dimension_numbers<[1], [0], [0], [1], [0, 0, 1, 1], [], []>, transpose_lhs_hint = false} : vector<128x64xbf16>, vector<64x64xbf16>, vector<128x64xf32> -> vector<128x64xf32>
    %add3A_944 = vector.broadcast %get3A_18 : vector<1x64xf32> to vector<128x64xf32>
    %add3A_945 = arith.addf %dot_general3A_943, %add3A_944 : vector<128x64xf32>
    %max3A_946 = arith.constant 0.000000e+00 : f32
    %max3A_947 = vector.broadcast %max3A_946 : f32 to vector<128x64xf32>
    %max3A_948 = arith.maximumf %add3A_945, %max3A_947 : vector<128x64xf32>
    %convert_element_type3A_949 = arith.truncf %max3A_948 : vector<128x64xf32> to vector<128x64xbf16>
    %dot_general3A_950 = arith.constant dense<0.000000e+00> : vector<128x128xf32>
    %dot_general3A_951 = tpu.matmul %convert_element_type3A_949, %convert_element_type3A_12, %dot_general3A_950 {dimension_numbers = #tpu.dot_dimension_numbers<[1], [0], [0], [1], [0, 0, 1, 1], [], []>, transpose_lhs_hint = false} : vector<128x64xbf16>, vector<64x128xbf16>, vector<128x128xf32> -> vector<128x128xf32>
    %add3A_952 = vector.broadcast %get3A_21 : vector<1x128xf32> to vector<128x128xf32>
    %add3A_953 = arith.addf %dot_general3A_951, %add3A_952 : vector<128x128xf32>
    %slice3A_954 = vector.extract_strided_slice %get3A_1 {offsets = [0, 19], sizes = [128, 1], strides = [1, 1]} : vector<128x32xi32> to vector<128x1xi32>
    %gt3A_955 = arith.constant 0 : i32
    %gt3A_956 = vector.broadcast %gt3A_955 : i32 to vector<128x1xi32>
    %gt3A_957 = arith.cmpi sgt, %slice3A_954, %gt3A_956 : vector<128x1xi32>
    %jit3A_958 = arith.constant 0xFF800000 : f32
    %broadcast_in_dim3A_959 = vector.shape_cast %gt3A_957 : vector<128x1xi1> to vector<128x1xi1>
    %broadcast_in_dim3A_960 = vector.broadcast %broadcast_in_dim3A_959 : vector<128x1xi1> to vector<128x128xi1>
    %broadcast_in_dim3A_961 = vector.broadcast %jit3A_958 : f32 to vector<128x128xf32>
    %select_n3A_962 = arith.select %broadcast_in_dim3A_960, %add3A_953, %broadcast_in_dim3A_961 : vector<128x128xi1>, vector<128x128xf32>
    %max3A_963 = arith.maximumf %max3A_922, %select_n3A_962 : vector<128x128xf32>
    %get3A_964 = arith.constant 2560 : index
    %get3A_965 = arith.constant 0 : index
    %get3A_966 = vector.load %arg1[%get3A_964, %get3A_965] : memref<4096x128xf32, #tpu.memory_space<vmem>>, vector<128x128xf32>
    %slice3A_967 = vector.extract_strided_slice %get3A_966 {offsets = [0, 0], sizes = [128, 64], strides = [1, 1]} : vector<128x128xf32> to vector<128x64xf32>
    %slice3A_968 = vector.extract_strided_slice %transpose3A {offsets = [0, 20], sizes = [128, 1], strides = [1, 1]} : vector<128x128xf32> to vector<128x1xf32>
    %slice3A_969 = vector.extract_strided_slice %transpose3A {offsets = [0, 52], sizes = [128, 1], strides = [1, 1]} : vector<128x128xf32> to vector<128x1xf32>
    %slice3A_970 = vector.extract_strided_slice %transpose3A {offsets = [0, 84], sizes = [128, 1], strides = [1, 1]} : vector<128x128xf32> to vector<128x1xf32>
    %slice3A_971 = vector.extract_strided_slice %transpose3A {offsets = [0, 116], sizes = [128, 1], strides = [1, 1]} : vector<128x128xf32> to vector<128x1xf32>
    %concatenate3A_972 = tpu.concatenate %slice3A_968, %slice3A_969, %slice3A_970, %slice3A_971 in 1 : vector<128x1xf32>, vector<128x1xf32>, vector<128x1xf32>, vector<128x1xf32> -> vector<128x4xf32>
    %convert_element_type3A_973 = arith.truncf %concatenate3A_972 : vector<128x4xf32> to vector<128x4xbf16>
    %dot_general3A_974 = arith.constant dense<0.000000e+00> : vector<128x64xf32>
    %dot_general3A_975 = tpu.matmul %convert_element_type3A_973, %convert_element_type3A, %dot_general3A_974 {dimension_numbers = #tpu.dot_dimension_numbers<[1], [0], [0], [1], [0, 0, 1, 1], [], []>, transpose_lhs_hint = false} : vector<128x4xbf16>, vector<4x64xbf16>, vector<128x64xf32> -> vector<128x64xf32>
    %add3A_976 = arith.addf %slice3A_967, %dot_general3A_975 : vector<128x64xf32>
    %add3A_977 = vector.broadcast %get3A_15 : vector<1x64xf32> to vector<128x64xf32>
    %add3A_978 = arith.addf %add3A_976, %add3A_977 : vector<128x64xf32>
    %max3A_979 = arith.constant 0.000000e+00 : f32
    %max3A_980 = vector.broadcast %max3A_979 : f32 to vector<128x64xf32>
    %max3A_981 = arith.maximumf %add3A_978, %max3A_980 : vector<128x64xf32>
    %convert_element_type3A_982 = arith.truncf %max3A_981 : vector<128x64xf32> to vector<128x64xbf16>
    %dot_general3A_983 = arith.constant dense<0.000000e+00> : vector<128x64xf32>
    %dot_general3A_984 = tpu.matmul %convert_element_type3A_982, %convert_element_type3A_8, %dot_general3A_983 {dimension_numbers = #tpu.dot_dimension_numbers<[1], [0], [0], [1], [0, 0, 1, 1], [], []>, transpose_lhs_hint = false} : vector<128x64xbf16>, vector<64x64xbf16>, vector<128x64xf32> -> vector<128x64xf32>
    %add3A_985 = vector.broadcast %get3A_18 : vector<1x64xf32> to vector<128x64xf32>
    %add3A_986 = arith.addf %dot_general3A_984, %add3A_985 : vector<128x64xf32>
    %max3A_987 = arith.constant 0.000000e+00 : f32
    %max3A_988 = vector.broadcast %max3A_987 : f32 to vector<128x64xf32>
    %max3A_989 = arith.maximumf %add3A_986, %max3A_988 : vector<128x64xf32>
    %convert_element_type3A_990 = arith.truncf %max3A_989 : vector<128x64xf32> to vector<128x64xbf16>
    %dot_general3A_991 = arith.constant dense<0.000000e+00> : vector<128x128xf32>
    %dot_general3A_992 = tpu.matmul %convert_element_type3A_990, %convert_element_type3A_12, %dot_general3A_991 {dimension_numbers = #tpu.dot_dimension_numbers<[1], [0], [0], [1], [0, 0, 1, 1], [], []>, transpose_lhs_hint = false} : vector<128x64xbf16>, vector<64x128xbf16>, vector<128x128xf32> -> vector<128x128xf32>
    %add3A_993 = vector.broadcast %get3A_21 : vector<1x128xf32> to vector<128x128xf32>
    %add3A_994 = arith.addf %dot_general3A_992, %add3A_993 : vector<128x128xf32>
    %slice3A_995 = vector.extract_strided_slice %get3A_1 {offsets = [0, 20], sizes = [128, 1], strides = [1, 1]} : vector<128x32xi32> to vector<128x1xi32>
    %gt3A_996 = arith.constant 0 : i32
    %gt3A_997 = vector.broadcast %gt3A_996 : i32 to vector<128x1xi32>
    %gt3A_998 = arith.cmpi sgt, %slice3A_995, %gt3A_997 : vector<128x1xi32>
    %jit3A_999 = arith.constant 0xFF800000 : f32
    %broadcast_in_dim3A_1000 = vector.shape_cast %gt3A_998 : vector<128x1xi1> to vector<128x1xi1>
    %broadcast_in_dim3A_1001 = vector.broadcast %broadcast_in_dim3A_1000 : vector<128x1xi1> to vector<128x128xi1>
    %broadcast_in_dim3A_1002 = vector.broadcast %jit3A_999 : f32 to vector<128x128xf32>
    %select_n3A_1003 = arith.select %broadcast_in_dim3A_1001, %add3A_994, %broadcast_in_dim3A_1002 : vector<128x128xi1>, vector<128x128xf32>
    %max3A_1004 = arith.maximumf %max3A_963, %select_n3A_1003 : vector<128x128xf32>
    %get3A_1005 = arith.constant 2688 : index
    %get3A_1006 = arith.constant 0 : index
    %get3A_1007 = vector.load %arg1[%get3A_1005, %get3A_1006] : memref<4096x128xf32, #tpu.memory_space<vmem>>, vector<128x128xf32>
    %slice3A_1008 = vector.extract_strided_slice %get3A_1007 {offsets = [0, 0], sizes = [128, 64], strides = [1, 1]} : vector<128x128xf32> to vector<128x64xf32>
    %slice3A_1009 = vector.extract_strided_slice %transpose3A {offsets = [0, 21], sizes = [128, 1], strides = [1, 1]} : vector<128x128xf32> to vector<128x1xf32>
    %slice3A_1010 = vector.extract_strided_slice %transpose3A {offsets = [0, 53], sizes = [128, 1], strides = [1, 1]} : vector<128x128xf32> to vector<128x1xf32>
    %slice3A_1011 = vector.extract_strided_slice %transpose3A {offsets = [0, 85], sizes = [128, 1], strides = [1, 1]} : vector<128x128xf32> to vector<128x1xf32>
    %slice3A_1012 = vector.extract_strided_slice %transpose3A {offsets = [0, 117], sizes = [128, 1], strides = [1, 1]} : vector<128x128xf32> to vector<128x1xf32>
    %concatenate3A_1013 = tpu.concatenate %slice3A_1009, %slice3A_1010, %slice3A_1011, %slice3A_1012 in 1 : vector<128x1xf32>, vector<128x1xf32>, vector<128x1xf32>, vector<128x1xf32> -> vector<128x4xf32>
    %convert_element_type3A_1014 = arith.truncf %concatenate3A_1013 : vector<128x4xf32> to vector<128x4xbf16>
    %dot_general3A_1015 = arith.constant dense<0.000000e+00> : vector<128x64xf32>
    %dot_general3A_1016 = tpu.matmul %convert_element_type3A_1014, %convert_element_type3A, %dot_general3A_1015 {dimension_numbers = #tpu.dot_dimension_numbers<[1], [0], [0], [1], [0, 0, 1, 1], [], []>, transpose_lhs_hint = false} : vector<128x4xbf16>, vector<4x64xbf16>, vector<128x64xf32> -> vector<128x64xf32>
    %add3A_1017 = arith.addf %slice3A_1008, %dot_general3A_1016 : vector<128x64xf32>
    %add3A_1018 = vector.broadcast %get3A_15 : vector<1x64xf32> to vector<128x64xf32>
    %add3A_1019 = arith.addf %add3A_1017, %add3A_1018 : vector<128x64xf32>
    %max3A_1020 = arith.constant 0.000000e+00 : f32
    %max3A_1021 = vector.broadcast %max3A_1020 : f32 to vector<128x64xf32>
    %max3A_1022 = arith.maximumf %add3A_1019, %max3A_1021 : vector<128x64xf32>
    %convert_element_type3A_1023 = arith.truncf %max3A_1022 : vector<128x64xf32> to vector<128x64xbf16>
    %dot_general3A_1024 = arith.constant dense<0.000000e+00> : vector<128x64xf32>
    %dot_general3A_1025 = tpu.matmul %convert_element_type3A_1023, %convert_element_type3A_8, %dot_general3A_1024 {dimension_numbers = #tpu.dot_dimension_numbers<[1], [0], [0], [1], [0, 0, 1, 1], [], []>, transpose_lhs_hint = false} : vector<128x64xbf16>, vector<64x64xbf16>, vector<128x64xf32> -> vector<128x64xf32>
    %add3A_1026 = vector.broadcast %get3A_18 : vector<1x64xf32> to vector<128x64xf32>
    %add3A_1027 = arith.addf %dot_general3A_1025, %add3A_1026 : vector<128x64xf32>
    %max3A_1028 = arith.constant 0.000000e+00 : f32
    %max3A_1029 = vector.broadcast %max3A_1028 : f32 to vector<128x64xf32>
    %max3A_1030 = arith.maximumf %add3A_1027, %max3A_1029 : vector<128x64xf32>
    %convert_element_type3A_1031 = arith.truncf %max3A_1030 : vector<128x64xf32> to vector<128x64xbf16>
    %dot_general3A_1032 = arith.constant dense<0.000000e+00> : vector<128x128xf32>
    %dot_general3A_1033 = tpu.matmul %convert_element_type3A_1031, %convert_element_type3A_12, %dot_general3A_1032 {dimension_numbers = #tpu.dot_dimension_numbers<[1], [0], [0], [1], [0, 0, 1, 1], [], []>, transpose_lhs_hint = false} : vector<128x64xbf16>, vector<64x128xbf16>, vector<128x128xf32> -> vector<128x128xf32>
    %add3A_1034 = vector.broadcast %get3A_21 : vector<1x128xf32> to vector<128x128xf32>
    %add3A_1035 = arith.addf %dot_general3A_1033, %add3A_1034 : vector<128x128xf32>
    %slice3A_1036 = vector.extract_strided_slice %get3A_1 {offsets = [0, 21], sizes = [128, 1], strides = [1, 1]} : vector<128x32xi32> to vector<128x1xi32>
    %gt3A_1037 = arith.constant 0 : i32
    %gt3A_1038 = vector.broadcast %gt3A_1037 : i32 to vector<128x1xi32>
    %gt3A_1039 = arith.cmpi sgt, %slice3A_1036, %gt3A_1038 : vector<128x1xi32>
    %jit3A_1040 = arith.constant 0xFF800000 : f32
    %broadcast_in_dim3A_1041 = vector.shape_cast %gt3A_1039 : vector<128x1xi1> to vector<128x1xi1>
    %broadcast_in_dim3A_1042 = vector.broadcast %broadcast_in_dim3A_1041 : vector<128x1xi1> to vector<128x128xi1>
    %broadcast_in_dim3A_1043 = vector.broadcast %jit3A_1040 : f32 to vector<128x128xf32>
    %select_n3A_1044 = arith.select %broadcast_in_dim3A_1042, %add3A_1035, %broadcast_in_dim3A_1043 : vector<128x128xi1>, vector<128x128xf32>
    %max3A_1045 = arith.maximumf %max3A_1004, %select_n3A_1044 : vector<128x128xf32>
    %get3A_1046 = arith.constant 2816 : index
    %get3A_1047 = arith.constant 0 : index
    %get3A_1048 = vector.load %arg1[%get3A_1046, %get3A_1047] : memref<4096x128xf32, #tpu.memory_space<vmem>>, vector<128x128xf32>
    %slice3A_1049 = vector.extract_strided_slice %get3A_1048 {offsets = [0, 0], sizes = [128, 64], strides = [1, 1]} : vector<128x128xf32> to vector<128x64xf32>
    %slice3A_1050 = vector.extract_strided_slice %transpose3A {offsets = [0, 22], sizes = [128, 1], strides = [1, 1]} : vector<128x128xf32> to vector<128x1xf32>
    %slice3A_1051 = vector.extract_strided_slice %transpose3A {offsets = [0, 54], sizes = [128, 1], strides = [1, 1]} : vector<128x128xf32> to vector<128x1xf32>
    %slice3A_1052 = vector.extract_strided_slice %transpose3A {offsets = [0, 86], sizes = [128, 1], strides = [1, 1]} : vector<128x128xf32> to vector<128x1xf32>
    %slice3A_1053 = vector.extract_strided_slice %transpose3A {offsets = [0, 118], sizes = [128, 1], strides = [1, 1]} : vector<128x128xf32> to vector<128x1xf32>
    %concatenate3A_1054 = tpu.concatenate %slice3A_1050, %slice3A_1051, %slice3A_1052, %slice3A_1053 in 1 : vector<128x1xf32>, vector<128x1xf32>, vector<128x1xf32>, vector<128x1xf32> -> vector<128x4xf32>
    %convert_element_type3A_1055 = arith.truncf %concatenate3A_1054 : vector<128x4xf32> to vector<128x4xbf16>
    %dot_general3A_1056 = arith.constant dense<0.000000e+00> : vector<128x64xf32>
    %dot_general3A_1057 = tpu.matmul %convert_element_type3A_1055, %convert_element_type3A, %dot_general3A_1056 {dimension_numbers = #tpu.dot_dimension_numbers<[1], [0], [0], [1], [0, 0, 1, 1], [], []>, transpose_lhs_hint = false} : vector<128x4xbf16>, vector<4x64xbf16>, vector<128x64xf32> -> vector<128x64xf32>
    %add3A_1058 = arith.addf %slice3A_1049, %dot_general3A_1057 : vector<128x64xf32>
    %add3A_1059 = vector.broadcast %get3A_15 : vector<1x64xf32> to vector<128x64xf32>
    %add3A_1060 = arith.addf %add3A_1058, %add3A_1059 : vector<128x64xf32>
    %max3A_1061 = arith.constant 0.000000e+00 : f32
    %max3A_1062 = vector.broadcast %max3A_1061 : f32 to vector<128x64xf32>
    %max3A_1063 = arith.maximumf %add3A_1060, %max3A_1062 : vector<128x64xf32>
    %convert_element_type3A_1064 = arith.truncf %max3A_1063 : vector<128x64xf32> to vector<128x64xbf16>
    %dot_general3A_1065 = arith.constant dense<0.000000e+00> : vector<128x64xf32>
    %dot_general3A_1066 = tpu.matmul %convert_element_type3A_1064, %convert_element_type3A_8, %dot_general3A_1065 {dimension_numbers = #tpu.dot_dimension_numbers<[1], [0], [0], [1], [0, 0, 1, 1], [], []>, transpose_lhs_hint = false} : vector<128x64xbf16>, vector<64x64xbf16>, vector<128x64xf32> -> vector<128x64xf32>
    %add3A_1067 = vector.broadcast %get3A_18 : vector<1x64xf32> to vector<128x64xf32>
    %add3A_1068 = arith.addf %dot_general3A_1066, %add3A_1067 : vector<128x64xf32>
    %max3A_1069 = arith.constant 0.000000e+00 : f32
    %max3A_1070 = vector.broadcast %max3A_1069 : f32 to vector<128x64xf32>
    %max3A_1071 = arith.maximumf %add3A_1068, %max3A_1070 : vector<128x64xf32>
    %convert_element_type3A_1072 = arith.truncf %max3A_1071 : vector<128x64xf32> to vector<128x64xbf16>
    %dot_general3A_1073 = arith.constant dense<0.000000e+00> : vector<128x128xf32>
    %dot_general3A_1074 = tpu.matmul %convert_element_type3A_1072, %convert_element_type3A_12, %dot_general3A_1073 {dimension_numbers = #tpu.dot_dimension_numbers<[1], [0], [0], [1], [0, 0, 1, 1], [], []>, transpose_lhs_hint = false} : vector<128x64xbf16>, vector<64x128xbf16>, vector<128x128xf32> -> vector<128x128xf32>
    %add3A_1075 = vector.broadcast %get3A_21 : vector<1x128xf32> to vector<128x128xf32>
    %add3A_1076 = arith.addf %dot_general3A_1074, %add3A_1075 : vector<128x128xf32>
    %slice3A_1077 = vector.extract_strided_slice %get3A_1 {offsets = [0, 22], sizes = [128, 1], strides = [1, 1]} : vector<128x32xi32> to vector<128x1xi32>
    %gt3A_1078 = arith.constant 0 : i32
    %gt3A_1079 = vector.broadcast %gt3A_1078 : i32 to vector<128x1xi32>
    %gt3A_1080 = arith.cmpi sgt, %slice3A_1077, %gt3A_1079 : vector<128x1xi32>
    %jit3A_1081 = arith.constant 0xFF800000 : f32
    %broadcast_in_dim3A_1082 = vector.shape_cast %gt3A_1080 : vector<128x1xi1> to vector<128x1xi1>
    %broadcast_in_dim3A_1083 = vector.broadcast %broadcast_in_dim3A_1082 : vector<128x1xi1> to vector<128x128xi1>
    %broadcast_in_dim3A_1084 = vector.broadcast %jit3A_1081 : f32 to vector<128x128xf32>
    %select_n3A_1085 = arith.select %broadcast_in_dim3A_1083, %add3A_1076, %broadcast_in_dim3A_1084 : vector<128x128xi1>, vector<128x128xf32>
    %max3A_1086 = arith.maximumf %max3A_1045, %select_n3A_1085 : vector<128x128xf32>
    %get3A_1087 = arith.constant 2944 : index
    %get3A_1088 = arith.constant 0 : index
    %get3A_1089 = vector.load %arg1[%get3A_1087, %get3A_1088] : memref<4096x128xf32, #tpu.memory_space<vmem>>, vector<128x128xf32>
    %slice3A_1090 = vector.extract_strided_slice %get3A_1089 {offsets = [0, 0], sizes = [128, 64], strides = [1, 1]} : vector<128x128xf32> to vector<128x64xf32>
    %slice3A_1091 = vector.extract_strided_slice %transpose3A {offsets = [0, 23], sizes = [128, 1], strides = [1, 1]} : vector<128x128xf32> to vector<128x1xf32>
    %slice3A_1092 = vector.extract_strided_slice %transpose3A {offsets = [0, 55], sizes = [128, 1], strides = [1, 1]} : vector<128x128xf32> to vector<128x1xf32>
    %slice3A_1093 = vector.extract_strided_slice %transpose3A {offsets = [0, 87], sizes = [128, 1], strides = [1, 1]} : vector<128x128xf32> to vector<128x1xf32>
    %slice3A_1094 = vector.extract_strided_slice %transpose3A {offsets = [0, 119], sizes = [128, 1], strides = [1, 1]} : vector<128x128xf32> to vector<128x1xf32>
    %concatenate3A_1095 = tpu.concatenate %slice3A_1091, %slice3A_1092, %slice3A_1093, %slice3A_1094 in 1 : vector<128x1xf32>, vector<128x1xf32>, vector<128x1xf32>, vector<128x1xf32> -> vector<128x4xf32>
    %convert_element_type3A_1096 = arith.truncf %concatenate3A_1095 : vector<128x4xf32> to vector<128x4xbf16>
    %dot_general3A_1097 = arith.constant dense<0.000000e+00> : vector<128x64xf32>
    %dot_general3A_1098 = tpu.matmul %convert_element_type3A_1096, %convert_element_type3A, %dot_general3A_1097 {dimension_numbers = #tpu.dot_dimension_numbers<[1], [0], [0], [1], [0, 0, 1, 1], [], []>, transpose_lhs_hint = false} : vector<128x4xbf16>, vector<4x64xbf16>, vector<128x64xf32> -> vector<128x64xf32>
    %add3A_1099 = arith.addf %slice3A_1090, %dot_general3A_1098 : vector<128x64xf32>
    %add3A_1100 = vector.broadcast %get3A_15 : vector<1x64xf32> to vector<128x64xf32>
    %add3A_1101 = arith.addf %add3A_1099, %add3A_1100 : vector<128x64xf32>
    %max3A_1102 = arith.constant 0.000000e+00 : f32
    %max3A_1103 = vector.broadcast %max3A_1102 : f32 to vector<128x64xf32>
    %max3A_1104 = arith.maximumf %add3A_1101, %max3A_1103 : vector<128x64xf32>
    %convert_element_type3A_1105 = arith.truncf %max3A_1104 : vector<128x64xf32> to vector<128x64xbf16>
    %dot_general3A_1106 = arith.constant dense<0.000000e+00> : vector<128x64xf32>
    %dot_general3A_1107 = tpu.matmul %convert_element_type3A_1105, %convert_element_type3A_8, %dot_general3A_1106 {dimension_numbers = #tpu.dot_dimension_numbers<[1], [0], [0], [1], [0, 0, 1, 1], [], []>, transpose_lhs_hint = false} : vector<128x64xbf16>, vector<64x64xbf16>, vector<128x64xf32> -> vector<128x64xf32>
    %add3A_1108 = vector.broadcast %get3A_18 : vector<1x64xf32> to vector<128x64xf32>
    %add3A_1109 = arith.addf %dot_general3A_1107, %add3A_1108 : vector<128x64xf32>
    %max3A_1110 = arith.constant 0.000000e+00 : f32
    %max3A_1111 = vector.broadcast %max3A_1110 : f32 to vector<128x64xf32>
    %max3A_1112 = arith.maximumf %add3A_1109, %max3A_1111 : vector<128x64xf32>
    %convert_element_type3A_1113 = arith.truncf %max3A_1112 : vector<128x64xf32> to vector<128x64xbf16>
    %dot_general3A_1114 = arith.constant dense<0.000000e+00> : vector<128x128xf32>
    %dot_general3A_1115 = tpu.matmul %convert_element_type3A_1113, %convert_element_type3A_12, %dot_general3A_1114 {dimension_numbers = #tpu.dot_dimension_numbers<[1], [0], [0], [1], [0, 0, 1, 1], [], []>, transpose_lhs_hint = false} : vector<128x64xbf16>, vector<64x128xbf16>, vector<128x128xf32> -> vector<128x128xf32>
    %add3A_1116 = vector.broadcast %get3A_21 : vector<1x128xf32> to vector<128x128xf32>
    %add3A_1117 = arith.addf %dot_general3A_1115, %add3A_1116 : vector<128x128xf32>
    %slice3A_1118 = vector.extract_strided_slice %get3A_1 {offsets = [0, 23], sizes = [128, 1], strides = [1, 1]} : vector<128x32xi32> to vector<128x1xi32>
    %gt3A_1119 = arith.constant 0 : i32
    %gt3A_1120 = vector.broadcast %gt3A_1119 : i32 to vector<128x1xi32>
    %gt3A_1121 = arith.cmpi sgt, %slice3A_1118, %gt3A_1120 : vector<128x1xi32>
    %jit3A_1122 = arith.constant 0xFF800000 : f32
    %broadcast_in_dim3A_1123 = vector.shape_cast %gt3A_1121 : vector<128x1xi1> to vector<128x1xi1>
    %broadcast_in_dim3A_1124 = vector.broadcast %broadcast_in_dim3A_1123 : vector<128x1xi1> to vector<128x128xi1>
    %broadcast_in_dim3A_1125 = vector.broadcast %jit3A_1122 : f32 to vector<128x128xf32>
    %select_n3A_1126 = arith.select %broadcast_in_dim3A_1124, %add3A_1117, %broadcast_in_dim3A_1125 : vector<128x128xi1>, vector<128x128xf32>
    %max3A_1127 = arith.maximumf %max3A_1086, %select_n3A_1126 : vector<128x128xf32>
    %get3A_1128 = arith.constant 3072 : index
    %get3A_1129 = arith.constant 0 : index
    %get3A_1130 = vector.load %arg1[%get3A_1128, %get3A_1129] : memref<4096x128xf32, #tpu.memory_space<vmem>>, vector<128x128xf32>
    %slice3A_1131 = vector.extract_strided_slice %get3A_1130 {offsets = [0, 0], sizes = [128, 64], strides = [1, 1]} : vector<128x128xf32> to vector<128x64xf32>
    %slice3A_1132 = vector.extract_strided_slice %transpose3A {offsets = [0, 24], sizes = [128, 1], strides = [1, 1]} : vector<128x128xf32> to vector<128x1xf32>
    %slice3A_1133 = vector.extract_strided_slice %transpose3A {offsets = [0, 56], sizes = [128, 1], strides = [1, 1]} : vector<128x128xf32> to vector<128x1xf32>
    %slice3A_1134 = vector.extract_strided_slice %transpose3A {offsets = [0, 88], sizes = [128, 1], strides = [1, 1]} : vector<128x128xf32> to vector<128x1xf32>
    %slice3A_1135 = vector.extract_strided_slice %transpose3A {offsets = [0, 120], sizes = [128, 1], strides = [1, 1]} : vector<128x128xf32> to vector<128x1xf32>
    %concatenate3A_1136 = tpu.concatenate %slice3A_1132, %slice3A_1133, %slice3A_1134, %slice3A_1135 in 1 : vector<128x1xf32>, vector<128x1xf32>, vector<128x1xf32>, vector<128x1xf32> -> vector<128x4xf32>
    %convert_element_type3A_1137 = arith.truncf %concatenate3A_1136 : vector<128x4xf32> to vector<128x4xbf16>
    %dot_general3A_1138 = arith.constant dense<0.000000e+00> : vector<128x64xf32>
    %dot_general3A_1139 = tpu.matmul %convert_element_type3A_1137, %convert_element_type3A, %dot_general3A_1138 {dimension_numbers = #tpu.dot_dimension_numbers<[1], [0], [0], [1], [0, 0, 1, 1], [], []>, transpose_lhs_hint = false} : vector<128x4xbf16>, vector<4x64xbf16>, vector<128x64xf32> -> vector<128x64xf32>
    %add3A_1140 = arith.addf %slice3A_1131, %dot_general3A_1139 : vector<128x64xf32>
    %add3A_1141 = vector.broadcast %get3A_15 : vector<1x64xf32> to vector<128x64xf32>
    %add3A_1142 = arith.addf %add3A_1140, %add3A_1141 : vector<128x64xf32>
    %max3A_1143 = arith.constant 0.000000e+00 : f32
    %max3A_1144 = vector.broadcast %max3A_1143 : f32 to vector<128x64xf32>
    %max3A_1145 = arith.maximumf %add3A_1142, %max3A_1144 : vector<128x64xf32>
    %convert_element_type3A_1146 = arith.truncf %max3A_1145 : vector<128x64xf32> to vector<128x64xbf16>
    %dot_general3A_1147 = arith.constant dense<0.000000e+00> : vector<128x64xf32>
    %dot_general3A_1148 = tpu.matmul %convert_element_type3A_1146, %convert_element_type3A_8, %dot_general3A_1147 {dimension_numbers = #tpu.dot_dimension_numbers<[1], [0], [0], [1], [0, 0, 1, 1], [], []>, transpose_lhs_hint = false} : vector<128x64xbf16>, vector<64x64xbf16>, vector<128x64xf32> -> vector<128x64xf32>
    %add3A_1149 = vector.broadcast %get3A_18 : vector<1x64xf32> to vector<128x64xf32>
    %add3A_1150 = arith.addf %dot_general3A_1148, %add3A_1149 : vector<128x64xf32>
    %max3A_1151 = arith.constant 0.000000e+00 : f32
    %max3A_1152 = vector.broadcast %max3A_1151 : f32 to vector<128x64xf32>
    %max3A_1153 = arith.maximumf %add3A_1150, %max3A_1152 : vector<128x64xf32>
    %convert_element_type3A_1154 = arith.truncf %max3A_1153 : vector<128x64xf32> to vector<128x64xbf16>
    %dot_general3A_1155 = arith.constant dense<0.000000e+00> : vector<128x128xf32>
    %dot_general3A_1156 = tpu.matmul %convert_element_type3A_1154, %convert_element_type3A_12, %dot_general3A_1155 {dimension_numbers = #tpu.dot_dimension_numbers<[1], [0], [0], [1], [0, 0, 1, 1], [], []>, transpose_lhs_hint = false} : vector<128x64xbf16>, vector<64x128xbf16>, vector<128x128xf32> -> vector<128x128xf32>
    %add3A_1157 = vector.broadcast %get3A_21 : vector<1x128xf32> to vector<128x128xf32>
    %add3A_1158 = arith.addf %dot_general3A_1156, %add3A_1157 : vector<128x128xf32>
    %slice3A_1159 = vector.extract_strided_slice %get3A_1 {offsets = [0, 24], sizes = [128, 1], strides = [1, 1]} : vector<128x32xi32> to vector<128x1xi32>
    %gt3A_1160 = arith.constant 0 : i32
    %gt3A_1161 = vector.broadcast %gt3A_1160 : i32 to vector<128x1xi32>
    %gt3A_1162 = arith.cmpi sgt, %slice3A_1159, %gt3A_1161 : vector<128x1xi32>
    %jit3A_1163 = arith.constant 0xFF800000 : f32
    %broadcast_in_dim3A_1164 = vector.shape_cast %gt3A_1162 : vector<128x1xi1> to vector<128x1xi1>
    %broadcast_in_dim3A_1165 = vector.broadcast %broadcast_in_dim3A_1164 : vector<128x1xi1> to vector<128x128xi1>
    %broadcast_in_dim3A_1166 = vector.broadcast %jit3A_1163 : f32 to vector<128x128xf32>
    %select_n3A_1167 = arith.select %broadcast_in_dim3A_1165, %add3A_1158, %broadcast_in_dim3A_1166 : vector<128x128xi1>, vector<128x128xf32>
    %max3A_1168 = arith.maximumf %max3A_1127, %select_n3A_1167 : vector<128x128xf32>
    %get3A_1169 = arith.constant 3200 : index
    %get3A_1170 = arith.constant 0 : index
    %get3A_1171 = vector.load %arg1[%get3A_1169, %get3A_1170] : memref<4096x128xf32, #tpu.memory_space<vmem>>, vector<128x128xf32>
    %slice3A_1172 = vector.extract_strided_slice %get3A_1171 {offsets = [0, 0], sizes = [128, 64], strides = [1, 1]} : vector<128x128xf32> to vector<128x64xf32>
    %slice3A_1173 = vector.extract_strided_slice %transpose3A {offsets = [0, 25], sizes = [128, 1], strides = [1, 1]} : vector<128x128xf32> to vector<128x1xf32>
    %slice3A_1174 = vector.extract_strided_slice %transpose3A {offsets = [0, 57], sizes = [128, 1], strides = [1, 1]} : vector<128x128xf32> to vector<128x1xf32>
    %slice3A_1175 = vector.extract_strided_slice %transpose3A {offsets = [0, 89], sizes = [128, 1], strides = [1, 1]} : vector<128x128xf32> to vector<128x1xf32>
    %slice3A_1176 = vector.extract_strided_slice %transpose3A {offsets = [0, 121], sizes = [128, 1], strides = [1, 1]} : vector<128x128xf32> to vector<128x1xf32>
    %concatenate3A_1177 = tpu.concatenate %slice3A_1173, %slice3A_1174, %slice3A_1175, %slice3A_1176 in 1 : vector<128x1xf32>, vector<128x1xf32>, vector<128x1xf32>, vector<128x1xf32> -> vector<128x4xf32>
    %convert_element_type3A_1178 = arith.truncf %concatenate3A_1177 : vector<128x4xf32> to vector<128x4xbf16>
    %dot_general3A_1179 = arith.constant dense<0.000000e+00> : vector<128x64xf32>
    %dot_general3A_1180 = tpu.matmul %convert_element_type3A_1178, %convert_element_type3A, %dot_general3A_1179 {dimension_numbers = #tpu.dot_dimension_numbers<[1], [0], [0], [1], [0, 0, 1, 1], [], []>, transpose_lhs_hint = false} : vector<128x4xbf16>, vector<4x64xbf16>, vector<128x64xf32> -> vector<128x64xf32>
    %add3A_1181 = arith.addf %slice3A_1172, %dot_general3A_1180 : vector<128x64xf32>
    %add3A_1182 = vector.broadcast %get3A_15 : vector<1x64xf32> to vector<128x64xf32>
    %add3A_1183 = arith.addf %add3A_1181, %add3A_1182 : vector<128x64xf32>
    %max3A_1184 = arith.constant 0.000000e+00 : f32
    %max3A_1185 = vector.broadcast %max3A_1184 : f32 to vector<128x64xf32>
    %max3A_1186 = arith.maximumf %add3A_1183, %max3A_1185 : vector<128x64xf32>
    %convert_element_type3A_1187 = arith.truncf %max3A_1186 : vector<128x64xf32> to vector<128x64xbf16>
    %dot_general3A_1188 = arith.constant dense<0.000000e+00> : vector<128x64xf32>
    %dot_general3A_1189 = tpu.matmul %convert_element_type3A_1187, %convert_element_type3A_8, %dot_general3A_1188 {dimension_numbers = #tpu.dot_dimension_numbers<[1], [0], [0], [1], [0, 0, 1, 1], [], []>, transpose_lhs_hint = false} : vector<128x64xbf16>, vector<64x64xbf16>, vector<128x64xf32> -> vector<128x64xf32>
    %add3A_1190 = vector.broadcast %get3A_18 : vector<1x64xf32> to vector<128x64xf32>
    %add3A_1191 = arith.addf %dot_general3A_1189, %add3A_1190 : vector<128x64xf32>
    %max3A_1192 = arith.constant 0.000000e+00 : f32
    %max3A_1193 = vector.broadcast %max3A_1192 : f32 to vector<128x64xf32>
    %max3A_1194 = arith.maximumf %add3A_1191, %max3A_1193 : vector<128x64xf32>
    %convert_element_type3A_1195 = arith.truncf %max3A_1194 : vector<128x64xf32> to vector<128x64xbf16>
    %dot_general3A_1196 = arith.constant dense<0.000000e+00> : vector<128x128xf32>
    %dot_general3A_1197 = tpu.matmul %convert_element_type3A_1195, %convert_element_type3A_12, %dot_general3A_1196 {dimension_numbers = #tpu.dot_dimension_numbers<[1], [0], [0], [1], [0, 0, 1, 1], [], []>, transpose_lhs_hint = false} : vector<128x64xbf16>, vector<64x128xbf16>, vector<128x128xf32> -> vector<128x128xf32>
    %add3A_1198 = vector.broadcast %get3A_21 : vector<1x128xf32> to vector<128x128xf32>
    %add3A_1199 = arith.addf %dot_general3A_1197, %add3A_1198 : vector<128x128xf32>
    %slice3A_1200 = vector.extract_strided_slice %get3A_1 {offsets = [0, 25], sizes = [128, 1], strides = [1, 1]} : vector<128x32xi32> to vector<128x1xi32>
    %gt3A_1201 = arith.constant 0 : i32
    %gt3A_1202 = vector.broadcast %gt3A_1201 : i32 to vector<128x1xi32>
    %gt3A_1203 = arith.cmpi sgt, %slice3A_1200, %gt3A_1202 : vector<128x1xi32>
    %jit3A_1204 = arith.constant 0xFF800000 : f32
    %broadcast_in_dim3A_1205 = vector.shape_cast %gt3A_1203 : vector<128x1xi1> to vector<128x1xi1>
    %broadcast_in_dim3A_1206 = vector.broadcast %broadcast_in_dim3A_1205 : vector<128x1xi1> to vector<128x128xi1>
    %broadcast_in_dim3A_1207 = vector.broadcast %jit3A_1204 : f32 to vector<128x128xf32>
    %select_n3A_1208 = arith.select %broadcast_in_dim3A_1206, %add3A_1199, %broadcast_in_dim3A_1207 : vector<128x128xi1>, vector<128x128xf32>
    %max3A_1209 = arith.maximumf %max3A_1168, %select_n3A_1208 : vector<128x128xf32>
    %get3A_1210 = arith.constant 3328 : index
    %get3A_1211 = arith.constant 0 : index
    %get3A_1212 = vector.load %arg1[%get3A_1210, %get3A_1211] : memref<4096x128xf32, #tpu.memory_space<vmem>>, vector<128x128xf32>
    %slice3A_1213 = vector.extract_strided_slice %get3A_1212 {offsets = [0, 0], sizes = [128, 64], strides = [1, 1]} : vector<128x128xf32> to vector<128x64xf32>
    %slice3A_1214 = vector.extract_strided_slice %transpose3A {offsets = [0, 26], sizes = [128, 1], strides = [1, 1]} : vector<128x128xf32> to vector<128x1xf32>
    %slice3A_1215 = vector.extract_strided_slice %transpose3A {offsets = [0, 58], sizes = [128, 1], strides = [1, 1]} : vector<128x128xf32> to vector<128x1xf32>
    %slice3A_1216 = vector.extract_strided_slice %transpose3A {offsets = [0, 90], sizes = [128, 1], strides = [1, 1]} : vector<128x128xf32> to vector<128x1xf32>
    %slice3A_1217 = vector.extract_strided_slice %transpose3A {offsets = [0, 122], sizes = [128, 1], strides = [1, 1]} : vector<128x128xf32> to vector<128x1xf32>
    %concatenate3A_1218 = tpu.concatenate %slice3A_1214, %slice3A_1215, %slice3A_1216, %slice3A_1217 in 1 : vector<128x1xf32>, vector<128x1xf32>, vector<128x1xf32>, vector<128x1xf32> -> vector<128x4xf32>
    %convert_element_type3A_1219 = arith.truncf %concatenate3A_1218 : vector<128x4xf32> to vector<128x4xbf16>
    %dot_general3A_1220 = arith.constant dense<0.000000e+00> : vector<128x64xf32>
    %dot_general3A_1221 = tpu.matmul %convert_element_type3A_1219, %convert_element_type3A, %dot_general3A_1220 {dimension_numbers = #tpu.dot_dimension_numbers<[1], [0], [0], [1], [0, 0, 1, 1], [], []>, transpose_lhs_hint = false} : vector<128x4xbf16>, vector<4x64xbf16>, vector<128x64xf32> -> vector<128x64xf32>
    %add3A_1222 = arith.addf %slice3A_1213, %dot_general3A_1221 : vector<128x64xf32>
    %add3A_1223 = vector.broadcast %get3A_15 : vector<1x64xf32> to vector<128x64xf32>
    %add3A_1224 = arith.addf %add3A_1222, %add3A_1223 : vector<128x64xf32>
    %max3A_1225 = arith.constant 0.000000e+00 : f32
    %max3A_1226 = vector.broadcast %max3A_1225 : f32 to vector<128x64xf32>
    %max3A_1227 = arith.maximumf %add3A_1224, %max3A_1226 : vector<128x64xf32>
    %convert_element_type3A_1228 = arith.truncf %max3A_1227 : vector<128x64xf32> to vector<128x64xbf16>
    %dot_general3A_1229 = arith.constant dense<0.000000e+00> : vector<128x64xf32>
    %dot_general3A_1230 = tpu.matmul %convert_element_type3A_1228, %convert_element_type3A_8, %dot_general3A_1229 {dimension_numbers = #tpu.dot_dimension_numbers<[1], [0], [0], [1], [0, 0, 1, 1], [], []>, transpose_lhs_hint = false} : vector<128x64xbf16>, vector<64x64xbf16>, vector<128x64xf32> -> vector<128x64xf32>
    %add3A_1231 = vector.broadcast %get3A_18 : vector<1x64xf32> to vector<128x64xf32>
    %add3A_1232 = arith.addf %dot_general3A_1230, %add3A_1231 : vector<128x64xf32>
    %max3A_1233 = arith.constant 0.000000e+00 : f32
    %max3A_1234 = vector.broadcast %max3A_1233 : f32 to vector<128x64xf32>
    %max3A_1235 = arith.maximumf %add3A_1232, %max3A_1234 : vector<128x64xf32>
    %convert_element_type3A_1236 = arith.truncf %max3A_1235 : vector<128x64xf32> to vector<128x64xbf16>
    %dot_general3A_1237 = arith.constant dense<0.000000e+00> : vector<128x128xf32>
    %dot_general3A_1238 = tpu.matmul %convert_element_type3A_1236, %convert_element_type3A_12, %dot_general3A_1237 {dimension_numbers = #tpu.dot_dimension_numbers<[1], [0], [0], [1], [0, 0, 1, 1], [], []>, transpose_lhs_hint = false} : vector<128x64xbf16>, vector<64x128xbf16>, vector<128x128xf32> -> vector<128x128xf32>
    %add3A_1239 = vector.broadcast %get3A_21 : vector<1x128xf32> to vector<128x128xf32>
    %add3A_1240 = arith.addf %dot_general3A_1238, %add3A_1239 : vector<128x128xf32>
    %slice3A_1241 = vector.extract_strided_slice %get3A_1 {offsets = [0, 26], sizes = [128, 1], strides = [1, 1]} : vector<128x32xi32> to vector<128x1xi32>
    %gt3A_1242 = arith.constant 0 : i32
    %gt3A_1243 = vector.broadcast %gt3A_1242 : i32 to vector<128x1xi32>
    %gt3A_1244 = arith.cmpi sgt, %slice3A_1241, %gt3A_1243 : vector<128x1xi32>
    %jit3A_1245 = arith.constant 0xFF800000 : f32
    %broadcast_in_dim3A_1246 = vector.shape_cast %gt3A_1244 : vector<128x1xi1> to vector<128x1xi1>
    %broadcast_in_dim3A_1247 = vector.broadcast %broadcast_in_dim3A_1246 : vector<128x1xi1> to vector<128x128xi1>
    %broadcast_in_dim3A_1248 = vector.broadcast %jit3A_1245 : f32 to vector<128x128xf32>
    %select_n3A_1249 = arith.select %broadcast_in_dim3A_1247, %add3A_1240, %broadcast_in_dim3A_1248 : vector<128x128xi1>, vector<128x128xf32>
    %max3A_1250 = arith.maximumf %max3A_1209, %select_n3A_1249 : vector<128x128xf32>
    %get3A_1251 = arith.constant 3456 : index
    %get3A_1252 = arith.constant 0 : index
    %get3A_1253 = vector.load %arg1[%get3A_1251, %get3A_1252] : memref<4096x128xf32, #tpu.memory_space<vmem>>, vector<128x128xf32>
    %slice3A_1254 = vector.extract_strided_slice %get3A_1253 {offsets = [0, 0], sizes = [128, 64], strides = [1, 1]} : vector<128x128xf32> to vector<128x64xf32>
    %slice3A_1255 = vector.extract_strided_slice %transpose3A {offsets = [0, 27], sizes = [128, 1], strides = [1, 1]} : vector<128x128xf32> to vector<128x1xf32>
    %slice3A_1256 = vector.extract_strided_slice %transpose3A {offsets = [0, 59], sizes = [128, 1], strides = [1, 1]} : vector<128x128xf32> to vector<128x1xf32>
    %slice3A_1257 = vector.extract_strided_slice %transpose3A {offsets = [0, 91], sizes = [128, 1], strides = [1, 1]} : vector<128x128xf32> to vector<128x1xf32>
    %slice3A_1258 = vector.extract_strided_slice %transpose3A {offsets = [0, 123], sizes = [128, 1], strides = [1, 1]} : vector<128x128xf32> to vector<128x1xf32>
    %concatenate3A_1259 = tpu.concatenate %slice3A_1255, %slice3A_1256, %slice3A_1257, %slice3A_1258 in 1 : vector<128x1xf32>, vector<128x1xf32>, vector<128x1xf32>, vector<128x1xf32> -> vector<128x4xf32>
    %convert_element_type3A_1260 = arith.truncf %concatenate3A_1259 : vector<128x4xf32> to vector<128x4xbf16>
    %dot_general3A_1261 = arith.constant dense<0.000000e+00> : vector<128x64xf32>
    %dot_general3A_1262 = tpu.matmul %convert_element_type3A_1260, %convert_element_type3A, %dot_general3A_1261 {dimension_numbers = #tpu.dot_dimension_numbers<[1], [0], [0], [1], [0, 0, 1, 1], [], []>, transpose_lhs_hint = false} : vector<128x4xbf16>, vector<4x64xbf16>, vector<128x64xf32> -> vector<128x64xf32>
    %add3A_1263 = arith.addf %slice3A_1254, %dot_general3A_1262 : vector<128x64xf32>
    %add3A_1264 = vector.broadcast %get3A_15 : vector<1x64xf32> to vector<128x64xf32>
    %add3A_1265 = arith.addf %add3A_1263, %add3A_1264 : vector<128x64xf32>
    %max3A_1266 = arith.constant 0.000000e+00 : f32
    %max3A_1267 = vector.broadcast %max3A_1266 : f32 to vector<128x64xf32>
    %max3A_1268 = arith.maximumf %add3A_1265, %max3A_1267 : vector<128x64xf32>
    %convert_element_type3A_1269 = arith.truncf %max3A_1268 : vector<128x64xf32> to vector<128x64xbf16>
    %dot_general3A_1270 = arith.constant dense<0.000000e+00> : vector<128x64xf32>
    %dot_general3A_1271 = tpu.matmul %convert_element_type3A_1269, %convert_element_type3A_8, %dot_general3A_1270 {dimension_numbers = #tpu.dot_dimension_numbers<[1], [0], [0], [1], [0, 0, 1, 1], [], []>, transpose_lhs_hint = false} : vector<128x64xbf16>, vector<64x64xbf16>, vector<128x64xf32> -> vector<128x64xf32>
    %add3A_1272 = vector.broadcast %get3A_18 : vector<1x64xf32> to vector<128x64xf32>
    %add3A_1273 = arith.addf %dot_general3A_1271, %add3A_1272 : vector<128x64xf32>
    %max3A_1274 = arith.constant 0.000000e+00 : f32
    %max3A_1275 = vector.broadcast %max3A_1274 : f32 to vector<128x64xf32>
    %max3A_1276 = arith.maximumf %add3A_1273, %max3A_1275 : vector<128x64xf32>
    %convert_element_type3A_1277 = arith.truncf %max3A_1276 : vector<128x64xf32> to vector<128x64xbf16>
    %dot_general3A_1278 = arith.constant dense<0.000000e+00> : vector<128x128xf32>
    %dot_general3A_1279 = tpu.matmul %convert_element_type3A_1277, %convert_element_type3A_12, %dot_general3A_1278 {dimension_numbers = #tpu.dot_dimension_numbers<[1], [0], [0], [1], [0, 0, 1, 1], [], []>, transpose_lhs_hint = false} : vector<128x64xbf16>, vector<64x128xbf16>, vector<128x128xf32> -> vector<128x128xf32>
    %add3A_1280 = vector.broadcast %get3A_21 : vector<1x128xf32> to vector<128x128xf32>
    %add3A_1281 = arith.addf %dot_general3A_1279, %add3A_1280 : vector<128x128xf32>
    %slice3A_1282 = vector.extract_strided_slice %get3A_1 {offsets = [0, 27], sizes = [128, 1], strides = [1, 1]} : vector<128x32xi32> to vector<128x1xi32>
    %gt3A_1283 = arith.constant 0 : i32
    %gt3A_1284 = vector.broadcast %gt3A_1283 : i32 to vector<128x1xi32>
    %gt3A_1285 = arith.cmpi sgt, %slice3A_1282, %gt3A_1284 : vector<128x1xi32>
    %jit3A_1286 = arith.constant 0xFF800000 : f32
    %broadcast_in_dim3A_1287 = vector.shape_cast %gt3A_1285 : vector<128x1xi1> to vector<128x1xi1>
    %broadcast_in_dim3A_1288 = vector.broadcast %broadcast_in_dim3A_1287 : vector<128x1xi1> to vector<128x128xi1>
    %broadcast_in_dim3A_1289 = vector.broadcast %jit3A_1286 : f32 to vector<128x128xf32>
    %select_n3A_1290 = arith.select %broadcast_in_dim3A_1288, %add3A_1281, %broadcast_in_dim3A_1289 : vector<128x128xi1>, vector<128x128xf32>
    %max3A_1291 = arith.maximumf %max3A_1250, %select_n3A_1290 : vector<128x128xf32>
    %get3A_1292 = arith.constant 3584 : index
    %get3A_1293 = arith.constant 0 : index
    %get3A_1294 = vector.load %arg1[%get3A_1292, %get3A_1293] : memref<4096x128xf32, #tpu.memory_space<vmem>>, vector<128x128xf32>
    %slice3A_1295 = vector.extract_strided_slice %get3A_1294 {offsets = [0, 0], sizes = [128, 64], strides = [1, 1]} : vector<128x128xf32> to vector<128x64xf32>
    %slice3A_1296 = vector.extract_strided_slice %transpose3A {offsets = [0, 28], sizes = [128, 1], strides = [1, 1]} : vector<128x128xf32> to vector<128x1xf32>
    %slice3A_1297 = vector.extract_strided_slice %transpose3A {offsets = [0, 60], sizes = [128, 1], strides = [1, 1]} : vector<128x128xf32> to vector<128x1xf32>
    %slice3A_1298 = vector.extract_strided_slice %transpose3A {offsets = [0, 92], sizes = [128, 1], strides = [1, 1]} : vector<128x128xf32> to vector<128x1xf32>
    %slice3A_1299 = vector.extract_strided_slice %transpose3A {offsets = [0, 124], sizes = [128, 1], strides = [1, 1]} : vector<128x128xf32> to vector<128x1xf32>
    %concatenate3A_1300 = tpu.concatenate %slice3A_1296, %slice3A_1297, %slice3A_1298, %slice3A_1299 in 1 : vector<128x1xf32>, vector<128x1xf32>, vector<128x1xf32>, vector<128x1xf32> -> vector<128x4xf32>
    %convert_element_type3A_1301 = arith.truncf %concatenate3A_1300 : vector<128x4xf32> to vector<128x4xbf16>
    %dot_general3A_1302 = arith.constant dense<0.000000e+00> : vector<128x64xf32>
    %dot_general3A_1303 = tpu.matmul %convert_element_type3A_1301, %convert_element_type3A, %dot_general3A_1302 {dimension_numbers = #tpu.dot_dimension_numbers<[1], [0], [0], [1], [0, 0, 1, 1], [], []>, transpose_lhs_hint = false} : vector<128x4xbf16>, vector<4x64xbf16>, vector<128x64xf32> -> vector<128x64xf32>
    %add3A_1304 = arith.addf %slice3A_1295, %dot_general3A_1303 : vector<128x64xf32>
    %add3A_1305 = vector.broadcast %get3A_15 : vector<1x64xf32> to vector<128x64xf32>
    %add3A_1306 = arith.addf %add3A_1304, %add3A_1305 : vector<128x64xf32>
    %max3A_1307 = arith.constant 0.000000e+00 : f32
    %max3A_1308 = vector.broadcast %max3A_1307 : f32 to vector<128x64xf32>
    %max3A_1309 = arith.maximumf %add3A_1306, %max3A_1308 : vector<128x64xf32>
    %convert_element_type3A_1310 = arith.truncf %max3A_1309 : vector<128x64xf32> to vector<128x64xbf16>
    %dot_general3A_1311 = arith.constant dense<0.000000e+00> : vector<128x64xf32>
    %dot_general3A_1312 = tpu.matmul %convert_element_type3A_1310, %convert_element_type3A_8, %dot_general3A_1311 {dimension_numbers = #tpu.dot_dimension_numbers<[1], [0], [0], [1], [0, 0, 1, 1], [], []>, transpose_lhs_hint = false} : vector<128x64xbf16>, vector<64x64xbf16>, vector<128x64xf32> -> vector<128x64xf32>
    %add3A_1313 = vector.broadcast %get3A_18 : vector<1x64xf32> to vector<128x64xf32>
    %add3A_1314 = arith.addf %dot_general3A_1312, %add3A_1313 : vector<128x64xf32>
    %max3A_1315 = arith.constant 0.000000e+00 : f32
    %max3A_1316 = vector.broadcast %max3A_1315 : f32 to vector<128x64xf32>
    %max3A_1317 = arith.maximumf %add3A_1314, %max3A_1316 : vector<128x64xf32>
    %convert_element_type3A_1318 = arith.truncf %max3A_1317 : vector<128x64xf32> to vector<128x64xbf16>
    %dot_general3A_1319 = arith.constant dense<0.000000e+00> : vector<128x128xf32>
    %dot_general3A_1320 = tpu.matmul %convert_element_type3A_1318, %convert_element_type3A_12, %dot_general3A_1319 {dimension_numbers = #tpu.dot_dimension_numbers<[1], [0], [0], [1], [0, 0, 1, 1], [], []>, transpose_lhs_hint = false} : vector<128x64xbf16>, vector<64x128xbf16>, vector<128x128xf32> -> vector<128x128xf32>
    %add3A_1321 = vector.broadcast %get3A_21 : vector<1x128xf32> to vector<128x128xf32>
    %add3A_1322 = arith.addf %dot_general3A_1320, %add3A_1321 : vector<128x128xf32>
    %slice3A_1323 = vector.extract_strided_slice %get3A_1 {offsets = [0, 28], sizes = [128, 1], strides = [1, 1]} : vector<128x32xi32> to vector<128x1xi32>
    %gt3A_1324 = arith.constant 0 : i32
    %gt3A_1325 = vector.broadcast %gt3A_1324 : i32 to vector<128x1xi32>
    %gt3A_1326 = arith.cmpi sgt, %slice3A_1323, %gt3A_1325 : vector<128x1xi32>
    %jit3A_1327 = arith.constant 0xFF800000 : f32
    %broadcast_in_dim3A_1328 = vector.shape_cast %gt3A_1326 : vector<128x1xi1> to vector<128x1xi1>
    %broadcast_in_dim3A_1329 = vector.broadcast %broadcast_in_dim3A_1328 : vector<128x1xi1> to vector<128x128xi1>
    %broadcast_in_dim3A_1330 = vector.broadcast %jit3A_1327 : f32 to vector<128x128xf32>
    %select_n3A_1331 = arith.select %broadcast_in_dim3A_1329, %add3A_1322, %broadcast_in_dim3A_1330 : vector<128x128xi1>, vector<128x128xf32>
    %max3A_1332 = arith.maximumf %max3A_1291, %select_n3A_1331 : vector<128x128xf32>
    %get3A_1333 = arith.constant 3712 : index
    %get3A_1334 = arith.constant 0 : index
    %get3A_1335 = vector.load %arg1[%get3A_1333, %get3A_1334] : memref<4096x128xf32, #tpu.memory_space<vmem>>, vector<128x128xf32>
    %slice3A_1336 = vector.extract_strided_slice %get3A_1335 {offsets = [0, 0], sizes = [128, 64], strides = [1, 1]} : vector<128x128xf32> to vector<128x64xf32>
    %slice3A_1337 = vector.extract_strided_slice %transpose3A {offsets = [0, 29], sizes = [128, 1], strides = [1, 1]} : vector<128x128xf32> to vector<128x1xf32>
    %slice3A_1338 = vector.extract_strided_slice %transpose3A {offsets = [0, 61], sizes = [128, 1], strides = [1, 1]} : vector<128x128xf32> to vector<128x1xf32>
    %slice3A_1339 = vector.extract_strided_slice %transpose3A {offsets = [0, 93], sizes = [128, 1], strides = [1, 1]} : vector<128x128xf32> to vector<128x1xf32>
    %slice3A_1340 = vector.extract_strided_slice %transpose3A {offsets = [0, 125], sizes = [128, 1], strides = [1, 1]} : vector<128x128xf32> to vector<128x1xf32>
    %concatenate3A_1341 = tpu.concatenate %slice3A_1337, %slice3A_1338, %slice3A_1339, %slice3A_1340 in 1 : vector<128x1xf32>, vector<128x1xf32>, vector<128x1xf32>, vector<128x1xf32> -> vector<128x4xf32>
    %convert_element_type3A_1342 = arith.truncf %concatenate3A_1341 : vector<128x4xf32> to vector<128x4xbf16>
    %dot_general3A_1343 = arith.constant dense<0.000000e+00> : vector<128x64xf32>
    %dot_general3A_1344 = tpu.matmul %convert_element_type3A_1342, %convert_element_type3A, %dot_general3A_1343 {dimension_numbers = #tpu.dot_dimension_numbers<[1], [0], [0], [1], [0, 0, 1, 1], [], []>, transpose_lhs_hint = false} : vector<128x4xbf16>, vector<4x64xbf16>, vector<128x64xf32> -> vector<128x64xf32>
    %add3A_1345 = arith.addf %slice3A_1336, %dot_general3A_1344 : vector<128x64xf32>
    %add3A_1346 = vector.broadcast %get3A_15 : vector<1x64xf32> to vector<128x64xf32>
    %add3A_1347 = arith.addf %add3A_1345, %add3A_1346 : vector<128x64xf32>
    %max3A_1348 = arith.constant 0.000000e+00 : f32
    %max3A_1349 = vector.broadcast %max3A_1348 : f32 to vector<128x64xf32>
    %max3A_1350 = arith.maximumf %add3A_1347, %max3A_1349 : vector<128x64xf32>
    %convert_element_type3A_1351 = arith.truncf %max3A_1350 : vector<128x64xf32> to vector<128x64xbf16>
    %dot_general3A_1352 = arith.constant dense<0.000000e+00> : vector<128x64xf32>
    %dot_general3A_1353 = tpu.matmul %convert_element_type3A_1351, %convert_element_type3A_8, %dot_general3A_1352 {dimension_numbers = #tpu.dot_dimension_numbers<[1], [0], [0], [1], [0, 0, 1, 1], [], []>, transpose_lhs_hint = false} : vector<128x64xbf16>, vector<64x64xbf16>, vector<128x64xf32> -> vector<128x64xf32>
    %add3A_1354 = vector.broadcast %get3A_18 : vector<1x64xf32> to vector<128x64xf32>
    %add3A_1355 = arith.addf %dot_general3A_1353, %add3A_1354 : vector<128x64xf32>
    %max3A_1356 = arith.constant 0.000000e+00 : f32
    %max3A_1357 = vector.broadcast %max3A_1356 : f32 to vector<128x64xf32>
    %max3A_1358 = arith.maximumf %add3A_1355, %max3A_1357 : vector<128x64xf32>
    %convert_element_type3A_1359 = arith.truncf %max3A_1358 : vector<128x64xf32> to vector<128x64xbf16>
    %dot_general3A_1360 = arith.constant dense<0.000000e+00> : vector<128x128xf32>
    %dot_general3A_1361 = tpu.matmul %convert_element_type3A_1359, %convert_element_type3A_12, %dot_general3A_1360 {dimension_numbers = #tpu.dot_dimension_numbers<[1], [0], [0], [1], [0, 0, 1, 1], [], []>, transpose_lhs_hint = false} : vector<128x64xbf16>, vector<64x128xbf16>, vector<128x128xf32> -> vector<128x128xf32>
    %add3A_1362 = vector.broadcast %get3A_21 : vector<1x128xf32> to vector<128x128xf32>
    %add3A_1363 = arith.addf %dot_general3A_1361, %add3A_1362 : vector<128x128xf32>
    %slice3A_1364 = vector.extract_strided_slice %get3A_1 {offsets = [0, 29], sizes = [128, 1], strides = [1, 1]} : vector<128x32xi32> to vector<128x1xi32>
    %gt3A_1365 = arith.constant 0 : i32
    %gt3A_1366 = vector.broadcast %gt3A_1365 : i32 to vector<128x1xi32>
    %gt3A_1367 = arith.cmpi sgt, %slice3A_1364, %gt3A_1366 : vector<128x1xi32>
    %jit3A_1368 = arith.constant 0xFF800000 : f32
    %broadcast_in_dim3A_1369 = vector.shape_cast %gt3A_1367 : vector<128x1xi1> to vector<128x1xi1>
    %broadcast_in_dim3A_1370 = vector.broadcast %broadcast_in_dim3A_1369 : vector<128x1xi1> to vector<128x128xi1>
    %broadcast_in_dim3A_1371 = vector.broadcast %jit3A_1368 : f32 to vector<128x128xf32>
    %select_n3A_1372 = arith.select %broadcast_in_dim3A_1370, %add3A_1363, %broadcast_in_dim3A_1371 : vector<128x128xi1>, vector<128x128xf32>
    %max3A_1373 = arith.maximumf %max3A_1332, %select_n3A_1372 : vector<128x128xf32>
    %get3A_1374 = arith.constant 3840 : index
    %get3A_1375 = arith.constant 0 : index
    %get3A_1376 = vector.load %arg1[%get3A_1374, %get3A_1375] : memref<4096x128xf32, #tpu.memory_space<vmem>>, vector<128x128xf32>
    %slice3A_1377 = vector.extract_strided_slice %get3A_1376 {offsets = [0, 0], sizes = [128, 64], strides = [1, 1]} : vector<128x128xf32> to vector<128x64xf32>
    %slice3A_1378 = vector.extract_strided_slice %transpose3A {offsets = [0, 30], sizes = [128, 1], strides = [1, 1]} : vector<128x128xf32> to vector<128x1xf32>
    %slice3A_1379 = vector.extract_strided_slice %transpose3A {offsets = [0, 62], sizes = [128, 1], strides = [1, 1]} : vector<128x128xf32> to vector<128x1xf32>
    %slice3A_1380 = vector.extract_strided_slice %transpose3A {offsets = [0, 94], sizes = [128, 1], strides = [1, 1]} : vector<128x128xf32> to vector<128x1xf32>
    %slice3A_1381 = vector.extract_strided_slice %transpose3A {offsets = [0, 126], sizes = [128, 1], strides = [1, 1]} : vector<128x128xf32> to vector<128x1xf32>
    %concatenate3A_1382 = tpu.concatenate %slice3A_1378, %slice3A_1379, %slice3A_1380, %slice3A_1381 in 1 : vector<128x1xf32>, vector<128x1xf32>, vector<128x1xf32>, vector<128x1xf32> -> vector<128x4xf32>
    %convert_element_type3A_1383 = arith.truncf %concatenate3A_1382 : vector<128x4xf32> to vector<128x4xbf16>
    %dot_general3A_1384 = arith.constant dense<0.000000e+00> : vector<128x64xf32>
    %dot_general3A_1385 = tpu.matmul %convert_element_type3A_1383, %convert_element_type3A, %dot_general3A_1384 {dimension_numbers = #tpu.dot_dimension_numbers<[1], [0], [0], [1], [0, 0, 1, 1], [], []>, transpose_lhs_hint = false} : vector<128x4xbf16>, vector<4x64xbf16>, vector<128x64xf32> -> vector<128x64xf32>
    %add3A_1386 = arith.addf %slice3A_1377, %dot_general3A_1385 : vector<128x64xf32>
    %add3A_1387 = vector.broadcast %get3A_15 : vector<1x64xf32> to vector<128x64xf32>
    %add3A_1388 = arith.addf %add3A_1386, %add3A_1387 : vector<128x64xf32>
    %max3A_1389 = arith.constant 0.000000e+00 : f32
    %max3A_1390 = vector.broadcast %max3A_1389 : f32 to vector<128x64xf32>
    %max3A_1391 = arith.maximumf %add3A_1388, %max3A_1390 : vector<128x64xf32>
    %convert_element_type3A_1392 = arith.truncf %max3A_1391 : vector<128x64xf32> to vector<128x64xbf16>
    %dot_general3A_1393 = arith.constant dense<0.000000e+00> : vector<128x64xf32>
    %dot_general3A_1394 = tpu.matmul %convert_element_type3A_1392, %convert_element_type3A_8, %dot_general3A_1393 {dimension_numbers = #tpu.dot_dimension_numbers<[1], [0], [0], [1], [0, 0, 1, 1], [], []>, transpose_lhs_hint = false} : vector<128x64xbf16>, vector<64x64xbf16>, vector<128x64xf32> -> vector<128x64xf32>
    %add3A_1395 = vector.broadcast %get3A_18 : vector<1x64xf32> to vector<128x64xf32>
    %add3A_1396 = arith.addf %dot_general3A_1394, %add3A_1395 : vector<128x64xf32>
    %max3A_1397 = arith.constant 0.000000e+00 : f32
    %max3A_1398 = vector.broadcast %max3A_1397 : f32 to vector<128x64xf32>
    %max3A_1399 = arith.maximumf %add3A_1396, %max3A_1398 : vector<128x64xf32>
    %convert_element_type3A_1400 = arith.truncf %max3A_1399 : vector<128x64xf32> to vector<128x64xbf16>
    %dot_general3A_1401 = arith.constant dense<0.000000e+00> : vector<128x128xf32>
    %dot_general3A_1402 = tpu.matmul %convert_element_type3A_1400, %convert_element_type3A_12, %dot_general3A_1401 {dimension_numbers = #tpu.dot_dimension_numbers<[1], [0], [0], [1], [0, 0, 1, 1], [], []>, transpose_lhs_hint = false} : vector<128x64xbf16>, vector<64x128xbf16>, vector<128x128xf32> -> vector<128x128xf32>
    %add3A_1403 = vector.broadcast %get3A_21 : vector<1x128xf32> to vector<128x128xf32>
    %add3A_1404 = arith.addf %dot_general3A_1402, %add3A_1403 : vector<128x128xf32>
    %slice3A_1405 = vector.extract_strided_slice %get3A_1 {offsets = [0, 30], sizes = [128, 1], strides = [1, 1]} : vector<128x32xi32> to vector<128x1xi32>
    %gt3A_1406 = arith.constant 0 : i32
    %gt3A_1407 = vector.broadcast %gt3A_1406 : i32 to vector<128x1xi32>
    %gt3A_1408 = arith.cmpi sgt, %slice3A_1405, %gt3A_1407 : vector<128x1xi32>
    %jit3A_1409 = arith.constant 0xFF800000 : f32
    %broadcast_in_dim3A_1410 = vector.shape_cast %gt3A_1408 : vector<128x1xi1> to vector<128x1xi1>
    %broadcast_in_dim3A_1411 = vector.broadcast %broadcast_in_dim3A_1410 : vector<128x1xi1> to vector<128x128xi1>
    %broadcast_in_dim3A_1412 = vector.broadcast %jit3A_1409 : f32 to vector<128x128xf32>
    %select_n3A_1413 = arith.select %broadcast_in_dim3A_1411, %add3A_1404, %broadcast_in_dim3A_1412 : vector<128x128xi1>, vector<128x128xf32>
    %max3A_1414 = arith.maximumf %max3A_1373, %select_n3A_1413 : vector<128x128xf32>
    %get3A_1415 = arith.constant 3968 : index
    %get3A_1416 = arith.constant 0 : index
    %get3A_1417 = vector.load %arg1[%get3A_1415, %get3A_1416] : memref<4096x128xf32, #tpu.memory_space<vmem>>, vector<128x128xf32>
    %slice3A_1418 = vector.extract_strided_slice %get3A_1417 {offsets = [0, 0], sizes = [128, 64], strides = [1, 1]} : vector<128x128xf32> to vector<128x64xf32>
    %slice3A_1419 = vector.extract_strided_slice %transpose3A {offsets = [0, 31], sizes = [128, 1], strides = [1, 1]} : vector<128x128xf32> to vector<128x1xf32>
    %slice3A_1420 = vector.extract_strided_slice %transpose3A {offsets = [0, 63], sizes = [128, 1], strides = [1, 1]} : vector<128x128xf32> to vector<128x1xf32>
    %slice3A_1421 = vector.extract_strided_slice %transpose3A {offsets = [0, 95], sizes = [128, 1], strides = [1, 1]} : vector<128x128xf32> to vector<128x1xf32>
    %slice3A_1422 = vector.extract_strided_slice %transpose3A {offsets = [0, 127], sizes = [128, 1], strides = [1, 1]} : vector<128x128xf32> to vector<128x1xf32>
    %concatenate3A_1423 = tpu.concatenate %slice3A_1419, %slice3A_1420, %slice3A_1421, %slice3A_1422 in 1 : vector<128x1xf32>, vector<128x1xf32>, vector<128x1xf32>, vector<128x1xf32> -> vector<128x4xf32>
    %convert_element_type3A_1424 = arith.truncf %concatenate3A_1423 : vector<128x4xf32> to vector<128x4xbf16>
    %dot_general3A_1425 = arith.constant dense<0.000000e+00> : vector<128x64xf32>
    %dot_general3A_1426 = tpu.matmul %convert_element_type3A_1424, %convert_element_type3A, %dot_general3A_1425 {dimension_numbers = #tpu.dot_dimension_numbers<[1], [0], [0], [1], [0, 0, 1, 1], [], []>, transpose_lhs_hint = false} : vector<128x4xbf16>, vector<4x64xbf16>, vector<128x64xf32> -> vector<128x64xf32>
    %add3A_1427 = arith.addf %slice3A_1418, %dot_general3A_1426 : vector<128x64xf32>
    %add3A_1428 = vector.broadcast %get3A_15 : vector<1x64xf32> to vector<128x64xf32>
    %add3A_1429 = arith.addf %add3A_1427, %add3A_1428 : vector<128x64xf32>
    %max3A_1430 = arith.constant 0.000000e+00 : f32
    %max3A_1431 = vector.broadcast %max3A_1430 : f32 to vector<128x64xf32>
    %max3A_1432 = arith.maximumf %add3A_1429, %max3A_1431 : vector<128x64xf32>
    %convert_element_type3A_1433 = arith.truncf %max3A_1432 : vector<128x64xf32> to vector<128x64xbf16>
    %dot_general3A_1434 = arith.constant dense<0.000000e+00> : vector<128x64xf32>
    %dot_general3A_1435 = tpu.matmul %convert_element_type3A_1433, %convert_element_type3A_8, %dot_general3A_1434 {dimension_numbers = #tpu.dot_dimension_numbers<[1], [0], [0], [1], [0, 0, 1, 1], [], []>, transpose_lhs_hint = false} : vector<128x64xbf16>, vector<64x64xbf16>, vector<128x64xf32> -> vector<128x64xf32>
    %add3A_1436 = vector.broadcast %get3A_18 : vector<1x64xf32> to vector<128x64xf32>
    %add3A_1437 = arith.addf %dot_general3A_1435, %add3A_1436 : vector<128x64xf32>
    %max3A_1438 = arith.constant 0.000000e+00 : f32
    %max3A_1439 = vector.broadcast %max3A_1438 : f32 to vector<128x64xf32>
    %max3A_1440 = arith.maximumf %add3A_1437, %max3A_1439 : vector<128x64xf32>
    %convert_element_type3A_1441 = arith.truncf %max3A_1440 : vector<128x64xf32> to vector<128x64xbf16>
    %dot_general3A_1442 = arith.constant dense<0.000000e+00> : vector<128x128xf32>
    %dot_general3A_1443 = tpu.matmul %convert_element_type3A_1441, %convert_element_type3A_12, %dot_general3A_1442 {dimension_numbers = #tpu.dot_dimension_numbers<[1], [0], [0], [1], [0, 0, 1, 1], [], []>, transpose_lhs_hint = false} : vector<128x64xbf16>, vector<64x128xbf16>, vector<128x128xf32> -> vector<128x128xf32>
    %add3A_1444 = vector.broadcast %get3A_21 : vector<1x128xf32> to vector<128x128xf32>
    %add3A_1445 = arith.addf %dot_general3A_1443, %add3A_1444 : vector<128x128xf32>
    %slice3A_1446 = vector.extract_strided_slice %get3A_1 {offsets = [0, 31], sizes = [128, 1], strides = [1, 1]} : vector<128x32xi32> to vector<128x1xi32>
    %gt3A_1447 = arith.constant 0 : i32
    %gt3A_1448 = vector.broadcast %gt3A_1447 : i32 to vector<128x1xi32>
    %gt3A_1449 = arith.cmpi sgt, %slice3A_1446, %gt3A_1448 : vector<128x1xi32>
    %jit3A_1450 = arith.constant 0xFF800000 : f32
    %broadcast_in_dim3A_1451 = vector.shape_cast %gt3A_1449 : vector<128x1xi1> to vector<128x1xi1>
    %broadcast_in_dim3A_1452 = vector.broadcast %broadcast_in_dim3A_1451 : vector<128x1xi1> to vector<128x128xi1>
    %broadcast_in_dim3A_1453 = vector.broadcast %jit3A_1450 : f32 to vector<128x128xf32>
    %select_n3A_1454 = arith.select %broadcast_in_dim3A_1452, %add3A_1445, %broadcast_in_dim3A_1453 : vector<128x128xi1>, vector<128x128xf32>
    %max3A_1455 = arith.maximumf %max3A_1414, %select_n3A_1454 : vector<128x128xf32>
    %swap3A = arith.constant 0 : index
    %swap3A_1456 = arith.constant 0 : index
    %swap3A_1457 = vector.load %arg11[%swap3A, %swap3A_1456] : memref<128x128xf32, #tpu.memory_space<vmem>>, vector<128x128xf32>
    tpu.vector_store %arg11[%swap3A, %swap3A_1456], %max3A_1455 {strides = array<i32>} : memref<128x128xf32, #tpu.memory_space<vmem>>, vector<128x128xf32>,
    return
  }
  func.func @transform_0(%arg0: i32) -> (i32, i32) {
    %c0_i32 = arith.constant 0 : i32
    %c0_i32_0 = arith.constant 0 : i32
    return %arg0, %c0_i32 : i32, i32
  }
  func.func @transform_1(%arg0: i32) -> (i32, i32, i32) {
    %c0_i32 = arith.constant 0 : i32
    %c0_i32_0 = arith.constant 0 : i32
    %c0_i32_1 = arith.constant 0 : i32
    return %c0_i32, %c0_i32_0, %arg0 : i32, i32, i32
  }
  func.func @transform_2(%arg0: i32) -> (i32, i32) {
    %c0_i32 = arith.constant 0 : i32
    %c0_i32_0 = arith.constant 0 : i32
    return %c0_i32, %arg0 : i32, i32
  }
  func.func @transform_3(%arg0: i32) -> (i32, i32) {
    %c0_i32 = arith.constant 0 : i32
    %c0_i32_0 = arith.constant 0 : i32
    return %arg0, %c0_i32 : i32, i32
  }
  func.func @transform_4(%arg0: i32) -> (i32, i32) {
    %c0_i32 = arith.constant 0 : i32
    %c0_i32_0 = arith.constant 0 : i32
    %c0_i32_1 = arith.constant 0 : i32
    return %c0_i32, %c0_i32_0 : i32, i32
  }
  func.func @transform_5(%arg0: i32) -> (i32, i32) {
    %c0_i32 = arith.constant 0 : i32
    %c0_i32_0 = arith.constant 0 : i32
    %c0_i32_1 = arith.constant 0 : i32
    return %c0_i32, %c0_i32_0 : i32, i32
  }
  func.func @transform_6(%arg0: i32) -> (i32, i32) {
    %c0_i32 = arith.constant 0 : i32
    %c0_i32_0 = arith.constant 0 : i32
    %c0_i32_1 = arith.constant 0 : i32
    return %c0_i32, %c0_i32_0 : i32, i32
  }
  func.func @transform_7(%arg0: i32) -> (i32, i32) {
    %c0_i32 = arith.constant 0 : i32
    %c0_i32_0 = arith.constant 0 : i32
    %c0_i32_1 = arith.constant 0 : i32
    return %c0_i32, %c0_i32_0 : i32, i32
  }
  func.func @transform_8(%arg0: i32) -> (i32, i32) {
    %c0_i32 = arith.constant 0 : i32
    %c0_i32_0 = arith.constant 0 : i32
    %c0_i32_1 = arith.constant 0 : i32
    return %c0_i32, %c0_i32_0 : i32, i32
  }
  func.func @transform_9(%arg0: i32) -> (i32, i32) {
    %c0_i32 = arith.constant 0 : i32
    %c0_i32_0 = arith.constant 0 : i32
    %c0_i32_1 = arith.constant 0 : i32
    return %c0_i32, %c0_i32_0 : i32, i32
  }
  func.func @transform_10(%arg0: i32) -> (i32, i32) {
    %c0_i32 = arith.constant 0 : i32
    %c0_i32_0 = arith.constant 0 : i32
    return %arg0, %c0_i32 : i32, i32
  }
}

</mosaic_0001>

<sc_bundles>
// kernel: kernel.10.cloned.1.call-start
scs
__scs_entry_jumppad:
0x0: {  	(pc) =	sbr.rel $0x88, $3  }
0x1: {  	(tag) =	ssettag $0x0;
	lr =	simm.s32 $0x1  }
0x2: {  	[smem:$0x3F97] =	sst lr;
	_ =	strace $0xD0000000  }
0x3: {  	_ = 	snop  }
0x4: {  	_ = 	snop  }
0x5: {  	_ = 	snop  }
0x6: {  	_ = 	snop  }
0x7: {  	_ = 	snop  }
__scs_overlays_trampoline_lowered:
0x8: {  	[smem:$0x3FA6] =	sst s0  }
0x9: {  	[smem:$0x3FA7] =	sst s1  }
0xa: {  	[smem:$0x3FA8] =	sst s2  }
0xb: {  	[smem:$0x3FA9] =	sst s3  }
0xc: {  	[smem:$0x3FAA] =	sst s4  }
0xd: {  	[smem:$0x3FAB] =	sst s5  }
0xe: {  	[smem:$0x3FAC] =	sst s6  }
0xf: {  	[smem:$0x3FAD] =	sst s7  }
0x10: {  	[smem:$0x3FAE] =	sst s8  }
0x11: {  	[smem:$0x3FAF] =	sst s9;
	s0 =	simm.s32 @!p0 $0x0  }
0x12: {  	s1 =	sld [smem:$0x3F95];
	s0 =	simm.s32 @p0 $0x1  }
0x13: {  	[smem:$0x3FB0] =	sst s0;
	s0 =	simm.s32 @!p1 $0x0  }
0x14: {  	s2 =	sld [smem:$0x3F94];
	s0 =	simm.s32 @p1 $0x1  }
0x15: {  	[smem:$0x3FB1] =	sst s0;
	s0 =	simm.s32 @!p2 $0x0  }
0x16: {  	s3 =	sld [smem:$0x3FDB];
	s0 =	simm.s32 @p2 $0x1  }
0x17: {  	s4 =	simm.s32 $0x1BF5;
	[smem:$0x3FB3] =	sst s0  }
0x18: {  	s0 =	sld [smem:$0x3F96];
	_ =	swait.ge [sflag:s4], $0x0  }
0x19: {  	s7 =	sld [smem:$0x3F97]  }
0x1a: {  	s8 =	sadd.s32 $0xFFFFE003, lr  }
0x1b: {  	s9 =	sadd.s32 $0xFFFFFEF7, lr;
	s5 =	simm.s32 $0xFFFFFFFF;
	p2 =	slt.u32 s8, $0xFFFFF086  }
0x1c: {  	p1 =	slt.u32 s9, $0xF7A;
	s5 =	simm.s32 @!p2 $0x0  }
0x1d: {  	s5 =	simm.s32 @p1 $0x1;
	p0 =	seq.s32 s7, s2  }
0x1e: {  	s7 =	smul.u32 @!p0 $0xF7A, s2;
	p2 =	seq.s32 @!p0 s5, $0x0  }
0x1f: {  	s9 =	smul.u32 $0xF7A, s1;
	s8 =	simm.s32 @!p0 $0x1BF5;
	p2 =	por !p2, p0  }
0x20: {  	[sflag:s8] =	ssyncset.s32 @!p0 $0xFFFFF086;
	s6 =	sadd.s32 @!p0 s3, s7;
	s7 =	simm.s32 @!p0 $0x108  }
0x21: {  	s3 =	sadd.s32 s3, s9;
	s6 =	sadd.s32 @!p0 $0x88, s6;
	s7 =	simm.s32 @p2 $0x1082  }
0x22: {  	[simem:s7], [sflag:s8] =	dma.local @!p0 [hbm:s6], $0xF7A  }
0x23: {  	s9 =	sor.u32 $0xD0000000, s2;
	s6 =	simm.s32 $0x108;
	_ =	swait.ge @!p0 [sflag:s8], $0x0  }
0x24: {  	s3 =	sadd.s32 $0x88, s3;
	s6 =	simm.s32 @!p1 $0x1082;
	[sflag:s4] =	ssyncset.s32 $0xFFFFF086  }
0x25: {  	[simem:s6], [sflag:s4] =	dma.local [hbm:s3], $0xF7A  }
0x26: {  	[smem:$0x3F97] =	sst s1;
	(tag) =	ssettag s2;
	_ =	strace s9  }
0x27: {  	s1 =	sld [smem:$0x3FA7]  }
0x28: {  	s2 =	sld [smem:$0x3FA8]  }
0x29: {  	s4 =	sld [smem:$0x3FAA]  }
0x2a: {  	p0 =	seq.s32 s5, $0x0;
	s5 =	sld [smem:$0x3FAB]  }
0x2b: {  	s6 =	sld [smem:$0x3FAC]  }
0x2c: {  	s7 =	sld [smem:$0x3FAD]  }
0x2d: {  	s3 =	simm.s32 $0x108;
	s8 =	sld [smem:$0x3FAE]  }
0x2e: {  	s3 =	simm.s32 @!p0 $0x1082;
	s9 =	sld [smem:$0x3FAF]  }
0x2f: {  	lr =	sadd.s32 s0, s3;
	s0 =	sld [smem:$0x3FA6]  }
0x30: {  	s3 =	sld [smem:$0x3FA9]  }
0x31: {  	[smem:$0x3FB2] =	sst s10  }
0x32: {  	s10 =	sld [smem:$0x3FB0];
	_ =	sdelay $0x3  }
0x33: {  	p0 =	seq.s32 s10, $0x1;
	s10 =	sld [smem:$0x3FB2];
	_ =	sdelay $0x3  }
0x34: {  	[smem:$0x3FB2] =	sst s10  }
0x35: {  	s10 =	sld [smem:$0x3FB1];
	_ =	sdelay $0x3  }
0x36: {  	p1 =	seq.s32 s10, $0x1;
	s10 =	sld [smem:$0x3FB2];
	_ =	sdelay $0x3  }
0x37: {  	[smem:$0x3FB2] =	sst s10  }
0x38: {  	s10 =	sld [smem:$0x3FB3]  }
0x39: {  	_ = 	snop;
	(pc) =	sbr.ind lr, $3  }
0x3a: {  	_ = 	snop  }
0x3b: {  	_ = 	snop  }
0x3c: {  	p2 =	seq.s32 s10, $0x1;
	s10 =	sld [smem:$0x3FB2]  }
0x3d: {  	_ =	shalt  }
0x3e: {  	_ =	shalt  }
0x3f: {  	_ =	shalt  }
0x40: {  	_ =	shalt  }
0x41: {  	_ =	shalt  }
0x42: {  	_ =	shalt  }
0x43: {  	_ =	shalt  }
0x44: {  	_ =	shalt  }
0x45: {  	_ =	shalt  }
0x46: {  	_ =	shalt  }
0x47: {  	_ =	shalt  }
0x48: {  	_ =	shalt  }
0x49: {  	_ =	shalt  }
0x4a: {  	_ =	shalt  }
0x4b: {  	_ =	shalt  }
0x4c: {  	_ =	shalt  }
0x4d: {  	_ =	shalt  }
0x4e: {  	_ =	shalt  }
0x4f: {  	_ =	shalt  }
0x50: {  	_ =	shalt  }
0x51: {  	_ =	shalt  }
0x52: {  	_ =	shalt  }
0x53: {  	_ =	shalt  }
0x54: {  	_ =	shalt  }
0x55: {  	_ =	shalt  }
0x56: {  	_ =	shalt  }
0x57: {  	_ =	shalt  }
0x58: {  	_ =	shalt  }
0x59: {  	_ =	shalt  }
0x5a: {  	_ =	shalt  }
0x5b: {  	_ =	shalt  }
0x5c: {  	_ =	shalt  }
0x5d: {  	_ =	shalt  }
0x5e: {  	_ =	shalt  }
0x5f: {  	_ =	shalt  }
0x60: {  	_ =	shalt  }
0x61: {  	_ =	shalt  }
0x62: {  	_ =	shalt  }
0x63: {  	_ =	shalt  }
0x64: {  	_ =	shalt  }
0x65: {  	_ =	shalt  }
0x66: {  	_ =	shalt  }
0x67: {  	_ =	shalt  }
0x68: {  	_ =	shalt  }
0x69: {  	_ =	shalt  }
0x6a: {  	_ =	shalt  }
0x6b: {  	_ =	shalt  }
0x6c: {  	_ =	shalt  }
0x6d: {  	_ =	shalt  }
0x6e: {  	_ =	shalt  }
0x6f: {  	_ =	shalt  }
0x70: {  	_ =	shalt  }
0x71: {  	_ =	shalt  }
0x72: {  	_ =	shalt  }
0x73: {  	_ =	shalt  }
0x74: {  	_ =	shalt  }
0x75: {  	_ =	shalt  }
0x76: {  	_ =	shalt  }
0x77: {  	_ =	shalt  }
0x78: {  	_ =	shalt  }
0x79: {  	_ =	shalt  }
0x7a: {  	_ =	shalt  }
0x7b: {  	_ =	shalt  }
0x7c: {  	_ =	shalt  }
0x7d: {  	_ =	shalt  }
0x7e: {  	_ =	shalt  }
0x7f: {  	_ =	shalt  }
0x80: {  	_ =	shalt  }
0x81: {  	_ =	shalt  }
0x82: {  	_ =	shalt  }
0x83: {  	_ =	shalt  }
0x84: {  	_ =	shalt  }
0x85: {  	_ =	shalt  }
0x86: {  	_ =	shalt  }
0x87: {  	_ =	shalt  }
.Lfunc_end0:
.L_simem_size_0:
called_computation.1_lowered:
.L_overlay_start_0:
0x88: {  	s2 =	sld [smem:$0x3FD9]  }
0x89: {  	s3 =	sld [smem:$0x3FFE];
	_ =	sdelay $0x1  }
0x8a: {  	s1 =	srdreg.scid  }
0x8b: {  	s0 =	sand.u32 $0x1, s1  }
0x8c: {  	s14 =	sshll.u32 s0, $0xA;
	s2 =	sadd.s32 s3, s2  }
0x8d: {  	s2 =	sadd.s32 s2, s14  }
0x8e: {  	[smem:$0x3FBE] =	sst s2  }
0x8f: {  	_ = 	snop  }
0x90: {  	s2 =	sld [smem:$0x3FD0];
	_ =	sdelay $0x2  }
0x91: {  	s15 =	simm.s32 $0xA;
	s4 =	simm.s32 $0x10  }
0x92: {  	[smem:s4], [sflag:s15] =	dma.local [hbm:s2], $0x1  }
0x93: {  	_ =	swait.eq [sflag:s15], $0x1  }
0x94: {  	[sflag:s15] =	ssyncset.done $0x0  }
0x95: {  	s16 =	sld [smem:$0x10];
	[sflag:s15] =	ssyncadd.s32 $0xFFFFFFFF  }
0x96: {  	s17 =	sld [smem:$0x13];
	(tm) =	ssettm $0x1  }
0x97: {  	s18 =	sld [smem:$0x3FFB];
	_ =	sdelay $0x3  }
0x98: {  	_ =	strace s18  }
0x99: {  	s4 =	sld [smem:$0x3FFC];
	_ =	sdelay $0x3  }
0x9a: {  	_ =	strace s4  }
0x9b: {  	s4 =	sld [smem:$0x3FFD];
	_ =	sdelay $0x3  }
0x9c: {  	_ =	strace s4  }
0x9d: {  	_ =	strace $0x8FFFFFFF  }
0x9e: {  	s19 =	sld [smem:$0x3FDB];
	_ =	sdelay $0x1  }
0x9f: {  	s5 =	simm.s32 $_scs_section_size  }
0xa0: {  	s6 =	simm.s32 $_size__tile_overlayer_lowered;
	s7 =	simm.s32 $_tile_overlayer_lowered  }
0xa1: {  	s22 =	simm.s32 $0x1BFF;
	s21 =	sshll.u32 s7, $0x1;
	s4 =	sadd.s32 s5, s19  }
0xa2: {  	s8 =	simm.s32 $0x0;
	s20 =	sshll.u32 s6, $0x1;
	s6 =	sadd.s32 s21, s4  }
0xa3: {  	[timem:s8], [sflag:s22] =	dma.local [hbm:s6], s20  }
0xa4: {  	_ =	swait.ge [sflag:s22], s20  }
0xa5: {  	s5 =	ssub.s32 $0x0, s20;
	[sflag:s22] =	ssyncset.done $0x0  }
0xa6: {  	[sflag:s22] =	ssyncadd.s32 s5;
	_ =	sdelay $0x1  }
0xa7: {  	s23 =	simm.s32 $0x1B8B  }
0xa8: {  	_ =	swait.ge [sflag:s23], $0x1  }
0xa9: {  	[sflag:s23] =	ssyncset.done $0x0  }
0xaa: {  	s25 =	simm.s32 $0x1B8E;
	s24 =	sld [smem:$0x3FFE];
	[sflag:s23] =	ssyncadd.s32 $0xFFFFFFFF  }
0xab: {  	s26 =	simm.s32 $execute0_lowered;
	[smem:$0x3FD2] =	sst s25  }
0xac: {  	s6 =	sshll.u32 s26, $0x1;
	_ =	strace $0x80000049;
	[dreg:$0x1] =	wrdreg $0xFFFFFFFF  }
0xad: {  	s28 =	simm.s32 $_size_execute0_lowered;
	s4 =	sadd.s32 s4, s6;
	[dreg:$0x0] =	wrdreg $0x0  }
0xae: {  	s6 =	sshll.u32 s28, $0x1;
	[dreg:$0x2] =	wrdreg s4  }
0xaf: {  	[dreg:$0x3] =	wrdreg s6  }
0xb0: {  	[dreg:$0x4] =	wrdreg $0xC0  }
0xb1: {  	_ =	task [dreg:s8], $0x5FFFF  }
0xb2: {  	[dreg:$0x1] =	wrdreg $0xFFFFFFFF  }
0xb3: {  	[dreg:$0x0] =	wrdreg $0x60  }
0xb4: {  	[dreg:$0x2] =	wrdreg s24  }
0xb5: {  	[dreg:$0x3] =	wrdreg s17  }
0xb6: {  	[dreg:$0x4] =	wrdreg s16  }
0xb7: {  	[dreg:$0x5] =	wrdreg $0x9  }
0xb8: {  	_ =	task.clear_ibuf [dreg:s8], $0x6FFFF;
	_ =	strace $0x90000049  }
0xb9: {  	s29 =	simm.s32 $0x9;
	_ =	strace $0x8000004B  }
0xba: {  	_ =	swait.ge [sflag:s29], $0x1  }
0xbb: {  	[sflag:s29] =	ssyncadd.s32 $0xFFFFFFFF  }
0xbc: {  	_ =	strace $0x9000004B  }
0xbd: {  	_ =	sfence  }
0xbe: {  	s30 =	sld [smem:$0x0];
	_ =	sdelay $0x2  }
0xbf: {  	s31 =	sshll.u32 s1, $0xD;
	s1 =	sshrl.u32 s1, $0x2  }
0xc0: {  	s3 =	sand.u32 $0x4000, s31;
	s1 =	sadd.s32 s1, s30  }
0xc1: {  	s0 =	sor.u32 s3, s0;
	s1 =	sshll.u32 s1, $0x11  }
0xc2: {  	s0 =	sor.u32 s1, s0  }
0xc3: {  	s0 =	sadd.s32 $0x8F2B, s0  }
0xc4: {  	[sflag:s0] =	ssyncadd.remote.s32 $0x1  }
0xc5: {  	_ =	sfence.sel $0xFFFF  }
0xc6: {  	[dreg:$0x0] =	wrdreg $0xFFFFFFFF;
	(pc) =	sbr.abs _section_cstart, $3  }
0xc7: {  	[dreg:$0x1] =	wrdreg $0xFFFFFFFF  }
0xc8: {  	_ =	task.clear_ibuf [dreg:s8], $0x2FFFF;
	_ =	strace $0x9FFFFFFF  }
0xc9: {  	(tm) =	ssettm $0x7FFFFFFF  }
tec
execute0_lowered:
.L_overlay_start_1:
0x0: {  	(tag) =	ssettag $0x1  }
0x1: {  	s0 =	rddreg [dreg:$0x0]  }
0x2: {  	s1 =	rddreg [dreg:$0x1]  }
0x3: {  	s6 =	rddreg [dreg:$0x2];
	s2 =	simm.s32 $0x0  }
0x4: {  	s3 =	srdreg.scid;
	s4 =	stileid.u32;
	s17 =	simm.s32 $0x2  }
0x5: {  	s18 =	simm.s32 $0x80;
	s19 =	simm.s32 $0x1;
	s20 =	simm.s32 $0x400  }
0x6: {  	s21 =	simm.s32 $0x8000;
	s22 =	simm.s32 $0xA080;
	s28 =	simm.s32 $0x8080  }
0x7: {  	s29 =	simm.s32 $0x9080;
	s30 =	simm.s32 $0x0;
	s31 =	simm.s32 $0x0  }
0x8: {  	[smem:$0x7FF] =	sst s2;
	s5 =	sand.u32 $0x1, s3;
	s23 =	sshll.u32 s4, $0x1  }
0x9: {  	s3 =	sadd.s32 $0xAA00, s0;
	s4 =	sadd.s32 $0x6A00, s0;
	s7 =	sor.u32 s5, s23  }
0xa: {  	_ =	strace $0x8000004A;
	s5 =	ssub.s32 $0x2, s5;
	s8 =	sshll.u32 s7, $0x10  }
0xb: {  	s24 =	sshll.u32 s7, $0x7;
	s25 =	sshrl.u32 s5, $0x1;
	s10 =	sshll.u32 s7, $0x4  }
0xc: {  	s26 =	sshll.u32 s7, $0xB;
	s7 =	sshll.u32 s7, $0xA;
	s9 =	sadd.s32 s8, s0  }
0xd: {  	s0 =	sadd.s32 s24, s0;
	s16 =	ssub.s32 s5, s25;
	s5 =	sadd.s32 s1, s10  }
0xe: {  	s6 =	sadd.s32 s6, s26;
	s25 =	simm.s32 $0x6080;
	s26 =	simm.s32 $0x7080  }
0xf: {  	s8 =	sadd.s32 $0x62A00, s0;
	s9 =	sadd.s32 $0x63A00, s9;
	s10 =	sadd.s32 $0x4AA00, s0  }
0x10: {  	v0 =	vlaneseq.u32;
	s11 =	sadd.s32 $0x4EA00, s0;
	s12 =	sadd.s32 $0x52A00, s0;
	s13 =	sadd.s32 $0x56A00, s0  }
0x11: {  	v0 =	vmul.u32 $0x80, v0;
	s14 =	sadd.s32 $0x5AA00, s0;
	s15 =	sadd.s32 $0x5EA00, s0;
	s16 =	smax.u32 s16, $0x1  }
.LBB2_1:
0x12: {  	[tilespmem:s2], [sflag:$0x2] =	stream.linear.gather [hbm4b:s5+s2], $0x80, $0x38;
	[tilespmem:$0xA480] =	vst v63  }
0x13: {  	_ =	swait.ge [sflag:s17], $0x80  }
0x14: {  	[sflag:s17] =	ssyncset.done $0x0  }
0x15: {  	[sflag:s17] =	ssyncadd.s32 $0xFFFFFF80  }
0x16: {  	v1 =	vmov s2;
	[tilespmem:s18], [sflag:$0x1] =	stream.indirect.gather [hbm4b:s3+s18], $0x80, s2, s18, $0xb8;
	[tilespmem:$0xA480] =	vst v63  }
0x17: {  	v1 =	vshll.u32 v1, $0x7;
	_ =	swait.ge [sflag:s19], $0x4000  }
0x18: {  	v1 =	vor.u32 v0, v1;
	[sflag:s19] =	ssyncset.done $0x0  }
0x19: {  	v2 =	vor.u32 $0x40, v1;
	[sflag:s19] =	ssyncadd.s32 $0xFFFFC000  }
0x1a: {  	[hbm4b:s6+s2] =	stream.linear.scatter [tilespmem:s18], [sflag:$0x2], $0x4000, $0x38;
	[tilespmem:$0xA480] =	vst v63  }
0x1b: {  	_ =	swait.ge [sflag:s17], $0x4000  }
0x1c: {  	[sflag:s17] =	ssyncset.done $0x0  }
0x1d: {  	[sflag:s17] =	ssyncadd.s32 $0xFFFFC000  }
0x1e: {  	v2 =	vld.idx.msk [tilespmem:v2+s18+$0x0], $0xffff  }
0x1f: {  	v3 =	vor.u32 $0x41, v1;
	_ =	sdelay $0x2  }
0x20: {  	s0 =	simm.s32 $0xA200  }
0x21: {  	[tilespmem:s0+$0xFFFFFE80] =	vst v2  }
0x22: {  	v2 =	vld.idx.msk [tilespmem:v3+s18+$0x0], $0xffff  }
0x23: {  	v3 =	vor.u32 $0x42, v1;
	_ =	sdelay $0x3  }
0x24: {  	[tilespmem:s0+$0xFFFFFF00] =	vst v2  }
0x25: {  	v2 =	vld.idx.msk [tilespmem:v3+s18+$0x0], $0xffff  }
0x26: {  	v3 =	vor.u32 $0x43, v1;
	_ =	sdelay $0x3  }
0x27: {  	[tilespmem:s0+$0xFFFFFF80] =	vst v2  }
0x28: {  	v2 =	vld.idx.msk [tilespmem:v3+s18+$0x0], $0xffff  }
0x29: {  	v3 =	vor.u32 $0x44, v1;
	_ =	sdelay $0x3  }
0x2a: {  	[tilespmem:s0+$0x0] =	vst v2  }
0x2b: {  	v3 =	vld.idx.msk [tilespmem:v3+s18+$0x0], $0xffff  }
0x2c: {  	v1 =	vor.u32 $0x45, v1;
	_ =	sdelay $0x2  }
0x2d: {  	s1 =	simm.s32 $0x10  }
0x2e: {  	v2 =	vmov s1;
	s1 =	simm.s32 $0x20;
	[tilespmem:s0+$0x80] =	vst v3  }
.LBB2_2:
0x2f: {  	p0 =	sne.s32 s1, $0x70;
	v2 =	vshll.u32 v2, $0x7;
	v1 =	vld.idx.msk [tilespmem:v1+s18+$0x0], $0xffff  }
0x30: {  	v2 =	vor.u32 v0, v2  }
0x31: {  	v3 =	vor.u32 $0x40, v2;
	_ =	sdelay $0x3  }
0x32: {  	[tilespmem:s0+$0x100] =	vst v1  }
0x33: {  	v1 =	vld.idx.msk [tilespmem:v3+s18+$0x0], $0xffff;
	_ =	sdelay $0x1  }
0x34: {  	v3 =	vor.u32 $0x41, v2;
	_ =	sdelay $0x2  }
0x35: {  	s0 =	sadd.s32 $0x10, s0  }
0x36: {  	[tilespmem:s0+$0xFFFFFE80] =	vst v1  }
0x37: {  	v1 =	vld.idx.msk [tilespmem:v3+s18+$0x0], $0xffff;
	_ =	sdelay $0x1  }
0x38: {  	v3 =	vor.u32 $0x42, v2;
	_ =	sdelay $0x3  }
0x39: {  	[tilespmem:s0+$0xFFFFFF00] =	vst v1  }
0x3a: {  	v1 =	vld.idx.msk [tilespmem:v3+s18+$0x0], $0xffff;
	_ =	sdelay $0x1  }
0x3b: {  	v3 =	vor.u32 $0x43, v2;
	_ =	sdelay $0x3  }
0x3c: {  	[tilespmem:s0+$0xFFFFFF80] =	vst v1  }
0x3d: {  	v1 =	vld.idx.msk [tilespmem:v3+s18+$0x0], $0xffff;
	_ =	sdelay $0x1  }
0x3e: {  	v3 =	vor.u32 $0x44, v2;
	_ =	sdelay $0x3  }
0x3f: {  	[tilespmem:s0+$0x0] =	vst v1  }
0x40: {  	v3 =	vld.idx.msk [tilespmem:v3+s18+$0x0], $0xffff;
	_ =	sdelay $0x1  }
.Ltmp0:
0x41: {  	v1 =	vor.u32 $0x45, v2;
	(pc) =	sbr.rel @p0 .LBB2_2-.Ltmp0, $2  }
0x42: {  	_ =	sdelay $0x2  }
0x43: {  	v2 =	vmov s1;
	s1 =	sadd.s32 $0x10, s1;
	[tilespmem:s0+$0x80] =	vst v3  }
0x44: {  	_ =	sdelay $0x2  }
0x45: {  	v2 =	vshll.u32 v2, $0x7  }
0x46: {  	v1 =	vld.idx.msk [tilespmem:v1+s18+$0x0], $0xffff;
	v2 =	vor.u32 v0, v2  }
0x47: {  	v3 =	vor.u32 $0x40, v2;
	_ =	sdelay $0x3  }
0x48: {  	[tilespmem:s0+$0x100] =	vst v1  }
0x49: {  	v1 =	vld.idx.msk [tilespmem:v3+s18+$0x0], $0xffff  }
0x4a: {  	v3 =	vor.u32 $0x41, v2;
	_ =	sdelay $0x2  }
0x4b: {  	s24 =	sadd.s32 $0x10, s0  }
0x4c: {  	[tilespmem:s24+$0xFFFFFE80] =	vst v1  }
0x4d: {  	v1 =	vld.idx.msk [tilespmem:v3+s18+$0x0], $0xffff  }
0x4e: {  	v3 =	vor.u32 $0x42, v2;
	_ =	sdelay $0x3  }
0x4f: {  	[tilespmem:s24+$0xFFFFFF00] =	vst v1  }
0x50: {  	v1 =	vld.idx.msk [tilespmem:v3+s18+$0x0], $0xffff  }
0x51: {  	v3 =	vor.u32 $0x43, v2;
	_ =	sdelay $0x3  }
0x52: {  	[tilespmem:s24+$0xFFFFFF80] =	vst v1  }
0x53: {  	v1 =	vld.idx.msk [tilespmem:v3+s18+$0x0], $0xffff  }
0x54: {  	v3 =	vor.u32 $0x44, v2;
	_ =	sdelay $0x3  }
0x55: {  	[tilespmem:s24+$0x0] =	vst v1  }
0x56: {  	v1 =	vld.idx.msk [tilespmem:v3+s18+$0x0], $0xffff  }
0x57: {  	v2 =	vor.u32 $0x45, v2;
	_ =	sdelay $0x3  }
0x58: {  	[tilespmem:s24+$0x80] =	vst v1  }
0x59: {  	v1 =	vld.idx.msk [tilespmem:v2+s18+$0x0], $0xffff;
	_ =	sdelay $0x4  }
0x5a: {  	[tilespmem:s24+$0x100] =	vst v1  }
0x5b: {  	[hbm4b:s8+s20] =	stream.strided.scatter [tilespmem:s22], [sflag:$0x2], $0x0, s21, s20, $0x38;
	[tilespmem:$0xA480] =	vst v63  }
0x5c: {  	_ = 	snop  }
0x5d: {  	[hbm4b:s8+s31] =	stream.linear.scatter [tilespmem:s22], [sflag:$0x2], $0x300, $0x38;
	[tilespmem:$0xA480] =	vst v63  }
0x5e: {  	_ =	swait.ge [sflag:s17], $0x300  }
0x5f: {  	[sflag:s17] =	ssyncset.done $0x0  }
0x60: {  	s23 =	simm.s32 $0x4080;
	s1 =	simm.s32 $0x0;
	[sflag:s17] =	ssyncadd.s32 $0xFFFFFD00  }
.LBB2_4:
0x61: {  	s0 =	sshll.u32 s1, $0x7;
	s24 =	sshll.u32 s1, $0xC  }
0x62: {  	s0 =	sand.u32 $0x380, s0;
	s24 =	sand.u32 $0x18000, s24  }
0x63: {  	s0 =	sor.u32 s0, s24  }
0x64: {  	s0 =	sor.u32 s7, s0  }
0x65: {  	s0 =	sshrl.u32 s0, $0x3  }
0x66: {  	s0 =	sadd.s32 s4, s0  }
0x67: {  	[tilespmem:s31], [sflag:$0x2] =	stream.linear.gather [hbm4b:s0+s31], $0x80, $0x38;
	[tilespmem:$0xA480] =	vst v63  }
0x68: {  	v1 =	vmov s31;
	_ =	swait.ge [sflag:s17], $0x80  }
0x69: {  	v1 =	vshll.u32 v1, $0x7;
	[sflag:s17] =	ssyncset.done $0x0  }
0x6a: {  	v1 =	vor.u32 v0, v1;
	[sflag:s17] =	ssyncadd.s32 $0xFFFFFF80  }
0x6b: {  	v2 =	vor.u32 $0x40, v1;
	[tilespmem:s18], [sflag:$0x1] =	stream.indirect.gather [hbm4b:s3+s18], $0x80, s31, s18, $0xb8;
	[tilespmem:$0xA480] =	vst v63  }
0x6c: {  	_ =	swait.ge [sflag:s19], $0x4000  }
0x6d: {  	s24 =	sshll.u32 s1, $0xB;
	[sflag:s19] =	ssyncset.done $0x0  }
0x6e: {  	s0 =	sadd.s32 s24, s9;
	[sflag:s19] =	ssyncadd.s32 $0xFFFFC000  }
0x6f: {  	[hbm4b:s0+s31] =	stream.linear.scatter [tilespmem:s18], [sflag:$0x1], $0x4000, $0x38;
	[tilespmem:$0xA480] =	vst v63  }
0x70: {  	v2 =	vld.idx.msk [tilespmem:v2+s18+$0x0], $0xffff  }
0x71: {  	v3 =	vor.u32 $0x41, v1;
	_ =	sdelay $0x3  }
0x72: {  	[tilespmem:s23+$0x0] =	vst v2  }
0x73: {  	v2 =	vld.idx.msk [tilespmem:v3+s18+$0x0], $0xffff  }
0x74: {  	v3 =	vor.u32 $0x42, v1;
	_ =	sdelay $0x3  }
0x75: {  	[tilespmem:s23+$0x1000] =	vst v2  }
0x76: {  	v2 =	vld.idx.msk [tilespmem:v3+s18+$0x0], $0xffff  }
0x77: {  	v3 =	vor.u32 $0x43, v1;
	_ =	sdelay $0x3  }
0x78: {  	[tilespmem:s23+$0x2000] =	vst v2  }
0x79: {  	v2 =	vld.idx.msk [tilespmem:v3+s18+$0x0], $0xffff  }
0x7a: {  	v3 =	vor.u32 $0x44, v1;
	_ =	sdelay $0x3  }
0x7b: {  	[tilespmem:s23+$0x3000] =	vst v2  }
0x7c: {  	v3 =	vld.idx.msk [tilespmem:v3+s18+$0x0], $0xffff  }
0x7d: {  	v1 =	vor.u32 $0x45, v1;
	_ =	sdelay $0x2  }
0x7e: {  	s24 =	simm.s32 $0x10  }
0x7f: {  	s0 =	smov.u32 s23;
	v2 =	vmov s24;
	s24 =	simm.s32 $0x20;
	[tilespmem:s23+$0x4000] =	vst v3  }
.LBB2_5:
0x80: {  	p0 =	sne.s32 s24, $0x70;
	v2 =	vshll.u32 v2, $0x7;
	v1 =	vld.idx.msk [tilespmem:v1+s18+$0x0], $0xffff  }
0x81: {  	v2 =	vor.u32 v0, v2  }
0x82: {  	v3 =	vor.u32 $0x40, v2;
	_ =	sdelay $0x3  }
0x83: {  	[tilespmem:s0+$0x5000] =	vst v1  }
0x84: {  	v1 =	vld.idx.msk [tilespmem:v3+s18+$0x0], $0xffff;
	_ =	sdelay $0x1  }
0x85: {  	v3 =	vor.u32 $0x41, v2;
	_ =	sdelay $0x2  }
0x86: {  	s0 =	sadd.s32 $0x10, s0  }
0x87: {  	[tilespmem:s0+$0x0] =	vst v1  }
0x88: {  	v1 =	vld.idx.msk [tilespmem:v3+s18+$0x0], $0xffff;
	_ =	sdelay $0x1  }
0x89: {  	v3 =	vor.u32 $0x42, v2;
	_ =	sdelay $0x3  }
0x8a: {  	[tilespmem:s0+$0x1000] =	vst v1  }
0x8b: {  	v1 =	vld.idx.msk [tilespmem:v3+s18+$0x0], $0xffff;
	_ =	sdelay $0x1  }
0x8c: {  	v3 =	vor.u32 $0x43, v2;
	_ =	sdelay $0x3  }
0x8d: {  	[tilespmem:s0+$0x2000] =	vst v1  }
0x8e: {  	v1 =	vld.idx.msk [tilespmem:v3+s18+$0x0], $0xffff;
	_ =	sdelay $0x1  }
0x8f: {  	v3 =	vor.u32 $0x44, v2;
	_ =	sdelay $0x3  }
0x90: {  	[tilespmem:s0+$0x3000] =	vst v1  }
0x91: {  	v3 =	vld.idx.msk [tilespmem:v3+s18+$0x0], $0xffff;
	_ =	sdelay $0x1  }
.Ltmp1:
0x92: {  	v1 =	vor.u32 $0x45, v2;
	(pc) =	sbr.rel @p0 .LBB2_5-.Ltmp1, $2  }
0x93: {  	_ =	sdelay $0x2  }
0x94: {  	v2 =	vmov s24;
	s24 =	sadd.s32 $0x10, s24;
	[tilespmem:s0+$0x4000] =	vst v3  }
0x95: {  	_ =	sdelay $0x2  }
0x96: {  	v2 =	vshll.u32 v2, $0x7  }
0x97: {  	v1 =	vld.idx.msk [tilespmem:v1+s18+$0x0], $0xffff;
	v2 =	vor.u32 v0, v2  }
0x98: {  	v3 =	vor.u32 $0x40, v2;
	_ =	sdelay $0x3  }
0x99: {  	[tilespmem:s0+$0x5000] =	vst v1  }
0x9a: {  	v1 =	vld.idx.msk [tilespmem:v3+s18+$0x0], $0xffff  }
0x9b: {  	v3 =	vor.u32 $0x41, v2;
	_ =	sdelay $0x2  }
0x9c: {  	s24 =	sadd.s32 $0x10, s0  }
0x9d: {  	[tilespmem:s24+$0x0] =	vst v1  }
0x9e: {  	v1 =	vld.idx.msk [tilespmem:v3+s18+$0x0], $0xffff  }
0x9f: {  	v3 =	vor.u32 $0x42, v2;
	_ =	sdelay $0x3  }
0xa0: {  	[tilespmem:s24+$0x1000] =	vst v1  }
0xa1: {  	v1 =	vld.idx.msk [tilespmem:v3+s18+$0x0], $0xffff  }
0xa2: {  	v3 =	vor.u32 $0x43, v2;
	_ =	sdelay $0x3  }
0xa3: {  	[tilespmem:s24+$0x2000] =	vst v1  }
0xa4: {  	v1 =	vld.idx.msk [tilespmem:v3+s18+$0x0], $0xffff  }
0xa5: {  	v3 =	vor.u32 $0x44, v2;
	_ =	sdelay $0x3  }
0xa6: {  	[tilespmem:s24+$0x3000] =	vst v1  }
0xa7: {  	v1 =	vld.idx.msk [tilespmem:v3+s18+$0x0], $0xffff  }
0xa8: {  	v2 =	vor.u32 $0x45, v2;
	_ =	sdelay $0x3  }
0xa9: {  	[tilespmem:s24+$0x4000] =	vst v1  }
0xaa: {  	v1 =	vld.idx.msk [tilespmem:v2+s18+$0x0], $0xffff;
	_ =	sdelay $0x1  }
0xab: {  	s1 =	sadd.s32 $0x1, s1  }
0xac: {  	p0 =	sne.s32 s1, $0x20  }
.Ltmp2:
0xad: {  	_ = 	snop;
	(pc) =	sbr.rel @p0 .LBB2_4-.Ltmp2, $4  }
0xae: {  	[tilespmem:s24+$0x5000] =	vst v1  }
0xaf: {  	_ =	swait.ge [sflag:s19], $0x4000  }
0xb0: {  	[sflag:s19] =	ssyncset.done $0x0  }
0xb1: {  	s23 =	sadd.s32 $0x80, s23;
	[sflag:s19] =	ssyncadd.s32 $0xFFFFC000  }
0xb2: {  	s0 =	simm.s32 $0x4080  }
0xb3: {  	[hbm4b:s10+s20] =	stream.strided.scatter [tilespmem:s0], [sflag:$0x2], $0x1000, s21, s20, $0x38;
	[tilespmem:$0xA480] =	vst v63  }
0xb4: {  	_ =	swait.ge [sflag:s17], $0x1000  }
0xb5: {  	[sflag:s17] =	ssyncset.done $0x0  }
0xb6: {  	s24 =	simm.s32 $0x5080;
	[sflag:s17] =	ssyncadd.s32 $0xFFFFF000  }
0xb7: {  	[hbm4b:s11+s20] =	stream.strided.scatter [tilespmem:s24], [sflag:$0x2], $0x1000, s21, s20, $0x38;
	[tilespmem:$0xA480] =	vst v63  }
0xb8: {  	_ =	swait.ge [sflag:s17], $0x1000  }
0xb9: {  	[sflag:s17] =	ssyncset.done $0x0  }
0xba: {  	[sflag:s17] =	ssyncadd.s32 $0xFFFFF000  }
0xbb: {  	[hbm4b:s12+s20] =	stream.strided.scatter [tilespmem:s25], [sflag:$0x2], $0x1000, s21, s20, $0x38;
	[tilespmem:$0xA480] =	vst v63  }
0xbc: {  	_ =	swait.ge [sflag:s17], $0x1000  }
0xbd: {  	[sflag:s17] =	ssyncset.done $0x0  }
0xbe: {  	[sflag:s17] =	ssyncadd.s32 $0xFFFFF000  }
0xbf: {  	[hbm4b:s13+s20] =	stream.strided.scatter [tilespmem:s26], [sflag:$0x2], $0x1000, s21, s20, $0x38;
	[tilespmem:$0xA480] =	vst v63  }
0xc0: {  	_ =	swait.ge [sflag:s17], $0x1000  }
0xc1: {  	[sflag:s17] =	ssyncset.done $0x0  }
0xc2: {  	[sflag:s17] =	ssyncadd.s32 $0xFFFFF000  }
0xc3: {  	[hbm4b:s14+s20] =	stream.strided.scatter [tilespmem:s28], [sflag:$0x2], $0x1000, s21, s20, $0x38;
	[tilespmem:$0xA480] =	vst v63  }
0xc4: {  	s30 =	sadd.s32 $0x1, s30;
	_ =	swait.ge [sflag:s17], $0x1000  }
0xc5: {  	p0 =	sne.s32 s30, s16;
	[sflag:s17] =	ssyncset.done $0x0  }
.Ltmp3:
0xc6: {  	[sflag:s17] =	ssyncadd.s32 $0xFFFFF000;
	(pc) =	sbr.rel @p0 .LBB2_1-.Ltmp3, $4  }
0xc7: {  	[hbm4b:s15+s20] =	stream.strided.scatter [tilespmem:s29], [sflag:$0x2], $0x1000, s21, s20, $0x38;
	[tilespmem:$0xA480] =	vst v63  }
0xc8: {  	_ =	swait.ge [sflag:s17], $0x1000  }
0xc9: {  	[sflag:s17] =	ssyncset.done $0x0  }
0xca: {  	[sflag:s17] =	ssyncadd.s32 $0xFFFFF000  }
0xcb: {  	_ =	sfence.sel $0x180000  }
0xcc: {  	[bflag:$0x0] =	sbarrier.arrive $0xFFFF  }
0xcd: {  	_ =	strace $0x9000004A  }
0xce: {  	s0 =	stileid.u32;
	[bflag:$0x2] =	sbarrier.arrive $0xFFFF  }
0xcf: {  	p0 =	sne.s32 s0, $0x0;
	s0 =	rddreg [dreg:$0x3]  }
0xd0: {  	s0 =	sadd.s32 @!p0 $0x100000, s0  }
0xd1: {  	[sflag:s0] =	ssyncadd.tile.s32 @!p0 $0x1;
	_ =	shalt  }
.Lfunc_end2:
_tile_overlayer_lowered:
.L_overlay_start_2:
0xd2: {  	(tag) =	ssettag $0x2  }
0xd3: {  	s0 =	rddreg [dreg:$0x0];
	s2 =	stileid.u32  }
0xd4: {  	s1 =	rddreg [dreg:$0x1];
	p0 =	sne.s32 s2, $0x0  }
0xd5: {  	s3 =	rddreg [dreg:$0x2];
	[bflag:$0x3] =	sbarrier.arrive $0xFFFF;
	s2 =	simm.s32 @!p0 $0x1C02  }
0xd6: {  	[timem:s3], [sflag:s2] =	dma.local @!p0 [hbm:s0], s1  }
0xd7: {  	s0 =	simm.s32 @!p0 $0x2  }
0xd8: {  	_ =	swait.ge @!p0 [sflag:s0], s1  }
0xd9: {  	s1 =	ssub.s32 @!p0 $0x0, s1;
	[sflag:s0] =	ssyncset.done @!p0 $0x0  }
0xda: {  	[sflag:s0] =	ssyncadd.s32 @!p0 s1  }
0xdb: {  	[bflag:$0x3] =	sbarrier.arrive $0xFFFF  }
0xdc: {  	_ =	shalt  }

// kernel: kernel.7.cloned.1.call-start
scs
__scs_entry_jumppad:
0x0: {  	(pc) =	sbr.rel $0x88, $3  }
0x1: {  	(tag) =	ssettag $0x0;
	lr =	simm.s32 $0x1  }
0x2: {  	[smem:$0x3F97] =	sst lr;
	_ =	strace $0xD0000000  }
0x3: {  	_ = 	snop  }
0x4: {  	_ = 	snop  }
0x5: {  	_ = 	snop  }
0x6: {  	_ = 	snop  }
0x7: {  	_ = 	snop  }
__scs_overlays_trampoline_lowered:
0x8: {  	[smem:$0x3FA6] =	sst s0  }
0x9: {  	[smem:$0x3FA7] =	sst s1  }
0xa: {  	[smem:$0x3FA8] =	sst s2  }
0xb: {  	[smem:$0x3FA9] =	sst s3  }
0xc: {  	[smem:$0x3FAA] =	sst s4  }
0xd: {  	[smem:$0x3FAB] =	sst s5  }
0xe: {  	[smem:$0x3FAC] =	sst s6  }
0xf: {  	[smem:$0x3FAD] =	sst s7  }
0x10: {  	[smem:$0x3FAE] =	sst s8  }
0x11: {  	[smem:$0x3FAF] =	sst s9;
	s0 =	simm.s32 @!p0 $0x0  }
0x12: {  	s1 =	sld [smem:$0x3F95];
	s0 =	simm.s32 @p0 $0x1  }
0x13: {  	[smem:$0x3FB0] =	sst s0;
	s0 =	simm.s32 @!p1 $0x0  }
0x14: {  	s2 =	sld [smem:$0x3F94];
	s0 =	simm.s32 @p1 $0x1  }
0x15: {  	[smem:$0x3FB1] =	sst s0;
	s0 =	simm.s32 @!p2 $0x0  }
0x16: {  	s3 =	sld [smem:$0x3FDB];
	s0 =	simm.s32 @p2 $0x1  }
0x17: {  	s4 =	simm.s32 $0x1BF5;
	[smem:$0x3FB3] =	sst s0  }
0x18: {  	s0 =	sld [smem:$0x3F96];
	_ =	swait.ge [sflag:s4], $0x0  }
0x19: {  	s7 =	sld [smem:$0x3F97]  }
0x1a: {  	s8 =	sadd.s32 $0xFFFFE003, lr  }
0x1b: {  	s9 =	sadd.s32 $0xFFFFFEF7, lr;
	s5 =	simm.s32 $0xFFFFFFFF;
	p2 =	slt.u32 s8, $0xFFFFF086  }
0x1c: {  	p1 =	slt.u32 s9, $0xF7A;
	s5 =	simm.s32 @!p2 $0x0  }
0x1d: {  	s5 =	simm.s32 @p1 $0x1;
	p0 =	seq.s32 s7, s2  }
0x1e: {  	s7 =	smul.u32 @!p0 $0xF7A, s2;
	p2 =	seq.s32 @!p0 s5, $0x0  }
0x1f: {  	s9 =	smul.u32 $0xF7A, s1;
	s8 =	simm.s32 @!p0 $0x1BF5;
	p2 =	por !p2, p0  }
0x20: {  	[sflag:s8] =	ssyncset.s32 @!p0 $0xFFFFF086;
	s6 =	sadd.s32 @!p0 s3, s7;
	s7 =	simm.s32 @!p0 $0x108  }
0x21: {  	s3 =	sadd.s32 s3, s9;
	s6 =	sadd.s32 @!p0 $0x88, s6;
	s7 =	simm.s32 @p2 $0x1082  }
0x22: {  	[simem:s7], [sflag:s8] =	dma.local @!p0 [hbm:s6], $0xF7A  }
0x23: {  	s9 =	sor.u32 $0xD0000000, s2;
	s6 =	simm.s32 $0x108;
	_ =	swait.ge @!p0 [sflag:s8], $0x0  }
0x24: {  	s3 =	sadd.s32 $0x88, s3;
	s6 =	simm.s32 @!p1 $0x1082;
	[sflag:s4] =	ssyncset.s32 $0xFFFFF086  }
0x25: {  	[simem:s6], [sflag:s4] =	dma.local [hbm:s3], $0xF7A  }
0x26: {  	[smem:$0x3F97] =	sst s1;
	(tag) =	ssettag s2;
	_ =	strace s9  }
0x27: {  	s1 =	sld [smem:$0x3FA7]  }
0x28: {  	s2 =	sld [smem:$0x3FA8]  }
0x29: {  	s4 =	sld [smem:$0x3FAA]  }
0x2a: {  	p0 =	seq.s32 s5, $0x0;
	s5 =	sld [smem:$0x3FAB]  }
0x2b: {  	s6 =	sld [smem:$0x3FAC]  }
0x2c: {  	s7 =	sld [smem:$0x3FAD]  }
0x2d: {  	s3 =	simm.s32 $0x108;
	s8 =	sld [smem:$0x3FAE]  }
0x2e: {  	s3 =	simm.s32 @!p0 $0x1082;
	s9 =	sld [smem:$0x3FAF]  }
0x2f: {  	lr =	sadd.s32 s0, s3;
	s0 =	sld [smem:$0x3FA6]  }
0x30: {  	s3 =	sld [smem:$0x3FA9]  }
0x31: {  	[smem:$0x3FB2] =	sst s10  }
0x32: {  	s10 =	sld [smem:$0x3FB0];
	_ =	sdelay $0x3  }
0x33: {  	p0 =	seq.s32 s10, $0x1;
	s10 =	sld [smem:$0x3FB2];
	_ =	sdelay $0x3  }
0x34: {  	[smem:$0x3FB2] =	sst s10  }
0x35: {  	s10 =	sld [smem:$0x3FB1];
	_ =	sdelay $0x3  }
0x36: {  	p1 =	seq.s32 s10, $0x1;
	s10 =	sld [smem:$0x3FB2];
	_ =	sdelay $0x3  }
0x37: {  	[smem:$0x3FB2] =	sst s10  }
0x38: {  	s10 =	sld [smem:$0x3FB3]  }
0x39: {  	_ = 	snop;
	(pc) =	sbr.ind lr, $3  }
0x3a: {  	_ = 	snop  }
0x3b: {  	_ = 	snop  }
0x3c: {  	p2 =	seq.s32 s10, $0x1;
	s10 =	sld [smem:$0x3FB2]  }
0x3d: {  	_ =	shalt  }
0x3e: {  	_ =	shalt  }
0x3f: {  	_ =	shalt  }
0x40: {  	_ =	shalt  }
0x41: {  	_ =	shalt  }
0x42: {  	_ =	shalt  }
0x43: {  	_ =	shalt  }
0x44: {  	_ =	shalt  }
0x45: {  	_ =	shalt  }
0x46: {  	_ =	shalt  }
0x47: {  	_ =	shalt  }
0x48: {  	_ =	shalt  }
0x49: {  	_ =	shalt  }
0x4a: {  	_ =	shalt  }
0x4b: {  	_ =	shalt  }
0x4c: {  	_ =	shalt  }
0x4d: {  	_ =	shalt  }
0x4e: {  	_ =	shalt  }
0x4f: {  	_ =	shalt  }
0x50: {  	_ =	shalt  }
0x51: {  	_ =	shalt  }
0x52: {  	_ =	shalt  }
0x53: {  	_ =	shalt  }
0x54: {  	_ =	shalt  }
0x55: {  	_ =	shalt  }
0x56: {  	_ =	shalt  }
0x57: {  	_ =	shalt  }
0x58: {  	_ =	shalt  }
0x59: {  	_ =	shalt  }
0x5a: {  	_ =	shalt  }
0x5b: {  	_ =	shalt  }
0x5c: {  	_ =	shalt  }
0x5d: {  	_ =	shalt  }
0x5e: {  	_ =	shalt  }
0x5f: {  	_ =	shalt  }
0x60: {  	_ =	shalt  }
0x61: {  	_ =	shalt  }
0x62: {  	_ =	shalt  }
0x63: {  	_ =	shalt  }
0x64: {  	_ =	shalt  }
0x65: {  	_ =	shalt  }
0x66: {  	_ =	shalt  }
0x67: {  	_ =	shalt  }
0x68: {  	_ =	shalt  }
0x69: {  	_ =	shalt  }
0x6a: {  	_ =	shalt  }
0x6b: {  	_ =	shalt  }
0x6c: {  	_ =	shalt  }
0x6d: {  	_ =	shalt  }
0x6e: {  	_ =	shalt  }
0x6f: {  	_ =	shalt  }
0x70: {  	_ =	shalt  }
0x71: {  	_ =	shalt  }
0x72: {  	_ =	shalt  }
0x73: {  	_ =	shalt  }
0x74: {  	_ =	shalt  }
0x75: {  	_ =	shalt  }
0x76: {  	_ =	shalt  }
0x77: {  	_ =	shalt  }
0x78: {  	_ =	shalt  }
0x79: {  	_ =	shalt  }
0x7a: {  	_ =	shalt  }
0x7b: {  	_ =	shalt  }
0x7c: {  	_ =	shalt  }
0x7d: {  	_ =	shalt  }
0x7e: {  	_ =	shalt  }
0x7f: {  	_ =	shalt  }
0x80: {  	_ =	shalt  }
0x81: {  	_ =	shalt  }
0x82: {  	_ =	shalt  }
0x83: {  	_ =	shalt  }
0x84: {  	_ =	shalt  }
0x85: {  	_ =	shalt  }
0x86: {  	_ =	shalt  }
0x87: {  	_ =	shalt  }
.Lfunc_end0:
.L_simem_size_0:
called_computation_lowered:
.L_overlay_start_0:
0x88: {  	s2 =	sld [smem:$0x3FD9]  }
0x89: {  	s3 =	sld [smem:$0x3FFE];
	_ =	sdelay $0x1  }
0x8a: {  	s1 =	srdreg.scid  }
0x8b: {  	s0 =	sand.u32 $0x1, s1  }
0x8c: {  	s14 =	sshll.u32 s0, $0xA;
	s2 =	sadd.s32 s3, s2  }
0x8d: {  	s2 =	sadd.s32 s2, s14  }
0x8e: {  	[smem:$0x3FBE] =	sst s2  }
0x8f: {  	_ = 	snop  }
0x90: {  	s2 =	sld [smem:$0x3FD0];
	_ =	sdelay $0x2  }
0x91: {  	s15 =	simm.s32 $0xA;
	s4 =	simm.s32 $0x10  }
0x92: {  	[smem:s4], [sflag:s15] =	dma.local [hbm:s2], $0x1  }
0x93: {  	_ =	swait.eq [sflag:s15], $0x1  }
0x94: {  	s16 =	sld [smem:$0x10]  }
0x95: {  	s17 =	sld [smem:$0x11];
	[sflag:s15] =	ssyncset.done $0x0  }
0x96: {  	s5 =	sld [smem:$0x12];
	[sflag:s15] =	ssyncadd.s32 $0xFFFFFFFF  }
0x97: {  	s18 =	sld [smem:$0x13];
	(tm) =	ssettm $0x1  }
0x98: {  	s6 =	sld [smem:$0x3FFB];
	_ =	sdelay $0x3  }
0x99: {  	_ =	strace s6  }
0x9a: {  	s6 =	sld [smem:$0x3FFC];
	_ =	sdelay $0x3  }
0x9b: {  	_ =	strace s6  }
0x9c: {  	s6 =	sld [smem:$0x3FFD];
	_ =	sdelay $0x3  }
0x9d: {  	_ =	strace s6  }
0x9e: {  	_ =	strace $0x8FFFFFFF  }
0x9f: {  	s19 =	sld [smem:$0x3FDB];
	_ =	sdelay $0x1  }
0xa0: {  	s7 =	simm.s32 $_scs_section_size  }
0xa1: {  	s8 =	simm.s32 $_size__tile_overlayer_lowered;
	s9 =	simm.s32 $_tile_overlayer_lowered  }
0xa2: {  	s22 =	simm.s32 $0x1BFF;
	s21 =	sshll.u32 s9, $0x1;
	s6 =	sadd.s32 s7, s19  }
0xa3: {  	s10 =	simm.s32 $0x0;
	s20 =	sshll.u32 s8, $0x1;
	s8 =	sadd.s32 s21, s6  }
0xa4: {  	[timem:s10], [sflag:s22] =	dma.local [hbm:s8], s20  }
0xa5: {  	_ =	swait.ge [sflag:s22], s20  }
0xa6: {  	s7 =	ssub.s32 $0x0, s20;
	[sflag:s22] =	ssyncset.done $0x0  }
0xa7: {  	[sflag:s22] =	ssyncadd.s32 s7;
	_ =	sdelay $0x1  }
0xa8: {  	s23 =	simm.s32 $0x1B8B  }
0xa9: {  	_ =	swait.ge [sflag:s23], $0x1  }
0xaa: {  	[sflag:s23] =	ssyncset.done $0x0  }
0xab: {  	s25 =	simm.s32 $0x1B8E;
	s24 =	sld [smem:$0x3FFE];
	[sflag:s23] =	ssyncadd.s32 $0xFFFFFFFF  }
0xac: {  	s26 =	simm.s32 $execute0_lowered;
	[smem:$0x3FD2] =	sst s25  }
0xad: {  	s8 =	sshll.u32 s26, $0x1;
	_ =	strace $0x80000046;
	[dreg:$0x1] =	wrdreg $0xFFFFFFFF  }
0xae: {  	s28 =	simm.s32 $_size_execute0_lowered;
	s6 =	sadd.s32 s6, s8;
	[dreg:$0x0] =	wrdreg $0x0  }
0xaf: {  	s8 =	sshll.u32 s28, $0x1;
	[dreg:$0x2] =	wrdreg s6  }
0xb0: {  	[dreg:$0x3] =	wrdreg s8  }
0xb1: {  	[dreg:$0x4] =	wrdreg $0xC0  }
0xb2: {  	_ =	task [dreg:s10], $0x5FFFF  }
0xb3: {  	[dreg:$0x1] =	wrdreg $0xFFFFFFFF  }
0xb4: {  	[dreg:$0x0] =	wrdreg $0x60  }
0xb5: {  	[dreg:$0x2] =	wrdreg s16  }
0xb6: {  	[dreg:$0x3] =	wrdreg s17  }
0xb7: {  	[dreg:$0x4] =	wrdreg s5  }
0xb8: {  	[dreg:$0x5] =	wrdreg s18  }
0xb9: {  	[dreg:$0x6] =	wrdreg s24  }
0xba: {  	[dreg:$0x7] =	wrdreg $0x9  }
0xbb: {  	_ =	task.clear_ibuf [dreg:s10], $0x8FFFF;
	_ =	strace $0x90000046  }
0xbc: {  	s29 =	simm.s32 $0x9;
	_ =	strace $0x80000048  }
0xbd: {  	_ =	swait.ge [sflag:s29], $0x1  }
0xbe: {  	[sflag:s29] =	ssyncadd.s32 $0xFFFFFFFF  }
0xbf: {  	_ =	strace $0x90000048  }
0xc0: {  	_ =	sfence  }
0xc1: {  	s30 =	sld [smem:$0x0];
	_ =	sdelay $0x2  }
0xc2: {  	s31 =	sshll.u32 s1, $0xD;
	s1 =	sshrl.u32 s1, $0x2  }
0xc3: {  	s3 =	sand.u32 $0x4000, s31;
	s1 =	sadd.s32 s1, s30  }
0xc4: {  	s0 =	sor.u32 s3, s0;
	s1 =	sshll.u32 s1, $0x11  }
0xc5: {  	s0 =	sor.u32 s1, s0  }
0xc6: {  	s0 =	sadd.s32 $0x8F2B, s0  }
0xc7: {  	[sflag:s0] =	ssyncadd.remote.s32 $0x1  }
0xc8: {  	_ =	sfence.sel $0xFFFF  }
0xc9: {  	[dreg:$0x0] =	wrdreg $0xFFFFFFFF;
	(pc) =	sbr.abs _section_cstart, $3  }
0xca: {  	[dreg:$0x1] =	wrdreg $0xFFFFFFFF  }
0xcb: {  	_ =	task.clear_ibuf [dreg:s10], $0x2FFFF;
	_ =	strace $0x9FFFFFFF  }
0xcc: {  	(tm) =	ssettm $0x7FFFFFFF  }
0xcd: {  	_ =	shalt  }
tec
execute0_lowered:
.L_overlay_start_1:
0x0: {  	(tag) =	ssettag $0x1  }
0x1: {  	s1 =	rddreg [dreg:$0x0]  }
0x2: {  	s2 =	rddreg [dreg:$0x1]  }
0x3: {  	s3 =	rddreg [dreg:$0x2]  }
0x4: {  	s6 =	rddreg [dreg:$0x3]  }
0x5: {  	s7 =	rddreg [dreg:$0x4]  }
0x6: {  	s0 =	rddreg [dreg:$0x5]  }
0x7: {  	s8 =	srdreg.scid;
	s4 =	stileid.u32;
	s5 =	simm.s32 $0x0  }
0x8: {  	s12 =	simm.s32 $0x8100;
	s13 =	simm.s32 $0x10200;
	s14 =	simm.s32 $0x13300  }
0x9: {  	s15 =	simm.s32 $0x12300;
	s8 =	sand.u32 $0x1, s8;
	s9 =	sshll.u32 s4, $0x1  }
0xa: {  	s16 =	simm.s32 $0x0;
	[smem:$0x7FF] =	sst s5;
	s9 =	sor.u32 s8, s9  }
0xb: {  	_ =	strace $0x80000047;
	s8 =	ssub.s32 $0x2, s8;
	s10 =	sshll.u32 s9, $0x7  }
0xc: {  	v0 =	vlaneseq.u32;
	s11 =	sshll.u32 s9, $0x9;
	s31 =	sshrl.u32 s8, $0x1;
	s9 =	sshll.u32 s9, $0x4  }
0xd: {  	v1 =	vmul.u32 $0x80, v0;
	s10 =	sadd.s32 s10, s7;
	s7 =	sadd.s32 s11, s7;
	s11 =	ssub.s32 s8, s31  }
0xe: {  	s6 =	sadd.s32 s6, s9;
	s7 =	sadd.s32 $0x2A00, s7;
	s8 =	sadd.s32 $0x6A00, s10  }
0xf: {  	v3 =	vimm.s32 $0x0;
	v2 =	vor.u32 $0x10, v0;
	v4 =	vor.u32 $0x800, v1;
	s9 =	smax.u32 s11, $0x1;
	s10 =	simm.s32 $0x1;
	s11 =	simm.s32 $0x4080  }
.LBB2_1:
0x10: {  	[tilespmem:s5], [sflag:$0x1] =	stream.linear.gather [hbm4b:s1+s5], $0x4000, $0x38;
	[tilespmem:$0x14300] =	vst v63  }
0x11: {  	_ =	swait.ge [sflag:s10], $0x4000  }
0x12: {  	[sflag:s10] =	ssyncset.done $0x0  }
0x13: {  	[sflag:s10] =	ssyncadd.s32 $0xFFFFC000  }
0x14: {  	[tilespmem:s11], [sflag:$0x1] =	stream.linear.gather [hbm4b:s2+s5], $0x4000, $0x38;
	[tilespmem:$0x14300] =	vst v63  }
0x15: {  	_ =	swait.ge [sflag:s10], $0x4000  }
0x16: {  	[sflag:s10] =	ssyncset.done $0x0  }
0x17: {  	[sflag:s10] =	ssyncadd.s32 $0xFFFFC000  }
0x18: {  	[tilespmem:s12], [sflag:$0x1] =	stream.linear.gather [hbm4b:s3+s5], $0x4000, $0x38;
	[tilespmem:$0x14300] =	vst v63  }
0x19: {  	_ =	swait.ge [sflag:s10], $0x4000  }
0x1a: {  	[sflag:s10] =	ssyncset.done $0x0  }
0x1b: {  	[sflag:s10] =	ssyncadd.s32 $0xFFFFC000  }
0x1c: {  	[tilespmem:s13], [sflag:$0x1] =	stream.linear.gather [hbm4b:s6+s5], $0x80, $0x38;
	[tilespmem:$0x14300] =	vst v63  }
0x1d: {  	_ =	swait.ge [sflag:s10], $0x80  }
0x1e: {  	[sflag:s10] =	ssyncset.done $0x0  }
0x1f: {  	s17 =	simm.s32 $0x0;
	[sflag:s10] =	ssyncadd.s32 $0xFFFFFF80  }
0x20: {  	v5 =	vld [tilespmem:s17+$0x0];
	_ =	sdelay $0x1  }
0x21: {  	v6 =	vld [tilespmem:s17+$0x4080]  }
0x22: {  	v7 =	vld [tilespmem:s17+$0x8100];
	_ =	sdelay $0x1  }
0x23: {  	v8 =	vshrl.u32 v5, $0x10  }
0x24: {  	v8 =	vand.u32 $0x1, v8  }
0x25: {  	v9 =	vmul.f32 v5, v5;
	v10 =	vshrl.u32 v6, $0x10;
	v5 =	vadd.s32 v8, v5  }
0x26: {  	v8 =	vand.u32 $0x1, v10;
	v10 =	vshrl.u32 v7, $0x10;
	v5 =	vadd.s32 $0x7FFF, v5  }
0x27: {  	v8 =	vadd.s32 v8, v6;
	v10 =	vand.u32 $0x1, v10;
	v6 =	vmul.f32 v6, v6  }
0x28: {  	v5 =	vand.u32 $0xFFFF0000, v5;
	v8 =	vadd.s32 $0x7FFF, v8;
	v10 =	vadd.s32 v10, v7  }
0x29: {  	s18 =	simm.s32 $0x10;
	[tilespmem:s17+$0x0] =	vst v5;
	v8 =	vand.u32 $0xFFFF0000, v8;
	v10 =	vadd.s32 $0x7FFF, v10  }
0x2a: {  	s19 =	simm.s32 $0x80;
	v7 =	vmul.f32 v7, v7;
	v6 =	vadd.f32 v6, v9;
	v5 =	vld [tilespmem:s18+$0x0];
	[tilespmem:s17+$0x4080] =	vst v8;
	v8 =	vand.u32 $0xFFFF0000, v10  }
.LBB2_2:
0x2b: {  	p0 =	sne.s32 s19, $0xFFC0;
	v9 =	vld [tilespmem:s18+$0x4080];
	[tilespmem:s17+$0x8100] =	vst v8  }
0x2c: {  	v8 =	vld [tilespmem:s18+$0x8100];
	v6 =	vadd.f32 v7, v6;
	_ =	sdelay $0x1  }
0x2d: {  	[tilespmem:s17+$0xC180] =	vst v6;
	s17 =	smov.u32 s18  }
0x2e: {  	v6 =	vmul.f32 v5, v5;
	v7 =	vshrl.u32 v5, $0x10  }
0x2f: {  	v10 =	vmul.f32 v9, v9;
	v7 =	vand.u32 $0x1, v7;
	v11 =	vshrl.u32 v9, $0x10  }
.Ltmp0:
0x30: {  	v5 =	vadd.s32 v7, v5;
	v7 =	vand.u32 $0x1, v11;
	v11 =	vshrl.u32 v8, $0x10;
	(pc) =	sbr.rel @p0 .LBB2_2-.Ltmp0, $4  }
0x31: {  	v5 =	vadd.s32 $0x7FFF, v5;
	v7 =	vadd.s32 v7, v9;
	v9 =	vand.u32 $0x1, v11  }
0x32: {  	v5 =	vand.u32 $0xFFFF0000, v5;
	v7 =	vadd.s32 $0x7FFF, v7;
	v9 =	vadd.s32 v9, v8  }
0x33: {  	s18 =	sshra.s32 s19, $0x2;
	v6 =	vadd.f32 v10, v6;
	[tilespmem:s17+$0x0] =	vst v5;
	v10 =	vand.u32 $0xFFFF0000, v7;
	v9 =	vadd.s32 $0x7FFF, v9  }
0x34: {  	s19 =	sadd.s32 $0x40, s19;
	v7 =	vmul.f32 v8, v8;
	v5 =	vld [tilespmem:s18+$0x0];
	[tilespmem:s17+$0x4080] =	vst v10;
	v8 =	vand.u32 $0xFFFF0000, v9  }
0x35: {  	v9 =	vld [tilespmem:s18+$0x4080]  }
0x36: {  	[tilespmem:s17+$0x8100] =	vst v8  }
0x37: {  	v8 =	vld [tilespmem:s18+$0x8100];
	_ =	sdelay $0x1  }
0x38: {  	v6 =	vadd.f32 v7, v6;
	v7 =	vshrl.u32 v5, $0x10  }
0x39: {  	v10 =	vmul.f32 v5, v5;
	v7 =	vand.u32 $0x1, v7;
	v11 =	vshrl.u32 v9, $0x10  }
0x3a: {  	v5 =	vadd.s32 v7, v5;
	v7 =	vmul.f32 v9, v9;
	v11 =	vand.u32 $0x1, v11  }
0x3b: {  	v63 =	vshrl.u32 v8, $0x10;
	v9 =	vadd.s32 v11, v9;
	v5 =	vadd.s32 $0x7FFF, v5  }
0x3c: {  	v11 =	vand.u32 $0x1, v63;
	v5 =	vand.u32 $0xFFFF0000, v5;
	v9 =	vadd.s32 $0x7FFF, v9  }
0x3d: {  	[tilespmem:s17+$0xC180] =	vst v6;
	v6 =	vadd.s32 v11, v8;
	v7 =	vadd.f32 v7, v10;
	v8 =	vmul.f32 v8, v8  }
0x3e: {  	[tilespmem:s18+$0x0] =	vst v5;
	v5 =	vand.u32 $0xFFFF0000, v9;
	v6 =	vadd.s32 $0x7FFF, v6  }
0x3f: {  	[tilespmem:s18+$0x4080] =	vst v5;
	v5 =	vand.u32 $0xFFFF0000, v6;
	v6 =	vadd.f32 v8, v7  }
0x40: {  	[tilespmem:s18+$0x8100] =	vst v5  }
0x41: {  	s17 =	simm.s32 $0x0;
	[tilespmem:s18+$0xC180] =	vst v6  }
.LBB2_4:
0x42: {  	v5 =	vld [tilespmem:s17+$0x10200];
	_ =	sdelay $0x4  }
0x43: {  	(v2sf) =	vpush v5, $0x0;
	_ =	sdelay $0xe  }
0x44: {  	s20 =	spop (v2sf)  }
0x45: {  	s18 =	sshll.u32 s17, $0x6;
	v5 =	vld.msk [tilespmem:s20+$0x0 ss:$0x0], $0xffff  }
0x46: {  	s19 =	simm.s32 $0x4080;
	s21 =	simm.s32 $0x8100;
	s18 =	sand.u32 $0x3FFFFFC0, s18;
	v6 =	vld.msk [tilespmem:s20+$0x4080 ss:$0x0], $0xffff  }
0x47: {  	s22 =	simm.s32 $0xC180;
	s23 =	simm.s32 $0x0;
	s24 =	sadd.s32 $0x10300, s18;
	v7 =	vld.msk [tilespmem:s20+$0x8100 ss:$0x0], $0xffff  }
0x48: {  	s25 =	simm.s32 $0x0;
	v9 =	vmov s24;
	s24 =	simm.s32 $0x0;
	v8 =	vld.msk [tilespmem:s20+$0xC180 ss:$0x0], $0xffff;
	s20 =	simm.s32 $0x0  }
.LBB2_5:
0x49: {  	v10 =	vld [tilespmem:s24+$0x0]  }
0x4a: {  	v11 =	vld [tilespmem:s19+$0x0];
	_ =	sdelay $0x1  }
0x4b: {  	v12 =	vld [tilespmem:s21+$0x0];
	_ =	sdelay $0x2  }
0x4c: {  	v10 =	vmul.f32 v10, v5;
	v11 =	vmul.f32 v11, v6  }
0x4d: {  	v13 =	vld [tilespmem:s22+$0x0]  }
0x4e: {  	v10 =	vadd.f32 v11, v10;
	v11 =	vmul.f32 v12, v7;
	_ =	sdelay $0x1  }
0x4f: {  	v10 =	vadd.f32 v11, v10;
	_ =	sdelay $0x1  }
0x50: {  	v11 =	vadd.f32 v13, v8;
	v10 =	vadd.f32 v10, v10;
	_ =	sdelay $0x1  }
0x51: {  	v10 =	vsub.f32 v11, v10;
	_ =	sdelay $0x1  }
0x52: {  	vm0 =	vle.f32 v10, $3.999999910e-02  }
0x53: {  	v10 =	vmpcnt.ones.xlane vm0;
	_ =	sdelay $0x1  }
0x54: {  	(v2sf) =	vpush v10, $0x0;
	_ =	sdelay $0xe  }
0x55: {  	v10 =	vor.u32 s23, v0;
	s26 =	spop (v2sf)  }
0x56: {  	p0 =	sgt.u32 s25, $0x3FE;
	[tilespmem:v9+s20+$0x0 ss:$0x1] =	vst.idx.msk vm0, v10;
	s20 =	sadd.s32 s20, s26  }
0x57: {  	p1 =	slt.s32 @!p0 s20, $0x20  }
0x58: {  	p0 =	por p0, !p1  }
.Ltmp1:
0x59: {  	_ = 	snop;
	(pc) =	sbr.rel @!p0 .LBB2_5-.Ltmp1, $3  }
0x5a: {  	_ =	sdelay $0x1  }
0x5b: {  	s25 =	sadd.s32 $0x1, s25;
	s24 =	sadd.s32 $0x10, s24;
	s19 =	sadd.s32 $0x10, s19  }
0x5c: {  	s21 =	sadd.s32 $0x10, s21;
	s22 =	sadd.s32 $0x10, s22;
	s23 =	sadd.s32 $0x10, s23  }
0x5d: {  	v5 =	vmov s17  }
0x5e: {  	v5 =	vand.u32 $0x7F, v5  }
0x5f: {  	p0 =	slt.s32 s20, $0x20;
	v5 =	vbroadcast v5, $0x0  }
0x60: {  	v6 =	vld [tilespmem:s18+$0x10300];
	s20 =	simm.s32 @!p0 $0x20  }
0x61: {  	v8 =	vld [tilespmem:s18+$0x10310];
	s31 =	sshll.u32 s17, $0x5;
	s17 =	sadd.s32 $0x1, s17;
	v7 =	vmov s20;
	v9 =	vor.u32 v1, v5  }
0x62: {  	p0 =	sne.s32 s17, $0x80;
	vm0 =	vgt.s32 v7, v0;
	v5 =	vor.u32 v4, v5  }
.Ltmp2:
0x63: {  	s18 =	sand.u32 $0x3FFFFFE0, s31;
	vm1 =	vgt.s32 v7, v2;
	v7 =	vsel vm0, $0x1, v3;
	(pc) =	sbr.rel @p0 .LBB2_4-.Ltmp2, $4  }
0x64: {  	[tilespmem:s18+$0x12300] =	vst v7;
	v7 =	vsel vm1, $0x1, v3  }
0x65: {  	v6 =	vnsel vm0, $0x0, v6;
	[tilespmem:s18+$0x12310] =	vst v7  }
0x66: {  	v7 =	vnsel vm1, $0x0, v8;
	[tilespmem:v9+s14+$0x0] =	vst.idx.msk $0xffff, v6  }
0x67: {  	[tilespmem:v5+s14+$0x0] =	vst.idx.msk $0xffff, v7  }
0x68: {  	s17 =	simm.s32 $0x0  }
0x69: {  	[hbm4b:s7+s17] =	stream.linear.scatter [tilespmem:s15], [sflag:$0x1], $0x1000, $0x38;
	[tilespmem:$0x14300] =	vst v63  }
0x6a: {  	s18 =	sand.u32 $0x3000, s17;
	_ =	swait.ge [sflag:s10], $0x1000  }
0x6b: {  	s19 =	sand.u32 $0x70, s17;
	s18 =	sadd.s32 s18, s8;
	[sflag:s10] =	ssyncset.done $0x0  }
0x6c: {  	s20 =	simm.s32 $0x13300;
	s18 =	sadd.s32 s19, s18;
	[sflag:s10] =	ssyncadd.s32 $0xFFFFF000  }
0x6d: {  	[hbm4b:s18+s5] =	stream.linear.scatter [tilespmem:s20], [sflag:$0x1], $0x80, $0x38;
	[tilespmem:$0x14300] =	vst v63  }
0x6e: {  	s18 =	simm.s32 $0x200  }
.LBB2_8:
0x6f: {  	s19 =	sshra.s32 s18, $0x2;
	p0 =	sne.s32 s18, $0x3E00  }
.Ltmp3:
0x70: {  	_ =	swait.ge [sflag:s10], $0x80;
	s17 =	sadd.s32 $0x10, s17;
	(pc) =	sbr.rel @p0 .LBB2_8-.Ltmp3, $4  }
0x71: {  	s20 =	sand.u32 $0x3000, s18;
	s21 =	sand.u32 $0x70, s17;
	[sflag:s10] =	ssyncset.done $0x0  }
0x72: {  	s20 =	sadd.s32 s20, s8;
	s19 =	sadd.s32 $0x13300, s19;
	[sflag:s10] =	ssyncadd.s32 $0xFFFFFF80  }
0x73: {  	s18 =	sadd.s32 $0x200, s18;
	s20 =	sadd.s32 s21, s20  }
0x74: {  	[hbm4b:s20+s5] =	stream.linear.scatter [tilespmem:s19], [sflag:$0x1], $0x80, $0x38;
	[tilespmem:$0x14300] =	vst v63  }
0x75: {  	s16 =	sadd.s32 $0x1, s16  }
0x76: {  	p0 =	sne.s32 s16, s9  }
.Ltmp4:
0x77: {  	_ = 	snop;
	(pc) =	sbr.rel @p0 .LBB2_1-.Ltmp4, $4  }
0x78: {  	_ = 	snop  }
0x79: {  	_ =	swait.ge [sflag:s10], $0x80  }
0x7a: {  	[sflag:s10] =	ssyncset.done $0x0  }
0x7b: {  	[sflag:s10] =	ssyncadd.s32 $0xFFFFFF80  }
0x7c: {  	_ =	sfence.sel $0x180000  }
0x7d: {  	[bflag:$0x0] =	sbarrier.arrive $0xFFFF  }
0x7e: {  	p0 =	sne.s32 s4, $0x0;
	_ =	strace $0x90000047  }
0x7f: {  	s0 =	sadd.s32 @!p0 $0x100000, s0;
	[bflag:$0x2] =	sbarrier.arrive $0xFFFF  }
0x80: {  	[sflag:s0] =	ssyncadd.tile.s32 @!p0 $0x1;
	_ =	shalt  }
.Lfunc_end2:
_tile_overlayer_lowered:
.L_overlay_start_2:
0x81: {  	(tag) =	ssettag $0x2  }
0x82: {  	s0 =	rddreg [dreg:$0x0];
	s2 =	stileid.u32  }
0x83: {  	s1 =	rddreg [dreg:$0x1];
	p0 =	sne.s32 s2, $0x0  }
0x84: {  	s3 =	rddreg [dreg:$0x2];
	[bflag:$0x3] =	sbarrier.arrive $0xFFFF;
	s2 =	simm.s32 @!p0 $0x1C01  }
0x85: {  	[timem:s3], [sflag:s2] =	dma.local @!p0 [hbm:s0], s1  }
0x86: {  	s0 =	simm.s32 @!p0 $0x1  }
0x87: {  	_ =	swait.ge @!p0 [sflag:s0], s1  }
0x88: {  	s1 =	ssub.s32 @!p0 $0x0, s1;
	[sflag:s0] =	ssyncset.done @!p0 $0x0  }
0x89: {  	[sflag:s0] =	ssyncadd.s32 @!p0 s1  }
0x8a: {  	[bflag:$0x3] =	sbarrier.arrive $0xFFFF  }
0x8b: {  	_ =	shalt  }

</sc_bundles>
